<compile_context>
chip_gen: v7x
topology: tpu7x:2x2x1
jax: 0.10.2.dev20260603
libtpu: 0.0.44.dev20260713+nightly
codegen_flags: <defaults>
</compile_context>

<pallas_src>
import jax
import jax.numpy as jnp
from jax import lax
from jax.experimental import pallas as pl
from jax.experimental.pallas import tpu as pltpu
from jax.experimental.pallas import tpu_sc as plsc

_TABLE_ROWS = 1024
_DIM = 768
_BATCH = 16
_SEQ = 1024
_B_PER_W = _BATCH * _SEQ // 32
_CHUNK = 32
_NCHUNK = _B_PER_W // _CHUNK
_ROWS_PER_TILE = _TABLE_ROWS // 16


def _sc_body(table_hbm, idx_hbm, out_hbm,
             table_sp, idx_v, buf0, buf1,
             rsem0, rsem1, osem0, osem1):
    sid = lax.axis_index("s")
    wid = sid * 2 + lax.axis_index("c")
    row = wid // 2
    col0 = (wid % 2) * _B_PER_W

    pltpu.sync_copy(table_hbm.at[pl.ds(sid * _ROWS_PER_TILE, _ROWS_PER_TILE)],
                    table_sp.at[pl.ds(sid * _ROWS_PER_TILE, _ROWS_PER_TILE)])
    pltpu.sync_copy(idx_hbm.at[row, pl.ds(col0, _B_PER_W)], idx_v)
    plsc.subcore_barrier()

    bufs = (buf0, buf1)
    rsems = (rsem0, rsem1)
    osems = (osem0, osem1)

    def drain_store(b):
        pltpu.make_async_copy(
            out_hbm.at[0, pl.ds(0, _CHUNK)], bufs[b], osems[b]).wait()

    def fill_and_store(t, b):
        c = 2 * t + b
        for g in range(_CHUNK // 16):
            vec = idx_v[pl.ds(c * _CHUNK + g * 16, 16)]
            for j in range(16):
                r = vec[j]
                pltpu.async_copy(
                    table_sp.at[pl.ds(r, 1)],
                    bufs[b].at[pl.ds(g * 16 + j, 1)], rsems[b])
        pltpu.make_async_copy(
            out_hbm.at[0, pl.ds(0, _CHUNK)], bufs[b], rsems[b]).wait()
        pltpu.async_copy(
            bufs[b], out_hbm.at[row, pl.ds(col0 + c * _CHUNK, _CHUNK)],
            osems[b])

    def body(t, carry):
        for b in range(2):
            @pl.when(t >= 1)
            def _():
                drain_store(b)
            fill_and_store(t, b)
        return carry

    lax.fori_loop(0, _NCHUNK // 2, body, 0)
    drain_store(0)
    drain_store(1)


@jax.jit
def _lookup(embeddings, patch_index):
    mesh = plsc.VectorSubcoreMesh(core_axis_name="c", subcore_axis_name="s")
    return pl.kernel(
        _sc_body,
        mesh=mesh,
        out_type=jax.ShapeDtypeStruct((_BATCH, _SEQ, _DIM), jnp.float32),
        scratch_types=(
            [pltpu.VMEM_SHARED((_TABLE_ROWS, _DIM), jnp.float32),
             pltpu.VMEM((_B_PER_W,), jnp.int32),
             pltpu.VMEM((_CHUNK, _DIM), jnp.float32),
             pltpu.VMEM((_CHUNK, _DIM), jnp.float32)]
            + [pltpu.SemaphoreType.DMA] * 4
        ),
    )(embeddings, patch_index)


def kernel(patch_index, embeddings):
    return _lookup(embeddings, patch_index)

# --- scband reference (transcript-rebuilt; emitter-appended) ---
"""Pipeline reference for scband-position-embedding-65481071394852 (READ-ONLY COPY).

The authoritative reference and input builder live on the scoring server;
editing this copy changes nothing except your own understanding.
"""

import math
import jax, jax.numpy as jnp
import numpy as np

PATCH_NUMS = 1024
EMBEDDING_DIM = 768

def _build_table():
    position = jnp.arange(PATCH_NUMS, dtype=jnp.float32)[:, None]
    div = jnp.exp(jnp.arange(0, EMBEDDING_DIM, 2, dtype=jnp.float32) * -(math.log(10000.0) / EMBEDDING_DIM))
    emb = jnp.zeros((PATCH_NUMS, EMBEDDING_DIM), dtype=jnp.float32)
    emb = emb.at[:, 0::2].set(jnp.sin(position * div))
    emb = emb.at[:, 1::2].set(jnp.cos(position * div))
    return emb

def setup_inputs(seed: int = 0) -> dict:
    key = jax.random.key(seed)
    patch_index = jax.random.randint(key, (16, 1024), 0, PATCH_NUMS, dtype=jnp.int32)
    embeddings = _build_table()
    return {"patch_index": patch_index, "embeddings": embeddings}

def reference(patch_index, embeddings):
    # Faithful translation of Position_Embedding.forward: self.embeddings[patch_index]
    return jnp.take(embeddings, patch_index, axis=0)

if __name__ == "__main__":
    import jax
    _d = setup_inputs()
    print(jax.jit(kernel)(*tuple(_d.values())))

</pallas_src>

<mosaic_0001>
#map = affine_map<(d0, d1) -> (0, 0)>
#map1 = affine_map<(d0, d1) -> (0, 0, 0)>
module attributes {stable_mosaic.version = 14 : i64} {
  func.func @_sc_body(%arg0: i32, %arg1: i32, %arg2: memref<1024x768xf32, #tpu.memory_space<hbm>>, %arg3: memref<16x1024xi32, #tpu.memory_space<hbm>>, %arg4: memref<16x1024x768xf32, #tpu.memory_space<hbm>>, %arg5: memref<1024x768xf32, #tpu.memory_space<vmem_shared>>, %arg6: memref<512xi32, #tpu.memory_space<vmem>>, %arg7: memref<32x768xf32, #tpu.memory_space<vmem>>, %arg8: memref<32x768xf32, #tpu.memory_space<vmem>>, %arg9: memref<!tpu.dma_semaphore, #tpu.memory_space<semaphore_mem>>, %arg10: memref<!tpu.dma_semaphore, #tpu.memory_space<semaphore_mem>>, %arg11: memref<!tpu.dma_semaphore, #tpu.memory_space<semaphore_mem>>, %arg12: memref<!tpu.dma_semaphore, #tpu.memory_space<semaphore_mem>>) attributes {dimension_semantics = [#tpu.dimension_semantics<core_parallel>, #tpu.dimension_semantics<subcore_parallel>], iteration_bounds = array<i64: 2, 16>, scalar_prefetch = 0 : i64, scratch_operands = 8 : i64, tpu.core_type = #tpu.core_type<sc_vector_subcore>, window_params = [{transform_indices = #map}, {transform_indices = #map}, {transform_indices = #map1}]} {
    %mul3A = arith.constant 2 : i32
    %mul3A_0 = arith.muli %arg1, %mul3A : i32
    %add3A = arith.addi %mul3A_0, %arg0 : i32
    %jit3A = arith.constant 2 : i32
    %div3A = arith.divsi %add3A, %jit3A : i32
    %sign3A = arith.constant 0 : i32
    %sign3A_1 = arith.cmpi sgt, %add3A, %sign3A : i32
    %sign3A_2 = arith.extui %sign3A_1 : i1 to i32
    %sign3A_3 = arith.constant 0 : i32
    %sign3A_4 = arith.cmpi slt, %add3A, %sign3A_3 : i32
    %sign3A_5 = arith.extui %sign3A_4 : i1 to i32
    %sign3A_6 = arith.subi %sign3A_2, %sign3A_5 : i32
    %sign3A_7 = arith.constant 0 : i32
    %sign3A_8 = arith.cmpi sgt, %jit3A, %sign3A_7 : i32
    %sign3A_9 = arith.extui %sign3A_8 : i1 to i32
    %sign3A_10 = arith.constant 0 : i32
    %sign3A_11 = arith.cmpi slt, %jit3A, %sign3A_10 : i32
    %sign3A_12 = arith.extui %sign3A_11 : i1 to i32
    %sign3A_13 = arith.subi %sign3A_9, %sign3A_12 : i32
    %ne3A = arith.cmpi ne, %sign3A_6, %sign3A_13 : i32
    %rem3A = arith.remsi %add3A, %jit3A : i32
    %ne3A_14 = arith.constant 0 : i32
    %ne3A_15 = arith.cmpi ne, %rem3A, %ne3A_14 : i32
    %and3A = arith.andi %ne3A, %ne3A_15 : i1
    %sub3A = arith.constant 1 : i32
    %sub3A_16 = arith.subi %div3A, %sub3A : i32
    %select_n3A = arith.select %and3A, %sub3A_16, %div3A : i32
    %jit3A_17 = arith.constant 2 : i32
    %eq3A = arith.constant 0 : i32
    %eq3A_18 = arith.cmpi eq, %jit3A_17, %eq3A : i32
    %jit3A_19 = arith.constant 1 : i32
    %select_n3A_20 = arith.select %eq3A_18, %jit3A_19, %jit3A_17 : i32
    %rem3A_21 = arith.remsi %add3A, %select_n3A_20 : i32
    %ne3A_22 = arith.constant 0 : i32
    %ne3A_23 = arith.cmpi ne, %rem3A_21, %ne3A_22 : i32
    %lt3A = arith.constant 0 : i32
    %lt3A_24 = arith.cmpi slt, %rem3A_21, %lt3A : i32
    %lt3A_25 = arith.constant 0 : i32
    %lt3A_26 = arith.cmpi slt, %select_n3A_20, %lt3A_25 : i32
    %ne3A_27 = arith.xori %lt3A_24, %lt3A_26 : i1
    %and3A_28 = arith.andi %ne3A_27, %ne3A_23 : i1
    %add3A_29 = arith.addi %rem3A_21, %select_n3A_20 : i32
    %select_n3A_30 = arith.select %and3A_28, %add3A_29, %rem3A_21 : i32
    %mul3A_31 = arith.constant 512 : i32
    %mul3A_32 = arith.muli %select_n3A_30, %mul3A_31 : i32
    %mul3A_33 = arith.constant 64 : i32
    %mul3A_34 = arith.muli %arg1, %mul3A_33 : i32
    %mul3A_35 = arith.constant 64 : i32
    %mul3A_36 = arith.muli %arg1, %mul3A_35 : i32
    "tpu.region"() ({
      %run_scoped3A = tpu.sem_alloc : memref<!tpu.dma_semaphore, #tpu.memory_space<semaphore_mem>>
      %dma_start3A = arith.constant 0 : i32
      %dma_start3A_59 = tpu.memref_slice %arg5[%mul3A_36, %dma_start3A] : memref<1024x768xf32, #tpu.memory_space<vmem_shared>> -> memref<64x768xf32, #tpu.memory_space<vmem_shared>>
      %dma_start3A_60 = arith.constant 0 : i32
      %dma_start3A_61 = tpu.memref_slice %arg2[%mul3A_34, %dma_start3A_60] : memref<1024x768xf32, #tpu.memory_space<hbm>> -> memref<64x768xf32, #tpu.memory_space<hbm>>
      tpu.enqueue_dma source(%dma_start3A_61 : memref<64x768xf32, #tpu.memory_space<hbm>>) target(%dma_start3A_59 : memref<64x768xf32, #tpu.memory_space<vmem_shared>>) target_semaphore(%run_scoped3A : memref<!tpu.dma_semaphore, #tpu.memory_space<semaphore_mem>>)
      %dma_wait3A_62 = arith.constant 0 : i32
      %dma_wait3A_63 = tpu.memref_slice %arg5[%mul3A_36, %dma_wait3A_62] : memref<1024x768xf32, #tpu.memory_space<vmem_shared>> -> memref<64x768xf32, #tpu.memory_space<vmem_shared>>
      %dma_wait3A_64 = arith.constant 0 : i32
      %dma_wait3A_65 = tpu.memref_slice %arg2[%mul3A_34, %dma_wait3A_64] : memref<1024x768xf32, #tpu.memory_space<hbm>> -> memref<64x768xf32, #tpu.memory_space<hbm>>
      tpu.wait_dma2 semaphore(%run_scoped3A : memref<!tpu.dma_semaphore, #tpu.memory_space<semaphore_mem>>) src(%dma_wait3A_65 : memref<64x768xf32, #tpu.memory_space<hbm>>) dst(%dma_wait3A_63 : memref<64x768xf32, #tpu.memory_space<vmem_shared>>)
      tpu.yield
    }) : () -> ()
    "tpu.region"() ({
      %run_scoped3A = tpu.sem_alloc : memref<!tpu.dma_semaphore, #tpu.memory_space<semaphore_mem>>
      %dma_start3A = tpu.memref_slice %arg3[%select_n3A, %mul3A_32] : memref<16x1024xi32, #tpu.memory_space<hbm>> -> memref<1x512xi32, #tpu.memory_space<hbm>>
      %dma_start3A_59 = tpu.memref_squeeze %dma_start3A : memref<1x512xi32, #tpu.memory_space<hbm>> -> memref<512xi32, #tpu.memory_space<hbm>>
      %dma_start3A_60 = tpu.memref_slice %arg3[%select_n3A, %mul3A_32] : memref<16x1024xi32, #tpu.memory_space<hbm>> -> memref<1x512xi32, #tpu.memory_space<hbm>>
      %dma_start3A_61 = tpu.memref_squeeze %dma_start3A_60 : memref<1x512xi32, #tpu.memory_space<hbm>> -> memref<512xi32, #tpu.memory_space<hbm>>
      tpu.enqueue_dma source(%dma_start3A_61 : memref<512xi32, #tpu.memory_space<hbm>>) target(%arg6 : memref<512xi32, #tpu.memory_space<vmem>>) target_semaphore(%run_scoped3A : memref<!tpu.dma_semaphore, #tpu.memory_space<semaphore_mem>>)
      %dma_wait3A_62 = tpu.memref_slice %arg3[%select_n3A, %mul3A_32] : memref<16x1024xi32, #tpu.memory_space<hbm>> -> memref<1x512xi32, #tpu.memory_space<hbm>>
      %dma_wait3A_63 = tpu.memref_squeeze %dma_wait3A_62 : memref<1x512xi32, #tpu.memory_space<hbm>> -> memref<512xi32, #tpu.memory_space<hbm>>
      %dma_wait3A_64 = tpu.memref_slice %arg3[%select_n3A, %mul3A_32] : memref<16x1024xi32, #tpu.memory_space<hbm>> -> memref<1x512xi32, #tpu.memory_space<hbm>>
      %dma_wait3A_65 = tpu.memref_squeeze %dma_wait3A_64 : memref<1x512xi32, #tpu.memory_space<hbm>> -> memref<512xi32, #tpu.memory_space<hbm>>
      tpu.wait_dma2 semaphore(%run_scoped3A : memref<!tpu.dma_semaphore, #tpu.memory_space<semaphore_mem>>) src(%dma_wait3A_65 : memref<512xi32, #tpu.memory_space<hbm>>) dst(%arg6 : memref<512xi32, #tpu.memory_space<vmem>>)
      tpu.yield
    }) : () -> ()
    %barrier3A = arith.constant 0 : index
    tpu.barrier barrier_id(%barrier3A)
    %scan3A = arith.constant 0 : i32
    %scan3A_37 = arith.constant 0 : i32
    %scan3A_38 = arith.constant 8 : i32
    %scan3A_39 = arith.addi %scan3A_37, %scan3A_38 : i32
    %scan3A_40 = arith.constant 1 : i32
    scf.for %scan3A_59 = %scan3A_37 to %scan3A_39 step %scan3A_40  : i32 {
      %ge3A = arith.constant 1 : i32
      %ge3A_60 = arith.cmpi sge, %scan3A_59, %ge3A : i32
      %convert_element_type3A = arith.extui %ge3A_60 : i1 to i32
      %cond3A = arith.constant 0 : i32
      %cond3A_61 = arith.cmpi ne, %convert_element_type3A, %cond3A : i32
      scf.if %cond3A_61 {
        %dma_wait3A_903 = arith.constant 0 : i32
        %dma_wait3A_904 = arith.constant 0 : i32
        %dma_wait3A_905 = arith.constant 0 : i32
        %dma_wait3A_906 = tpu.memref_slice %arg4[%dma_wait3A_903, %dma_wait3A_904, %dma_wait3A_905] : memref<16x1024x768xf32, #tpu.memory_space<hbm>> -> memref<1x32x768xf32, #tpu.memory_space<hbm>>
        %dma_wait3A_907 = tpu.memref_squeeze %dma_wait3A_906 : memref<1x32x768xf32, #tpu.memory_space<hbm>> -> memref<32x768xf32, #tpu.memory_space<hbm>>
        %dma_wait3A_908 = arith.constant 0 : i32
        %dma_wait3A_909 = arith.constant 0 : i32
        %dma_wait3A_910 = tpu.memref_slice %arg4[%dma_wait3A_903, %dma_wait3A_908, %dma_wait3A_909] : memref<16x1024x768xf32, #tpu.memory_space<hbm>> -> memref<1x32x768xf32, #tpu.memory_space<hbm>>
        %dma_wait3A_911 = tpu.memref_squeeze %dma_wait3A_910 : memref<1x32x768xf32, #tpu.memory_space<hbm>> -> memref<32x768xf32, #tpu.memory_space<hbm>>
        tpu.wait_dma2 semaphore(%arg11 : memref<!tpu.dma_semaphore, #tpu.memory_space<semaphore_mem>>) src(%dma_wait3A_911 : memref<32x768xf32, #tpu.memory_space<hbm>>) dst(%arg7 : memref<32x768xf32, #tpu.memory_space<vmem>>)
      } else {
      }
      %mul3A_62 = arith.constant 2 : i32
      %mul3A_63 = arith.muli %mul3A_62, %scan3A_59 : i32
      %add3A_64 = arith.constant 0 : i32
      %add3A_65 = arith.addi %mul3A_63, %add3A_64 : i32
      %mul3A_66 = arith.constant 32 : i32
      %mul3A_67 = arith.muli %add3A_65, %mul3A_66 : i32
      %add3A_68 = arith.constant 0 : i32
      %add3A_69 = arith.addi %mul3A_67, %add3A_68 : i32
      %get3A = arith.index_cast %add3A_69 : i32 to index
      %get3A_70 = tpu.vector_load %arg6[%get3A] {strides = array<i32>} : memref<512xi32, #tpu.memory_space<vmem>>, vector<16xi32>,
      %get3A_71 = vector.shape_cast %get3A_70 : vector<16xi32> to vector<16xi32>
      %slice3A = vector.extract_strided_slice %get3A_71 {offsets = [0], sizes = [1], strides = [1]} : vector<16xi32> to vector<1xi32>
      %squeeze3A = vector.extract %slice3A[0] : i32 from vector<1xi32>
      %dma_start3A = arith.constant 0 : i32
      %dma_start3A_72 = arith.constant 0 : i32
      %dma_start3A_73 = tpu.memref_slice %arg7[%dma_start3A, %dma_start3A_72] : memref<32x768xf32, #tpu.memory_space<vmem>> -> memref<1x768xf32, #tpu.memory_space<vmem>>
      %dma_start3A_74 = arith.constant 0 : i32
      %dma_start3A_75 = tpu.memref_slice %arg5[%squeeze3A, %dma_start3A_74] : memref<1024x768xf32, #tpu.memory_space<vmem_shared>> -> memref<1x768xf32, #tpu.memory_space<vmem_shared>>
      %dma_start3A_76 = arith.constant 0 : i32
      %dma_start3A_77 = arith.constant 0 : i32
      %dma_start3A_78 = tpu.memref_slice %arg7[%dma_start3A_76, %dma_start3A_77] : memref<32x768xf32, #tpu.memory_space<vmem>> -> memref<1x768xf32, #tpu.memory_space<vmem>>
      %dma_start3A_79 = arith.constant 0 : i32
      %dma_start3A_80 = tpu.memref_slice %arg5[%squeeze3A, %dma_start3A_79] : memref<1024x768xf32, #tpu.memory_space<vmem_shared>> -> memref<1x768xf32, #tpu.memory_space<vmem_shared>>
      tpu.enqueue_dma source(%dma_start3A_80 : memref<1x768xf32, #tpu.memory_space<vmem_shared>>) target(%dma_start3A_78 : memref<1x768xf32, #tpu.memory_space<vmem>>) target_semaphore(%arg9 : memref<!tpu.dma_semaphore, #tpu.memory_space<semaphore_mem>>)
      %slice3A_81 = vector.extract_strided_slice %get3A_71 {offsets = [1], sizes = [1], strides = [1]} : vector<16xi32> to vector<1xi32>
      %squeeze3A_82 = vector.extract %slice3A_81[0] : i32 from vector<1xi32>
      %dma_start3A_83 = arith.constant 1 : i32
      %dma_start3A_84 = arith.constant 0 : i32
      %dma_start3A_85 = tpu.memref_slice %arg7[%dma_start3A_83, %dma_start3A_84] : memref<32x768xf32, #tpu.memory_space<vmem>> -> memref<1x768xf32, #tpu.memory_space<vmem>>
      %dma_start3A_86 = arith.constant 0 : i32
      %dma_start3A_87 = tpu.memref_slice %arg5[%squeeze3A_82, %dma_start3A_86] : memref<1024x768xf32, #tpu.memory_space<vmem_shared>> -> memref<1x768xf32, #tpu.memory_space<vmem_shared>>
      %dma_start3A_88 = arith.constant 1 : i32
      %dma_start3A_89 = arith.constant 0 : i32
      %dma_start3A_90 = tpu.memref_slice %arg7[%dma_start3A_88, %dma_start3A_89] : memref<32x768xf32, #tpu.memory_space<vmem>> -> memref<1x768xf32, #tpu.memory_space<vmem>>
      %dma_start3A_91 = arith.constant 0 : i32
      %dma_start3A_92 = tpu.memref_slice %arg5[%squeeze3A_82, %dma_start3A_91] : memref<1024x768xf32, #tpu.memory_space<vmem_shared>> -> memref<1x768xf32, #tpu.memory_space<vmem_shared>>
      tpu.enqueue_dma source(%dma_start3A_92 : memref<1x768xf32, #tpu.memory_space<vmem_shared>>) target(%dma_start3A_90 : memref<1x768xf32, #tpu.memory_space<vmem>>) target_semaphore(%arg9 : memref<!tpu.dma_semaphore, #tpu.memory_space<semaphore_mem>>)
      %slice3A_93 = vector.extract_strided_slice %get3A_71 {offsets = [2], sizes = [1], strides = [1]} : vector<16xi32> to vector<1xi32>
      %squeeze3A_94 = vector.extract %slice3A_93[0] : i32 from vector<1xi32>
      %dma_start3A_95 = arith.constant 2 : i32
      %dma_start3A_96 = arith.constant 0 : i32
      %dma_start3A_97 = tpu.memref_slice %arg7[%dma_start3A_95, %dma_start3A_96] : memref<32x768xf32, #tpu.memory_space<vmem>> -> memref<1x768xf32, #tpu.memory_space<vmem>>
      %dma_start3A_98 = arith.constant 0 : i32
      %dma_start3A_99 = tpu.memref_slice %arg5[%squeeze3A_94, %dma_start3A_98] : memref<1024x768xf32, #tpu.memory_space<vmem_shared>> -> memref<1x768xf32, #tpu.memory_space<vmem_shared>>
      %dma_start3A_100 = arith.constant 2 : i32
      %dma_start3A_101 = arith.constant 0 : i32
      %dma_start3A_102 = tpu.memref_slice %arg7[%dma_start3A_100, %dma_start3A_101] : memref<32x768xf32, #tpu.memory_space<vmem>> -> memref<1x768xf32, #tpu.memory_space<vmem>>
      %dma_start3A_103 = arith.constant 0 : i32
      %dma_start3A_104 = tpu.memref_slice %arg5[%squeeze3A_94, %dma_start3A_103] : memref<1024x768xf32, #tpu.memory_space<vmem_shared>> -> memref<1x768xf32, #tpu.memory_space<vmem_shared>>
      tpu.enqueue_dma source(%dma_start3A_104 : memref<1x768xf32, #tpu.memory_space<vmem_shared>>) target(%dma_start3A_102 : memref<1x768xf32, #tpu.memory_space<vmem>>) target_semaphore(%arg9 : memref<!tpu.dma_semaphore, #tpu.memory_space<semaphore_mem>>)
      %slice3A_105 = vector.extract_strided_slice %get3A_71 {offsets = [3], sizes = [1], strides = [1]} : vector<16xi32> to vector<1xi32>
      %squeeze3A_106 = vector.extract %slice3A_105[0] : i32 from vector<1xi32>
      %dma_start3A_107 = arith.constant 3 : i32
      %dma_start3A_108 = arith.constant 0 : i32
      %dma_start3A_109 = tpu.memref_slice %arg7[%dma_start3A_107, %dma_start3A_108] : memref<32x768xf32, #tpu.memory_space<vmem>> -> memref<1x768xf32, #tpu.memory_space<vmem>>
      %dma_start3A_110 = arith.constant 0 : i32
      %dma_start3A_111 = tpu.memref_slice %arg5[%squeeze3A_106, %dma_start3A_110] : memref<1024x768xf32, #tpu.memory_space<vmem_shared>> -> memref<1x768xf32, #tpu.memory_space<vmem_shared>>
      %dma_start3A_112 = arith.constant 3 : i32
      %dma_start3A_113 = arith.constant 0 : i32
      %dma_start3A_114 = tpu.memref_slice %arg7[%dma_start3A_112, %dma_start3A_113] : memref<32x768xf32, #tpu.memory_space<vmem>> -> memref<1x768xf32, #tpu.memory_space<vmem>>
      %dma_start3A_115 = arith.constant 0 : i32
      %dma_start3A_116 = tpu.memref_slice %arg5[%squeeze3A_106, %dma_start3A_115] : memref<1024x768xf32, #tpu.memory_space<vmem_shared>> -> memref<1x768xf32, #tpu.memory_space<vmem_shared>>
      tpu.enqueue_dma source(%dma_start3A_116 : memref<1x768xf32, #tpu.memory_space<vmem_shared>>) target(%dma_start3A_114 : memref<1x768xf32, #tpu.memory_space<vmem>>) target_semaphore(%arg9 : memref<!tpu.dma_semaphore, #tpu.memory_space<semaphore_mem>>)
      %slice3A_117 = vector.extract_strided_slice %get3A_71 {offsets = [4], sizes = [1], strides = [1]} : vector<16xi32> to vector<1xi32>
      %squeeze3A_118 = vector.extract %slice3A_117[0] : i32 from vector<1xi32>
      %dma_start3A_119 = arith.constant 4 : i32
      %dma_start3A_120 = arith.constant 0 : i32
      %dma_start3A_121 = tpu.memref_slice %arg7[%dma_start3A_119, %dma_start3A_120] : memref<32x768xf32, #tpu.memory_space<vmem>> -> memref<1x768xf32, #tpu.memory_space<vmem>>
      %dma_start3A_122 = arith.constant 0 : i32
      %dma_start3A_123 = tpu.memref_slice %arg5[%squeeze3A_118, %dma_start3A_122] : memref<1024x768xf32, #tpu.memory_space<vmem_shared>> -> memref<1x768xf32, #tpu.memory_space<vmem_shared>>
      %dma_start3A_124 = arith.constant 4 : i32
      %dma_start3A_125 = arith.constant 0 : i32
      %dma_start3A_126 = tpu.memref_slice %arg7[%dma_start3A_124, %dma_start3A_125] : memref<32x768xf32, #tpu.memory_space<vmem>> -> memref<1x768xf32, #tpu.memory_space<vmem>>
      %dma_start3A_127 = arith.constant 0 : i32
      %dma_start3A_128 = tpu.memref_slice %arg5[%squeeze3A_118, %dma_start3A_127] : memref<1024x768xf32, #tpu.memory_space<vmem_shared>> -> memref<1x768xf32, #tpu.memory_space<vmem_shared>>
      tpu.enqueue_dma source(%dma_start3A_128 : memref<1x768xf32, #tpu.memory_space<vmem_shared>>) target(%dma_start3A_126 : memref<1x768xf32, #tpu.memory_space<vmem>>) target_semaphore(%arg9 : memref<!tpu.dma_semaphore, #tpu.memory_space<semaphore_mem>>)
      %slice3A_129 = vector.extract_strided_slice %get3A_71 {offsets = [5], sizes = [1], strides = [1]} : vector<16xi32> to vector<1xi32>
      %squeeze3A_130 = vector.extract %slice3A_129[0] : i32 from vector<1xi32>
      %dma_start3A_131 = arith.constant 5 : i32
      %dma_start3A_132 = arith.constant 0 : i32
      %dma_start3A_133 = tpu.memref_slice %arg7[%dma_start3A_131, %dma_start3A_132] : memref<32x768xf32, #tpu.memory_space<vmem>> -> memref<1x768xf32, #tpu.memory_space<vmem>>
      %dma_start3A_134 = arith.constant 0 : i32
      %dma_start3A_135 = tpu.memref_slice %arg5[%squeeze3A_130, %dma_start3A_134] : memref<1024x768xf32, #tpu.memory_space<vmem_shared>> -> memref<1x768xf32, #tpu.memory_space<vmem_shared>>
      %dma_start3A_136 = arith.constant 5 : i32
      %dma_start3A_137 = arith.constant 0 : i32
      %dma_start3A_138 = tpu.memref_slice %arg7[%dma_start3A_136, %dma_start3A_137] : memref<32x768xf32, #tpu.memory_space<vmem>> -> memref<1x768xf32, #tpu.memory_space<vmem>>
      %dma_start3A_139 = arith.constant 0 : i32
      %dma_start3A_140 = tpu.memref_slice %arg5[%squeeze3A_130, %dma_start3A_139] : memref<1024x768xf32, #tpu.memory_space<vmem_shared>> -> memref<1x768xf32, #tpu.memory_space<vmem_shared>>
      tpu.enqueue_dma source(%dma_start3A_140 : memref<1x768xf32, #tpu.memory_space<vmem_shared>>) target(%dma_start3A_138 : memref<1x768xf32, #tpu.memory_space<vmem>>) target_semaphore(%arg9 : memref<!tpu.dma_semaphore, #tpu.memory_space<semaphore_mem>>)
      %slice3A_141 = vector.extract_strided_slice %get3A_71 {offsets = [6], sizes = [1], strides = [1]} : vector<16xi32> to vector<1xi32>
      %squeeze3A_142 = vector.extract %slice3A_141[0] : i32 from vector<1xi32>
      %dma_start3A_143 = arith.constant 6 : i32
      %dma_start3A_144 = arith.constant 0 : i32
      %dma_start3A_145 = tpu.memref_slice %arg7[%dma_start3A_143, %dma_start3A_144] : memref<32x768xf32, #tpu.memory_space<vmem>> -> memref<1x768xf32, #tpu.memory_space<vmem>>
      %dma_start3A_146 = arith.constant 0 : i32
      %dma_start3A_147 = tpu.memref_slice %arg5[%squeeze3A_142, %dma_start3A_146] : memref<1024x768xf32, #tpu.memory_space<vmem_shared>> -> memref<1x768xf32, #tpu.memory_space<vmem_shared>>
      %dma_start3A_148 = arith.constant 6 : i32
      %dma_start3A_149 = arith.constant 0 : i32
      %dma_start3A_150 = tpu.memref_slice %arg7[%dma_start3A_148, %dma_start3A_149] : memref<32x768xf32, #tpu.memory_space<vmem>> -> memref<1x768xf32, #tpu.memory_space<vmem>>
      %dma_start3A_151 = arith.constant 0 : i32
      %dma_start3A_152 = tpu.memref_slice %arg5[%squeeze3A_142, %dma_start3A_151] : memref<1024x768xf32, #tpu.memory_space<vmem_shared>> -> memref<1x768xf32, #tpu.memory_space<vmem_shared>>
      tpu.enqueue_dma source(%dma_start3A_152 : memref<1x768xf32, #tpu.memory_space<vmem_shared>>) target(%dma_start3A_150 : memref<1x768xf32, #tpu.memory_space<vmem>>) target_semaphore(%arg9 : memref<!tpu.dma_semaphore, #tpu.memory_space<semaphore_mem>>)
      %slice3A_153 = vector.extract_strided_slice %get3A_71 {offsets = [7], sizes = [1], strides = [1]} : vector<16xi32> to vector<1xi32>
      %squeeze3A_154 = vector.extract %slice3A_153[0] : i32 from vector<1xi32>
      %dma_start3A_155 = arith.constant 7 : i32
      %dma_start3A_156 = arith.constant 0 : i32
      %dma_start3A_157 = tpu.memref_slice %arg7[%dma_start3A_155, %dma_start3A_156] : memref<32x768xf32, #tpu.memory_space<vmem>> -> memref<1x768xf32, #tpu.memory_space<vmem>>
      %dma_start3A_158 = arith.constant 0 : i32
      %dma_start3A_159 = tpu.memref_slice %arg5[%squeeze3A_154, %dma_start3A_158] : memref<1024x768xf32, #tpu.memory_space<vmem_shared>> -> memref<1x768xf32, #tpu.memory_space<vmem_shared>>
      %dma_start3A_160 = arith.constant 7 : i32
      %dma_start3A_161 = arith.constant 0 : i32
      %dma_start3A_162 = tpu.memref_slice %arg7[%dma_start3A_160, %dma_start3A_161] : memref<32x768xf32, #tpu.memory_space<vmem>> -> memref<1x768xf32, #tpu.memory_space<vmem>>
      %dma_start3A_163 = arith.constant 0 : i32
      %dma_start3A_164 = tpu.memref_slice %arg5[%squeeze3A_154, %dma_start3A_163] : memref<1024x768xf32, #tpu.memory_space<vmem_shared>> -> memref<1x768xf32, #tpu.memory_space<vmem_shared>>
      tpu.enqueue_dma source(%dma_start3A_164 : memref<1x768xf32, #tpu.memory_space<vmem_shared>>) target(%dma_start3A_162 : memref<1x768xf32, #tpu.memory_space<vmem>>) target_semaphore(%arg9 : memref<!tpu.dma_semaphore, #tpu.memory_space<semaphore_mem>>)
      %slice3A_165 = vector.extract_strided_slice %get3A_71 {offsets = [8], sizes = [1], strides = [1]} : vector<16xi32> to vector<1xi32>
      %squeeze3A_166 = vector.extract %slice3A_165[0] : i32 from vector<1xi32>
      %dma_start3A_167 = arith.constant 8 : i32
      %dma_start3A_168 = arith.constant 0 : i32
      %dma_start3A_169 = tpu.memref_slice %arg7[%dma_start3A_167, %dma_start3A_168] : memref<32x768xf32, #tpu.memory_space<vmem>> -> memref<1x768xf32, #tpu.memory_space<vmem>>
      %dma_start3A_170 = arith.constant 0 : i32
      %dma_start3A_171 = tpu.memref_slice %arg5[%squeeze3A_166, %dma_start3A_170] : memref<1024x768xf32, #tpu.memory_space<vmem_shared>> -> memref<1x768xf32, #tpu.memory_space<vmem_shared>>
      %dma_start3A_172 = arith.constant 8 : i32
      %dma_start3A_173 = arith.constant 0 : i32
      %dma_start3A_174 = tpu.memref_slice %arg7[%dma_start3A_172, %dma_start3A_173] : memref<32x768xf32, #tpu.memory_space<vmem>> -> memref<1x768xf32, #tpu.memory_space<vmem>>
      %dma_start3A_175 = arith.constant 0 : i32
      %dma_start3A_176 = tpu.memref_slice %arg5[%squeeze3A_166, %dma_start3A_175] : memref<1024x768xf32, #tpu.memory_space<vmem_shared>> -> memref<1x768xf32, #tpu.memory_space<vmem_shared>>
      tpu.enqueue_dma source(%dma_start3A_176 : memref<1x768xf32, #tpu.memory_space<vmem_shared>>) target(%dma_start3A_174 : memref<1x768xf32, #tpu.memory_space<vmem>>) target_semaphore(%arg9 : memref<!tpu.dma_semaphore, #tpu.memory_space<semaphore_mem>>)
      %slice3A_177 = vector.extract_strided_slice %get3A_71 {offsets = [9], sizes = [1], strides = [1]} : vector<16xi32> to vector<1xi32>
      %squeeze3A_178 = vector.extract %slice3A_177[0] : i32 from vector<1xi32>
      %dma_start3A_179 = arith.constant 9 : i32
      %dma_start3A_180 = arith.constant 0 : i32
      %dma_start3A_181 = tpu.memref_slice %arg7[%dma_start3A_179, %dma_start3A_180] : memref<32x768xf32, #tpu.memory_space<vmem>> -> memref<1x768xf32, #tpu.memory_space<vmem>>
      %dma_start3A_182 = arith.constant 0 : i32
      %dma_start3A_183 = tpu.memref_slice %arg5[%squeeze3A_178, %dma_start3A_182] : memref<1024x768xf32, #tpu.memory_space<vmem_shared>> -> memref<1x768xf32, #tpu.memory_space<vmem_shared>>
      %dma_start3A_184 = arith.constant 9 : i32
      %dma_start3A_185 = arith.constant 0 : i32
      %dma_start3A_186 = tpu.memref_slice %arg7[%dma_start3A_184, %dma_start3A_185] : memref<32x768xf32, #tpu.memory_space<vmem>> -> memref<1x768xf32, #tpu.memory_space<vmem>>
      %dma_start3A_187 = arith.constant 0 : i32
      %dma_start3A_188 = tpu.memref_slice %arg5[%squeeze3A_178, %dma_start3A_187] : memref<1024x768xf32, #tpu.memory_space<vmem_shared>> -> memref<1x768xf32, #tpu.memory_space<vmem_shared>>
      tpu.enqueue_dma source(%dma_start3A_188 : memref<1x768xf32, #tpu.memory_space<vmem_shared>>) target(%dma_start3A_186 : memref<1x768xf32, #tpu.memory_space<vmem>>) target_semaphore(%arg9 : memref<!tpu.dma_semaphore, #tpu.memory_space<semaphore_mem>>)
      %slice3A_189 = vector.extract_strided_slice %get3A_71 {offsets = [10], sizes = [1], strides = [1]} : vector<16xi32> to vector<1xi32>
      %squeeze3A_190 = vector.extract %slice3A_189[0] : i32 from vector<1xi32>
      %dma_start3A_191 = arith.constant 10 : i32
      %dma_start3A_192 = arith.constant 0 : i32
      %dma_start3A_193 = tpu.memref_slice %arg7[%dma_start3A_191, %dma_start3A_192] : memref<32x768xf32, #tpu.memory_space<vmem>> -> memref<1x768xf32, #tpu.memory_space<vmem>>
      %dma_start3A_194 = arith.constant 0 : i32
      %dma_start3A_195 = tpu.memref_slice %arg5[%squeeze3A_190, %dma_start3A_194] : memref<1024x768xf32, #tpu.memory_space<vmem_shared>> -> memref<1x768xf32, #tpu.memory_space<vmem_shared>>
      %dma_start3A_196 = arith.constant 10 : i32
      %dma_start3A_197 = arith.constant 0 : i32
      %dma_start3A_198 = tpu.memref_slice %arg7[%dma_start3A_196, %dma_start3A_197] : memref<32x768xf32, #tpu.memory_space<vmem>> -> memref<1x768xf32, #tpu.memory_space<vmem>>
      %dma_start3A_199 = arith.constant 0 : i32
      %dma_start3A_200 = tpu.memref_slice %arg5[%squeeze3A_190, %dma_start3A_199] : memref<1024x768xf32, #tpu.memory_space<vmem_shared>> -> memref<1x768xf32, #tpu.memory_space<vmem_shared>>
      tpu.enqueue_dma source(%dma_start3A_200 : memref<1x768xf32, #tpu.memory_space<vmem_shared>>) target(%dma_start3A_198 : memref<1x768xf32, #tpu.memory_space<vmem>>) target_semaphore(%arg9 : memref<!tpu.dma_semaphore, #tpu.memory_space<semaphore_mem>>)
      %slice3A_201 = vector.extract_strided_slice %get3A_71 {offsets = [11], sizes = [1], strides = [1]} : vector<16xi32> to vector<1xi32>
      %squeeze3A_202 = vector.extract %slice3A_201[0] : i32 from vector<1xi32>
      %dma_start3A_203 = arith.constant 11 : i32
      %dma_start3A_204 = arith.constant 0 : i32
      %dma_start3A_205 = tpu.memref_slice %arg7[%dma_start3A_203, %dma_start3A_204] : memref<32x768xf32, #tpu.memory_space<vmem>> -> memref<1x768xf32, #tpu.memory_space<vmem>>
      %dma_start3A_206 = arith.constant 0 : i32
      %dma_start3A_207 = tpu.memref_slice %arg5[%squeeze3A_202, %dma_start3A_206] : memref<1024x768xf32, #tpu.memory_space<vmem_shared>> -> memref<1x768xf32, #tpu.memory_space<vmem_shared>>
      %dma_start3A_208 = arith.constant 11 : i32
      %dma_start3A_209 = arith.constant 0 : i32
      %dma_start3A_210 = tpu.memref_slice %arg7[%dma_start3A_208, %dma_start3A_209] : memref<32x768xf32, #tpu.memory_space<vmem>> -> memref<1x768xf32, #tpu.memory_space<vmem>>
      %dma_start3A_211 = arith.constant 0 : i32
      %dma_start3A_212 = tpu.memref_slice %arg5[%squeeze3A_202, %dma_start3A_211] : memref<1024x768xf32, #tpu.memory_space<vmem_shared>> -> memref<1x768xf32, #tpu.memory_space<vmem_shared>>
      tpu.enqueue_dma source(%dma_start3A_212 : memref<1x768xf32, #tpu.memory_space<vmem_shared>>) target(%dma_start3A_210 : memref<1x768xf32, #tpu.memory_space<vmem>>) target_semaphore(%arg9 : memref<!tpu.dma_semaphore, #tpu.memory_space<semaphore_mem>>)
      %slice3A_213 = vector.extract_strided_slice %get3A_71 {offsets = [12], sizes = [1], strides = [1]} : vector<16xi32> to vector<1xi32>
      %squeeze3A_214 = vector.extract %slice3A_213[0] : i32 from vector<1xi32>
      %dma_start3A_215 = arith.constant 12 : i32
      %dma_start3A_216 = arith.constant 0 : i32
      %dma_start3A_217 = tpu.memref_slice %arg7[%dma_start3A_215, %dma_start3A_216] : memref<32x768xf32, #tpu.memory_space<vmem>> -> memref<1x768xf32, #tpu.memory_space<vmem>>
      %dma_start3A_218 = arith.constant 0 : i32
      %dma_start3A_219 = tpu.memref_slice %arg5[%squeeze3A_214, %dma_start3A_218] : memref<1024x768xf32, #tpu.memory_space<vmem_shared>> -> memref<1x768xf32, #tpu.memory_space<vmem_shared>>
      %dma_start3A_220 = arith.constant 12 : i32
      %dma_start3A_221 = arith.constant 0 : i32
      %dma_start3A_222 = tpu.memref_slice %arg7[%dma_start3A_220, %dma_start3A_221] : memref<32x768xf32, #tpu.memory_space<vmem>> -> memref<1x768xf32, #tpu.memory_space<vmem>>
      %dma_start3A_223 = arith.constant 0 : i32
      %dma_start3A_224 = tpu.memref_slice %arg5[%squeeze3A_214, %dma_start3A_223] : memref<1024x768xf32, #tpu.memory_space<vmem_shared>> -> memref<1x768xf32, #tpu.memory_space<vmem_shared>>
      tpu.enqueue_dma source(%dma_start3A_224 : memref<1x768xf32, #tpu.memory_space<vmem_shared>>) target(%dma_start3A_222 : memref<1x768xf32, #tpu.memory_space<vmem>>) target_semaphore(%arg9 : memref<!tpu.dma_semaphore, #tpu.memory_space<semaphore_mem>>)
      %slice3A_225 = vector.extract_strided_slice %get3A_71 {offsets = [13], sizes = [1], strides = [1]} : vector<16xi32> to vector<1xi32>
      %squeeze3A_226 = vector.extract %slice3A_225[0] : i32 from vector<1xi32>
      %dma_start3A_227 = arith.constant 13 : i32
      %dma_start3A_228 = arith.constant 0 : i32
      %dma_start3A_229 = tpu.memref_slice %arg7[%dma_start3A_227, %dma_start3A_228] : memref<32x768xf32, #tpu.memory_space<vmem>> -> memref<1x768xf32, #tpu.memory_space<vmem>>
      %dma_start3A_230 = arith.constant 0 : i32
      %dma_start3A_231 = tpu.memref_slice %arg5[%squeeze3A_226, %dma_start3A_230] : memref<1024x768xf32, #tpu.memory_space<vmem_shared>> -> memref<1x768xf32, #tpu.memory_space<vmem_shared>>
      %dma_start3A_232 = arith.constant 13 : i32
      %dma_start3A_233 = arith.constant 0 : i32
      %dma_start3A_234 = tpu.memref_slice %arg7[%dma_start3A_232, %dma_start3A_233] : memref<32x768xf32, #tpu.memory_space<vmem>> -> memref<1x768xf32, #tpu.memory_space<vmem>>
      %dma_start3A_235 = arith.constant 0 : i32
      %dma_start3A_236 = tpu.memref_slice %arg5[%squeeze3A_226, %dma_start3A_235] : memref<1024x768xf32, #tpu.memory_space<vmem_shared>> -> memref<1x768xf32, #tpu.memory_space<vmem_shared>>
      tpu.enqueue_dma source(%dma_start3A_236 : memref<1x768xf32, #tpu.memory_space<vmem_shared>>) target(%dma_start3A_234 : memref<1x768xf32, #tpu.memory_space<vmem>>) target_semaphore(%arg9 : memref<!tpu.dma_semaphore, #tpu.memory_space<semaphore_mem>>)
      %slice3A_237 = vector.extract_strided_slice %get3A_71 {offsets = [14], sizes = [1], strides = [1]} : vector<16xi32> to vector<1xi32>
      %squeeze3A_238 = vector.extract %slice3A_237[0] : i32 from vector<1xi32>
      %dma_start3A_239 = arith.constant 14 : i32
      %dma_start3A_240 = arith.constant 0 : i32
      %dma_start3A_241 = tpu.memref_slice %arg7[%dma_start3A_239, %dma_start3A_240] : memref<32x768xf32, #tpu.memory_space<vmem>> -> memref<1x768xf32, #tpu.memory_space<vmem>>
      %dma_start3A_242 = arith.constant 0 : i32
      %dma_start3A_243 = tpu.memref_slice %arg5[%squeeze3A_238, %dma_start3A_242] : memref<1024x768xf32, #tpu.memory_space<vmem_shared>> -> memref<1x768xf32, #tpu.memory_space<vmem_shared>>
      %dma_start3A_244 = arith.constant 14 : i32
      %dma_start3A_245 = arith.constant 0 : i32
      %dma_start3A_246 = tpu.memref_slice %arg7[%dma_start3A_244, %dma_start3A_245] : memref<32x768xf32, #tpu.memory_space<vmem>> -> memref<1x768xf32, #tpu.memory_space<vmem>>
      %dma_start3A_247 = arith.constant 0 : i32
      %dma_start3A_248 = tpu.memref_slice %arg5[%squeeze3A_238, %dma_start3A_247] : memref<1024x768xf32, #tpu.memory_space<vmem_shared>> -> memref<1x768xf32, #tpu.memory_space<vmem_shared>>
      tpu.enqueue_dma source(%dma_start3A_248 : memref<1x768xf32, #tpu.memory_space<vmem_shared>>) target(%dma_start3A_246 : memref<1x768xf32, #tpu.memory_space<vmem>>) target_semaphore(%arg9 : memref<!tpu.dma_semaphore, #tpu.memory_space<semaphore_mem>>)
      %slice3A_249 = vector.extract_strided_slice %get3A_71 {offsets = [15], sizes = [1], strides = [1]} : vector<16xi32> to vector<1xi32>
      %squeeze3A_250 = vector.extract %slice3A_249[0] : i32 from vector<1xi32>
      %dma_start3A_251 = arith.constant 15 : i32
      %dma_start3A_252 = arith.constant 0 : i32
      %dma_start3A_253 = tpu.memref_slice %arg7[%dma_start3A_251, %dma_start3A_252] : memref<32x768xf32, #tpu.memory_space<vmem>> -> memref<1x768xf32, #tpu.memory_space<vmem>>
      %dma_start3A_254 = arith.constant 0 : i32
      %dma_start3A_255 = tpu.memref_slice %arg5[%squeeze3A_250, %dma_start3A_254] : memref<1024x768xf32, #tpu.memory_space<vmem_shared>> -> memref<1x768xf32, #tpu.memory_space<vmem_shared>>
      %dma_start3A_256 = arith.constant 15 : i32
      %dma_start3A_257 = arith.constant 0 : i32
      %dma_start3A_258 = tpu.memref_slice %arg7[%dma_start3A_256, %dma_start3A_257] : memref<32x768xf32, #tpu.memory_space<vmem>> -> memref<1x768xf32, #tpu.memory_space<vmem>>
      %dma_start3A_259 = arith.constant 0 : i32
      %dma_start3A_260 = tpu.memref_slice %arg5[%squeeze3A_250, %dma_start3A_259] : memref<1024x768xf32, #tpu.memory_space<vmem_shared>> -> memref<1x768xf32, #tpu.memory_space<vmem_shared>>
      tpu.enqueue_dma source(%dma_start3A_260 : memref<1x768xf32, #tpu.memory_space<vmem_shared>>) target(%dma_start3A_258 : memref<1x768xf32, #tpu.memory_space<vmem>>) target_semaphore(%arg9 : memref<!tpu.dma_semaphore, #tpu.memory_space<semaphore_mem>>)
      %mul3A_261 = arith.constant 32 : i32
      %mul3A_262 = arith.muli %add3A_65, %mul3A_261 : i32
      %add3A_263 = arith.constant 16 : i32
      %add3A_264 = arith.addi %mul3A_262, %add3A_263 : i32
      %get3A_265 = arith.index_cast %add3A_264 : i32 to index
      %get3A_266 = tpu.vector_load %arg6[%get3A_265] {strides = array<i32>} : memref<512xi32, #tpu.memory_space<vmem>>, vector<16xi32>,
      %get3A_267 = vector.shape_cast %get3A_266 : vector<16xi32> to vector<16xi32>
      %slice3A_268 = vector.extract_strided_slice %get3A_267 {offsets = [0], sizes = [1], strides = [1]} : vector<16xi32> to vector<1xi32>
      %squeeze3A_269 = vector.extract %slice3A_268[0] : i32 from vector<1xi32>
      %dma_start3A_270 = arith.constant 16 : i32
      %dma_start3A_271 = arith.constant 0 : i32
      %dma_start3A_272 = tpu.memref_slice %arg7[%dma_start3A_270, %dma_start3A_271] : memref<32x768xf32, #tpu.memory_space<vmem>> -> memref<1x768xf32, #tpu.memory_space<vmem>>
      %dma_start3A_273 = arith.constant 0 : i32
      %dma_start3A_274 = tpu.memref_slice %arg5[%squeeze3A_269, %dma_start3A_273] : memref<1024x768xf32, #tpu.memory_space<vmem_shared>> -> memref<1x768xf32, #tpu.memory_space<vmem_shared>>
      %dma_start3A_275 = arith.constant 16 : i32
      %dma_start3A_276 = arith.constant 0 : i32
      %dma_start3A_277 = tpu.memref_slice %arg7[%dma_start3A_275, %dma_start3A_276] : memref<32x768xf32, #tpu.memory_space<vmem>> -> memref<1x768xf32, #tpu.memory_space<vmem>>
      %dma_start3A_278 = arith.constant 0 : i32
      %dma_start3A_279 = tpu.memref_slice %arg5[%squeeze3A_269, %dma_start3A_278] : memref<1024x768xf32, #tpu.memory_space<vmem_shared>> -> memref<1x768xf32, #tpu.memory_space<vmem_shared>>
      tpu.enqueue_dma source(%dma_start3A_279 : memref<1x768xf32, #tpu.memory_space<vmem_shared>>) target(%dma_start3A_277 : memref<1x768xf32, #tpu.memory_space<vmem>>) target_semaphore(%arg9 : memref<!tpu.dma_semaphore, #tpu.memory_space<semaphore_mem>>)
      %slice3A_280 = vector.extract_strided_slice %get3A_267 {offsets = [1], sizes = [1], strides = [1]} : vector<16xi32> to vector<1xi32>
      %squeeze3A_281 = vector.extract %slice3A_280[0] : i32 from vector<1xi32>
      %dma_start3A_282 = arith.constant 17 : i32
      %dma_start3A_283 = arith.constant 0 : i32
      %dma_start3A_284 = tpu.memref_slice %arg7[%dma_start3A_282, %dma_start3A_283] : memref<32x768xf32, #tpu.memory_space<vmem>> -> memref<1x768xf32, #tpu.memory_space<vmem>>
      %dma_start3A_285 = arith.constant 0 : i32
      %dma_start3A_286 = tpu.memref_slice %arg5[%squeeze3A_281, %dma_start3A_285] : memref<1024x768xf32, #tpu.memory_space<vmem_shared>> -> memref<1x768xf32, #tpu.memory_space<vmem_shared>>
      %dma_start3A_287 = arith.constant 17 : i32
      %dma_start3A_288 = arith.constant 0 : i32
      %dma_start3A_289 = tpu.memref_slice %arg7[%dma_start3A_287, %dma_start3A_288] : memref<32x768xf32, #tpu.memory_space<vmem>> -> memref<1x768xf32, #tpu.memory_space<vmem>>
      %dma_start3A_290 = arith.constant 0 : i32
      %dma_start3A_291 = tpu.memref_slice %arg5[%squeeze3A_281, %dma_start3A_290] : memref<1024x768xf32, #tpu.memory_space<vmem_shared>> -> memref<1x768xf32, #tpu.memory_space<vmem_shared>>
      tpu.enqueue_dma source(%dma_start3A_291 : memref<1x768xf32, #tpu.memory_space<vmem_shared>>) target(%dma_start3A_289 : memref<1x768xf32, #tpu.memory_space<vmem>>) target_semaphore(%arg9 : memref<!tpu.dma_semaphore, #tpu.memory_space<semaphore_mem>>)
      %slice3A_292 = vector.extract_strided_slice %get3A_267 {offsets = [2], sizes = [1], strides = [1]} : vector<16xi32> to vector<1xi32>
      %squeeze3A_293 = vector.extract %slice3A_292[0] : i32 from vector<1xi32>
      %dma_start3A_294 = arith.constant 18 : i32
      %dma_start3A_295 = arith.constant 0 : i32
      %dma_start3A_296 = tpu.memref_slice %arg7[%dma_start3A_294, %dma_start3A_295] : memref<32x768xf32, #tpu.memory_space<vmem>> -> memref<1x768xf32, #tpu.memory_space<vmem>>
      %dma_start3A_297 = arith.constant 0 : i32
      %dma_start3A_298 = tpu.memref_slice %arg5[%squeeze3A_293, %dma_start3A_297] : memref<1024x768xf32, #tpu.memory_space<vmem_shared>> -> memref<1x768xf32, #tpu.memory_space<vmem_shared>>
      %dma_start3A_299 = arith.constant 18 : i32
      %dma_start3A_300 = arith.constant 0 : i32
      %dma_start3A_301 = tpu.memref_slice %arg7[%dma_start3A_299, %dma_start3A_300] : memref<32x768xf32, #tpu.memory_space<vmem>> -> memref<1x768xf32, #tpu.memory_space<vmem>>
      %dma_start3A_302 = arith.constant 0 : i32
      %dma_start3A_303 = tpu.memref_slice %arg5[%squeeze3A_293, %dma_start3A_302] : memref<1024x768xf32, #tpu.memory_space<vmem_shared>> -> memref<1x768xf32, #tpu.memory_space<vmem_shared>>
      tpu.enqueue_dma source(%dma_start3A_303 : memref<1x768xf32, #tpu.memory_space<vmem_shared>>) target(%dma_start3A_301 : memref<1x768xf32, #tpu.memory_space<vmem>>) target_semaphore(%arg9 : memref<!tpu.dma_semaphore, #tpu.memory_space<semaphore_mem>>)
      %slice3A_304 = vector.extract_strided_slice %get3A_267 {offsets = [3], sizes = [1], strides = [1]} : vector<16xi32> to vector<1xi32>
      %squeeze3A_305 = vector.extract %slice3A_304[0] : i32 from vector<1xi32>
      %dma_start3A_306 = arith.constant 19 : i32
      %dma_start3A_307 = arith.constant 0 : i32
      %dma_start3A_308 = tpu.memref_slice %arg7[%dma_start3A_306, %dma_start3A_307] : memref<32x768xf32, #tpu.memory_space<vmem>> -> memref<1x768xf32, #tpu.memory_space<vmem>>
      %dma_start3A_309 = arith.constant 0 : i32
      %dma_start3A_310 = tpu.memref_slice %arg5[%squeeze3A_305, %dma_start3A_309] : memref<1024x768xf32, #tpu.memory_space<vmem_shared>> -> memref<1x768xf32, #tpu.memory_space<vmem_shared>>
      %dma_start3A_311 = arith.constant 19 : i32
      %dma_start3A_312 = arith.constant 0 : i32
      %dma_start3A_313 = tpu.memref_slice %arg7[%dma_start3A_311, %dma_start3A_312] : memref<32x768xf32, #tpu.memory_space<vmem>> -> memref<1x768xf32, #tpu.memory_space<vmem>>
      %dma_start3A_314 = arith.constant 0 : i32
      %dma_start3A_315 = tpu.memref_slice %arg5[%squeeze3A_305, %dma_start3A_314] : memref<1024x768xf32, #tpu.memory_space<vmem_shared>> -> memref<1x768xf32, #tpu.memory_space<vmem_shared>>
      tpu.enqueue_dma source(%dma_start3A_315 : memref<1x768xf32, #tpu.memory_space<vmem_shared>>) target(%dma_start3A_313 : memref<1x768xf32, #tpu.memory_space<vmem>>) target_semaphore(%arg9 : memref<!tpu.dma_semaphore, #tpu.memory_space<semaphore_mem>>)
      %slice3A_316 = vector.extract_strided_slice %get3A_267 {offsets = [4], sizes = [1], strides = [1]} : vector<16xi32> to vector<1xi32>
      %squeeze3A_317 = vector.extract %slice3A_316[0] : i32 from vector<1xi32>
      %dma_start3A_318 = arith.constant 20 : i32
      %dma_start3A_319 = arith.constant 0 : i32
      %dma_start3A_320 = tpu.memref_slice %arg7[%dma_start3A_318, %dma_start3A_319] : memref<32x768xf32, #tpu.memory_space<vmem>> -> memref<1x768xf32, #tpu.memory_space<vmem>>
      %dma_start3A_321 = arith.constant 0 : i32
      %dma_start3A_322 = tpu.memref_slice %arg5[%squeeze3A_317, %dma_start3A_321] : memref<1024x768xf32, #tpu.memory_space<vmem_shared>> -> memref<1x768xf32, #tpu.memory_space<vmem_shared>>
      %dma_start3A_323 = arith.constant 20 : i32
      %dma_start3A_324 = arith.constant 0 : i32
      %dma_start3A_325 = tpu.memref_slice %arg7[%dma_start3A_323, %dma_start3A_324] : memref<32x768xf32, #tpu.memory_space<vmem>> -> memref<1x768xf32, #tpu.memory_space<vmem>>
      %dma_start3A_326 = arith.constant 0 : i32
      %dma_start3A_327 = tpu.memref_slice %arg5[%squeeze3A_317, %dma_start3A_326] : memref<1024x768xf32, #tpu.memory_space<vmem_shared>> -> memref<1x768xf32, #tpu.memory_space<vmem_shared>>
      tpu.enqueue_dma source(%dma_start3A_327 : memref<1x768xf32, #tpu.memory_space<vmem_shared>>) target(%dma_start3A_325 : memref<1x768xf32, #tpu.memory_space<vmem>>) target_semaphore(%arg9 : memref<!tpu.dma_semaphore, #tpu.memory_space<semaphore_mem>>)
      %slice3A_328 = vector.extract_strided_slice %get3A_267 {offsets = [5], sizes = [1], strides = [1]} : vector<16xi32> to vector<1xi32>
      %squeeze3A_329 = vector.extract %slice3A_328[0] : i32 from vector<1xi32>
      %dma_start3A_330 = arith.constant 21 : i32
      %dma_start3A_331 = arith.constant 0 : i32
      %dma_start3A_332 = tpu.memref_slice %arg7[%dma_start3A_330, %dma_start3A_331] : memref<32x768xf32, #tpu.memory_space<vmem>> -> memref<1x768xf32, #tpu.memory_space<vmem>>
      %dma_start3A_333 = arith.constant 0 : i32
      %dma_start3A_334 = tpu.memref_slice %arg5[%squeeze3A_329, %dma_start3A_333] : memref<1024x768xf32, #tpu.memory_space<vmem_shared>> -> memref<1x768xf32, #tpu.memory_space<vmem_shared>>
      %dma_start3A_335 = arith.constant 21 : i32
      %dma_start3A_336 = arith.constant 0 : i32
      %dma_start3A_337 = tpu.memref_slice %arg7[%dma_start3A_335, %dma_start3A_336] : memref<32x768xf32, #tpu.memory_space<vmem>> -> memref<1x768xf32, #tpu.memory_space<vmem>>
      %dma_start3A_338 = arith.constant 0 : i32
      %dma_start3A_339 = tpu.memref_slice %arg5[%squeeze3A_329, %dma_start3A_338] : memref<1024x768xf32, #tpu.memory_space<vmem_shared>> -> memref<1x768xf32, #tpu.memory_space<vmem_shared>>
      tpu.enqueue_dma source(%dma_start3A_339 : memref<1x768xf32, #tpu.memory_space<vmem_shared>>) target(%dma_start3A_337 : memref<1x768xf32, #tpu.memory_space<vmem>>) target_semaphore(%arg9 : memref<!tpu.dma_semaphore, #tpu.memory_space<semaphore_mem>>)
      %slice3A_340 = vector.extract_strided_slice %get3A_267 {offsets = [6], sizes = [1], strides = [1]} : vector<16xi32> to vector<1xi32>
      %squeeze3A_341 = vector.extract %slice3A_340[0] : i32 from vector<1xi32>
      %dma_start3A_342 = arith.constant 22 : i32
      %dma_start3A_343 = arith.constant 0 : i32
      %dma_start3A_344 = tpu.memref_slice %arg7[%dma_start3A_342, %dma_start3A_343] : memref<32x768xf32, #tpu.memory_space<vmem>> -> memref<1x768xf32, #tpu.memory_space<vmem>>
      %dma_start3A_345 = arith.constant 0 : i32
      %dma_start3A_346 = tpu.memref_slice %arg5[%squeeze3A_341, %dma_start3A_345] : memref<1024x768xf32, #tpu.memory_space<vmem_shared>> -> memref<1x768xf32, #tpu.memory_space<vmem_shared>>
      %dma_start3A_347 = arith.constant 22 : i32
      %dma_start3A_348 = arith.constant 0 : i32
      %dma_start3A_349 = tpu.memref_slice %arg7[%dma_start3A_347, %dma_start3A_348] : memref<32x768xf32, #tpu.memory_space<vmem>> -> memref<1x768xf32, #tpu.memory_space<vmem>>
      %dma_start3A_350 = arith.constant 0 : i32
      %dma_start3A_351 = tpu.memref_slice %arg5[%squeeze3A_341, %dma_start3A_350] : memref<1024x768xf32, #tpu.memory_space<vmem_shared>> -> memref<1x768xf32, #tpu.memory_space<vmem_shared>>
      tpu.enqueue_dma source(%dma_start3A_351 : memref<1x768xf32, #tpu.memory_space<vmem_shared>>) target(%dma_start3A_349 : memref<1x768xf32, #tpu.memory_space<vmem>>) target_semaphore(%arg9 : memref<!tpu.dma_semaphore, #tpu.memory_space<semaphore_mem>>)
      %slice3A_352 = vector.extract_strided_slice %get3A_267 {offsets = [7], sizes = [1], strides = [1]} : vector<16xi32> to vector<1xi32>
      %squeeze3A_353 = vector.extract %slice3A_352[0] : i32 from vector<1xi32>
      %dma_start3A_354 = arith.constant 23 : i32
      %dma_start3A_355 = arith.constant 0 : i32
      %dma_start3A_356 = tpu.memref_slice %arg7[%dma_start3A_354, %dma_start3A_355] : memref<32x768xf32, #tpu.memory_space<vmem>> -> memref<1x768xf32, #tpu.memory_space<vmem>>
      %dma_start3A_357 = arith.constant 0 : i32
      %dma_start3A_358 = tpu.memref_slice %arg5[%squeeze3A_353, %dma_start3A_357] : memref<1024x768xf32, #tpu.memory_space<vmem_shared>> -> memref<1x768xf32, #tpu.memory_space<vmem_shared>>
      %dma_start3A_359 = arith.constant 23 : i32
      %dma_start3A_360 = arith.constant 0 : i32
      %dma_start3A_361 = tpu.memref_slice %arg7[%dma_start3A_359, %dma_start3A_360] : memref<32x768xf32, #tpu.memory_space<vmem>> -> memref<1x768xf32, #tpu.memory_space<vmem>>
      %dma_start3A_362 = arith.constant 0 : i32
      %dma_start3A_363 = tpu.memref_slice %arg5[%squeeze3A_353, %dma_start3A_362] : memref<1024x768xf32, #tpu.memory_space<vmem_shared>> -> memref<1x768xf32, #tpu.memory_space<vmem_shared>>
      tpu.enqueue_dma source(%dma_start3A_363 : memref<1x768xf32, #tpu.memory_space<vmem_shared>>) target(%dma_start3A_361 : memref<1x768xf32, #tpu.memory_space<vmem>>) target_semaphore(%arg9 : memref<!tpu.dma_semaphore, #tpu.memory_space<semaphore_mem>>)
      %slice3A_364 = vector.extract_strided_slice %get3A_267 {offsets = [8], sizes = [1], strides = [1]} : vector<16xi32> to vector<1xi32>
      %squeeze3A_365 = vector.extract %slice3A_364[0] : i32 from vector<1xi32>
      %dma_start3A_366 = arith.constant 24 : i32
      %dma_start3A_367 = arith.constant 0 : i32
      %dma_start3A_368 = tpu.memref_slice %arg7[%dma_start3A_366, %dma_start3A_367] : memref<32x768xf32, #tpu.memory_space<vmem>> -> memref<1x768xf32, #tpu.memory_space<vmem>>
      %dma_start3A_369 = arith.constant 0 : i32
      %dma_start3A_370 = tpu.memref_slice %arg5[%squeeze3A_365, %dma_start3A_369] : memref<1024x768xf32, #tpu.memory_space<vmem_shared>> -> memref<1x768xf32, #tpu.memory_space<vmem_shared>>
      %dma_start3A_371 = arith.constant 24 : i32
      %dma_start3A_372 = arith.constant 0 : i32
      %dma_start3A_373 = tpu.memref_slice %arg7[%dma_start3A_371, %dma_start3A_372] : memref<32x768xf32, #tpu.memory_space<vmem>> -> memref<1x768xf32, #tpu.memory_space<vmem>>
      %dma_start3A_374 = arith.constant 0 : i32
      %dma_start3A_375 = tpu.memref_slice %arg5[%squeeze3A_365, %dma_start3A_374] : memref<1024x768xf32, #tpu.memory_space<vmem_shared>> -> memref<1x768xf32, #tpu.memory_space<vmem_shared>>
      tpu.enqueue_dma source(%dma_start3A_375 : memref<1x768xf32, #tpu.memory_space<vmem_shared>>) target(%dma_start3A_373 : memref<1x768xf32, #tpu.memory_space<vmem>>) target_semaphore(%arg9 : memref<!tpu.dma_semaphore, #tpu.memory_space<semaphore_mem>>)
      %slice3A_376 = vector.extract_strided_slice %get3A_267 {offsets = [9], sizes = [1], strides = [1]} : vector<16xi32> to vector<1xi32>
      %squeeze3A_377 = vector.extract %slice3A_376[0] : i32 from vector<1xi32>
      %dma_start3A_378 = arith.constant 25 : i32
      %dma_start3A_379 = arith.constant 0 : i32
      %dma_start3A_380 = tpu.memref_slice %arg7[%dma_start3A_378, %dma_start3A_379] : memref<32x768xf32, #tpu.memory_space<vmem>> -> memref<1x768xf32, #tpu.memory_space<vmem>>
      %dma_start3A_381 = arith.constant 0 : i32
      %dma_start3A_382 = tpu.memref_slice %arg5[%squeeze3A_377, %dma_start3A_381] : memref<1024x768xf32, #tpu.memory_space<vmem_shared>> -> memref<1x768xf32, #tpu.memory_space<vmem_shared>>
      %dma_start3A_383 = arith.constant 25 : i32
      %dma_start3A_384 = arith.constant 0 : i32
      %dma_start3A_385 = tpu.memref_slice %arg7[%dma_start3A_383, %dma_start3A_384] : memref<32x768xf32, #tpu.memory_space<vmem>> -> memref<1x768xf32, #tpu.memory_space<vmem>>
      %dma_start3A_386 = arith.constant 0 : i32
      %dma_start3A_387 = tpu.memref_slice %arg5[%squeeze3A_377, %dma_start3A_386] : memref<1024x768xf32, #tpu.memory_space<vmem_shared>> -> memref<1x768xf32, #tpu.memory_space<vmem_shared>>
      tpu.enqueue_dma source(%dma_start3A_387 : memref<1x768xf32, #tpu.memory_space<vmem_shared>>) target(%dma_start3A_385 : memref<1x768xf32, #tpu.memory_space<vmem>>) target_semaphore(%arg9 : memref<!tpu.dma_semaphore, #tpu.memory_space<semaphore_mem>>)
      %slice3A_388 = vector.extract_strided_slice %get3A_267 {offsets = [10], sizes = [1], strides = [1]} : vector<16xi32> to vector<1xi32>
      %squeeze3A_389 = vector.extract %slice3A_388[0] : i32 from vector<1xi32>
      %dma_start3A_390 = arith.constant 26 : i32
      %dma_start3A_391 = arith.constant 0 : i32
      %dma_start3A_392 = tpu.memref_slice %arg7[%dma_start3A_390, %dma_start3A_391] : memref<32x768xf32, #tpu.memory_space<vmem>> -> memref<1x768xf32, #tpu.memory_space<vmem>>
      %dma_start3A_393 = arith.constant 0 : i32
      %dma_start3A_394 = tpu.memref_slice %arg5[%squeeze3A_389, %dma_start3A_393] : memref<1024x768xf32, #tpu.memory_space<vmem_shared>> -> memref<1x768xf32, #tpu.memory_space<vmem_shared>>
      %dma_start3A_395 = arith.constant 26 : i32
      %dma_start3A_396 = arith.constant 0 : i32
      %dma_start3A_397 = tpu.memref_slice %arg7[%dma_start3A_395, %dma_start3A_396] : memref<32x768xf32, #tpu.memory_space<vmem>> -> memref<1x768xf32, #tpu.memory_space<vmem>>
      %dma_start3A_398 = arith.constant 0 : i32
      %dma_start3A_399 = tpu.memref_slice %arg5[%squeeze3A_389, %dma_start3A_398] : memref<1024x768xf32, #tpu.memory_space<vmem_shared>> -> memref<1x768xf32, #tpu.memory_space<vmem_shared>>
      tpu.enqueue_dma source(%dma_start3A_399 : memref<1x768xf32, #tpu.memory_space<vmem_shared>>) target(%dma_start3A_397 : memref<1x768xf32, #tpu.memory_space<vmem>>) target_semaphore(%arg9 : memref<!tpu.dma_semaphore, #tpu.memory_space<semaphore_mem>>)
      %slice3A_400 = vector.extract_strided_slice %get3A_267 {offsets = [11], sizes = [1], strides = [1]} : vector<16xi32> to vector<1xi32>
      %squeeze3A_401 = vector.extract %slice3A_400[0] : i32 from vector<1xi32>
      %dma_start3A_402 = arith.constant 27 : i32
      %dma_start3A_403 = arith.constant 0 : i32
      %dma_start3A_404 = tpu.memref_slice %arg7[%dma_start3A_402, %dma_start3A_403] : memref<32x768xf32, #tpu.memory_space<vmem>> -> memref<1x768xf32, #tpu.memory_space<vmem>>
      %dma_start3A_405 = arith.constant 0 : i32
      %dma_start3A_406 = tpu.memref_slice %arg5[%squeeze3A_401, %dma_start3A_405] : memref<1024x768xf32, #tpu.memory_space<vmem_shared>> -> memref<1x768xf32, #tpu.memory_space<vmem_shared>>
      %dma_start3A_407 = arith.constant 27 : i32
      %dma_start3A_408 = arith.constant 0 : i32
      %dma_start3A_409 = tpu.memref_slice %arg7[%dma_start3A_407, %dma_start3A_408] : memref<32x768xf32, #tpu.memory_space<vmem>> -> memref<1x768xf32, #tpu.memory_space<vmem>>
      %dma_start3A_410 = arith.constant 0 : i32
      %dma_start3A_411 = tpu.memref_slice %arg5[%squeeze3A_401, %dma_start3A_410] : memref<1024x768xf32, #tpu.memory_space<vmem_shared>> -> memref<1x768xf32, #tpu.memory_space<vmem_shared>>
      tpu.enqueue_dma source(%dma_start3A_411 : memref<1x768xf32, #tpu.memory_space<vmem_shared>>) target(%dma_start3A_409 : memref<1x768xf32, #tpu.memory_space<vmem>>) target_semaphore(%arg9 : memref<!tpu.dma_semaphore, #tpu.memory_space<semaphore_mem>>)
      %slice3A_412 = vector.extract_strided_slice %get3A_267 {offsets = [12], sizes = [1], strides = [1]} : vector<16xi32> to vector<1xi32>
      %squeeze3A_413 = vector.extract %slice3A_412[0] : i32 from vector<1xi32>
      %dma_start3A_414 = arith.constant 28 : i32
      %dma_start3A_415 = arith.constant 0 : i32
      %dma_start3A_416 = tpu.memref_slice %arg7[%dma_start3A_414, %dma_start3A_415] : memref<32x768xf32, #tpu.memory_space<vmem>> -> memref<1x768xf32, #tpu.memory_space<vmem>>
      %dma_start3A_417 = arith.constant 0 : i32
      %dma_start3A_418 = tpu.memref_slice %arg5[%squeeze3A_413, %dma_start3A_417] : memref<1024x768xf32, #tpu.memory_space<vmem_shared>> -> memref<1x768xf32, #tpu.memory_space<vmem_shared>>
      %dma_start3A_419 = arith.constant 28 : i32
      %dma_start3A_420 = arith.constant 0 : i32
      %dma_start3A_421 = tpu.memref_slice %arg7[%dma_start3A_419, %dma_start3A_420] : memref<32x768xf32, #tpu.memory_space<vmem>> -> memref<1x768xf32, #tpu.memory_space<vmem>>
      %dma_start3A_422 = arith.constant 0 : i32
      %dma_start3A_423 = tpu.memref_slice %arg5[%squeeze3A_413, %dma_start3A_422] : memref<1024x768xf32, #tpu.memory_space<vmem_shared>> -> memref<1x768xf32, #tpu.memory_space<vmem_shared>>
      tpu.enqueue_dma source(%dma_start3A_423 : memref<1x768xf32, #tpu.memory_space<vmem_shared>>) target(%dma_start3A_421 : memref<1x768xf32, #tpu.memory_space<vmem>>) target_semaphore(%arg9 : memref<!tpu.dma_semaphore, #tpu.memory_space<semaphore_mem>>)
      %slice3A_424 = vector.extract_strided_slice %get3A_267 {offsets = [13], sizes = [1], strides = [1]} : vector<16xi32> to vector<1xi32>
      %squeeze3A_425 = vector.extract %slice3A_424[0] : i32 from vector<1xi32>
      %dma_start3A_426 = arith.constant 29 : i32
      %dma_start3A_427 = arith.constant 0 : i32
      %dma_start3A_428 = tpu.memref_slice %arg7[%dma_start3A_426, %dma_start3A_427] : memref<32x768xf32, #tpu.memory_space<vmem>> -> memref<1x768xf32, #tpu.memory_space<vmem>>
      %dma_start3A_429 = arith.constant 0 : i32
      %dma_start3A_430 = tpu.memref_slice %arg5[%squeeze3A_425, %dma_start3A_429] : memref<1024x768xf32, #tpu.memory_space<vmem_shared>> -> memref<1x768xf32, #tpu.memory_space<vmem_shared>>
      %dma_start3A_431 = arith.constant 29 : i32
      %dma_start3A_432 = arith.constant 0 : i32
      %dma_start3A_433 = tpu.memref_slice %arg7[%dma_start3A_431, %dma_start3A_432] : memref<32x768xf32, #tpu.memory_space<vmem>> -> memref<1x768xf32, #tpu.memory_space<vmem>>
      %dma_start3A_434 = arith.constant 0 : i32
      %dma_start3A_435 = tpu.memref_slice %arg5[%squeeze3A_425, %dma_start3A_434] : memref<1024x768xf32, #tpu.memory_space<vmem_shared>> -> memref<1x768xf32, #tpu.memory_space<vmem_shared>>
      tpu.enqueue_dma source(%dma_start3A_435 : memref<1x768xf32, #tpu.memory_space<vmem_shared>>) target(%dma_start3A_433 : memref<1x768xf32, #tpu.memory_space<vmem>>) target_semaphore(%arg9 : memref<!tpu.dma_semaphore, #tpu.memory_space<semaphore_mem>>)
      %slice3A_436 = vector.extract_strided_slice %get3A_267 {offsets = [14], sizes = [1], strides = [1]} : vector<16xi32> to vector<1xi32>
      %squeeze3A_437 = vector.extract %slice3A_436[0] : i32 from vector<1xi32>
      %dma_start3A_438 = arith.constant 30 : i32
      %dma_start3A_439 = arith.constant 0 : i32
      %dma_start3A_440 = tpu.memref_slice %arg7[%dma_start3A_438, %dma_start3A_439] : memref<32x768xf32, #tpu.memory_space<vmem>> -> memref<1x768xf32, #tpu.memory_space<vmem>>
      %dma_start3A_441 = arith.constant 0 : i32
      %dma_start3A_442 = tpu.memref_slice %arg5[%squeeze3A_437, %dma_start3A_441] : memref<1024x768xf32, #tpu.memory_space<vmem_shared>> -> memref<1x768xf32, #tpu.memory_space<vmem_shared>>
      %dma_start3A_443 = arith.constant 30 : i32
      %dma_start3A_444 = arith.constant 0 : i32
      %dma_start3A_445 = tpu.memref_slice %arg7[%dma_start3A_443, %dma_start3A_444] : memref<32x768xf32, #tpu.memory_space<vmem>> -> memref<1x768xf32, #tpu.memory_space<vmem>>
      %dma_start3A_446 = arith.constant 0 : i32
      %dma_start3A_447 = tpu.memref_slice %arg5[%squeeze3A_437, %dma_start3A_446] : memref<1024x768xf32, #tpu.memory_space<vmem_shared>> -> memref<1x768xf32, #tpu.memory_space<vmem_shared>>
      tpu.enqueue_dma source(%dma_start3A_447 : memref<1x768xf32, #tpu.memory_space<vmem_shared>>) target(%dma_start3A_445 : memref<1x768xf32, #tpu.memory_space<vmem>>) target_semaphore(%arg9 : memref<!tpu.dma_semaphore, #tpu.memory_space<semaphore_mem>>)
      %slice3A_448 = vector.extract_strided_slice %get3A_267 {offsets = [15], sizes = [1], strides = [1]} : vector<16xi32> to vector<1xi32>
      %squeeze3A_449 = vector.extract %slice3A_448[0] : i32 from vector<1xi32>
      %dma_start3A_450 = arith.constant 31 : i32
      %dma_start3A_451 = arith.constant 0 : i32
      %dma_start3A_452 = tpu.memref_slice %arg7[%dma_start3A_450, %dma_start3A_451] : memref<32x768xf32, #tpu.memory_space<vmem>> -> memref<1x768xf32, #tpu.memory_space<vmem>>
      %dma_start3A_453 = arith.constant 0 : i32
      %dma_start3A_454 = tpu.memref_slice %arg5[%squeeze3A_449, %dma_start3A_453] : memref<1024x768xf32, #tpu.memory_space<vmem_shared>> -> memref<1x768xf32, #tpu.memory_space<vmem_shared>>
      %dma_start3A_455 = arith.constant 31 : i32
      %dma_start3A_456 = arith.constant 0 : i32
      %dma_start3A_457 = tpu.memref_slice %arg7[%dma_start3A_455, %dma_start3A_456] : memref<32x768xf32, #tpu.memory_space<vmem>> -> memref<1x768xf32, #tpu.memory_space<vmem>>
      %dma_start3A_458 = arith.constant 0 : i32
      %dma_start3A_459 = tpu.memref_slice %arg5[%squeeze3A_449, %dma_start3A_458] : memref<1024x768xf32, #tpu.memory_space<vmem_shared>> -> memref<1x768xf32, #tpu.memory_space<vmem_shared>>
      tpu.enqueue_dma source(%dma_start3A_459 : memref<1x768xf32, #tpu.memory_space<vmem_shared>>) target(%dma_start3A_457 : memref<1x768xf32, #tpu.memory_space<vmem>>) target_semaphore(%arg9 : memref<!tpu.dma_semaphore, #tpu.memory_space<semaphore_mem>>)
      %dma_wait3A_460 = arith.constant 0 : i32
      %dma_wait3A_461 = arith.constant 0 : i32
      %dma_wait3A_462 = arith.constant 0 : i32
      %dma_wait3A_463 = tpu.memref_slice %arg4[%dma_wait3A_460, %dma_wait3A_461, %dma_wait3A_462] : memref<16x1024x768xf32, #tpu.memory_space<hbm>> -> memref<1x32x768xf32, #tpu.memory_space<hbm>>
      %dma_wait3A_464 = tpu.memref_squeeze %dma_wait3A_463 : memref<1x32x768xf32, #tpu.memory_space<hbm>> -> memref<32x768xf32, #tpu.memory_space<hbm>>
      %dma_wait3A_465 = arith.constant 0 : i32
      %dma_wait3A_466 = arith.constant 0 : i32
      %dma_wait3A_467 = tpu.memref_slice %arg4[%dma_wait3A_460, %dma_wait3A_465, %dma_wait3A_466] : memref<16x1024x768xf32, #tpu.memory_space<hbm>> -> memref<1x32x768xf32, #tpu.memory_space<hbm>>
      %dma_wait3A_468 = tpu.memref_squeeze %dma_wait3A_467 : memref<1x32x768xf32, #tpu.memory_space<hbm>> -> memref<32x768xf32, #tpu.memory_space<hbm>>
      tpu.wait_dma2 semaphore(%arg9 : memref<!tpu.dma_semaphore, #tpu.memory_space<semaphore_mem>>) src(%dma_wait3A_468 : memref<32x768xf32, #tpu.memory_space<hbm>>) dst(%arg7 : memref<32x768xf32, #tpu.memory_space<vmem>>)
      %mul3A_469 = arith.constant 32 : i32
      %mul3A_470 = arith.muli %add3A_65, %mul3A_469 : i32
      %add3A_471 = arith.addi %mul3A_32, %mul3A_470 : i32
      %dma_start3A_472 = arith.constant 0 : i32
      %dma_start3A_473 = tpu.memref_slice %arg4[%select_n3A, %add3A_471, %dma_start3A_472] : memref<16x1024x768xf32, #tpu.memory_space<hbm>> -> memref<1x32x768xf32, #tpu.memory_space<hbm>>
      %dma_start3A_474 = tpu.memref_squeeze %dma_start3A_473 : memref<1x32x768xf32, #tpu.memory_space<hbm>> -> memref<32x768xf32, #tpu.memory_space<hbm>>
      %dma_start3A_475 = arith.constant 0 : i32
      %dma_start3A_476 = tpu.memref_slice %arg4[%select_n3A, %add3A_471, %dma_start3A_475] : memref<16x1024x768xf32, #tpu.memory_space<hbm>> -> memref<1x32x768xf32, #tpu.memory_space<hbm>>
      %dma_start3A_477 = tpu.memref_squeeze %dma_start3A_476 : memref<1x32x768xf32, #tpu.memory_space<hbm>> -> memref<32x768xf32, #tpu.memory_space<hbm>>
      tpu.enqueue_dma source(%arg7 : memref<32x768xf32, #tpu.memory_space<vmem>>) target(%dma_start3A_477 : memref<32x768xf32, #tpu.memory_space<hbm>>) target_semaphore(%arg11 : memref<!tpu.dma_semaphore, #tpu.memory_space<semaphore_mem>>)
      %ge3A_478 = arith.constant 1 : i32
      %ge3A_479 = arith.cmpi sge, %scan3A_59, %ge3A_478 : i32
      %convert_element_type3A_480 = arith.extui %ge3A_479 : i1 to i32
      %cond3A_481 = arith.constant 0 : i32
      %cond3A_482 = arith.cmpi ne, %convert_element_type3A_480, %cond3A_481 : i32
      scf.if %cond3A_482 {
        %dma_wait3A_903 = arith.constant 0 : i32
        %dma_wait3A_904 = arith.constant 0 : i32
        %dma_wait3A_905 = arith.constant 0 : i32
        %dma_wait3A_906 = tpu.memref_slice %arg4[%dma_wait3A_903, %dma_wait3A_904, %dma_wait3A_905] : memref<16x1024x768xf32, #tpu.memory_space<hbm>> -> memref<1x32x768xf32, #tpu.memory_space<hbm>>
        %dma_wait3A_907 = tpu.memref_squeeze %dma_wait3A_906 : memref<1x32x768xf32, #tpu.memory_space<hbm>> -> memref<32x768xf32, #tpu.memory_space<hbm>>
        %dma_wait3A_908 = arith.constant 0 : i32
        %dma_wait3A_909 = arith.constant 0 : i32
        %dma_wait3A_910 = tpu.memref_slice %arg4[%dma_wait3A_903, %dma_wait3A_908, %dma_wait3A_909] : memref<16x1024x768xf32, #tpu.memory_space<hbm>> -> memref<1x32x768xf32, #tpu.memory_space<hbm>>
        %dma_wait3A_911 = tpu.memref_squeeze %dma_wait3A_910 : memref<1x32x768xf32, #tpu.memory_space<hbm>> -> memref<32x768xf32, #tpu.memory_space<hbm>>
        tpu.wait_dma2 semaphore(%arg12 : memref<!tpu.dma_semaphore, #tpu.memory_space<semaphore_mem>>) src(%dma_wait3A_911 : memref<32x768xf32, #tpu.memory_space<hbm>>) dst(%arg8 : memref<32x768xf32, #tpu.memory_space<vmem>>)
      } else {
      }
      %mul3A_483 = arith.constant 2 : i32
      %mul3A_484 = arith.muli %mul3A_483, %scan3A_59 : i32
      %add3A_485 = arith.constant 1 : i32
      %add3A_486 = arith.addi %mul3A_484, %add3A_485 : i32
      %mul3A_487 = arith.constant 32 : i32
      %mul3A_488 = arith.muli %add3A_486, %mul3A_487 : i32
      %add3A_489 = arith.constant 0 : i32
      %add3A_490 = arith.addi %mul3A_488, %add3A_489 : i32
      %get3A_491 = arith.index_cast %add3A_490 : i32 to index
      %get3A_492 = tpu.vector_load %arg6[%get3A_491] {strides = array<i32>} : memref<512xi32, #tpu.memory_space<vmem>>, vector<16xi32>,
      %get3A_493 = vector.shape_cast %get3A_492 : vector<16xi32> to vector<16xi32>
      %slice3A_494 = vector.extract_strided_slice %get3A_493 {offsets = [0], sizes = [1], strides = [1]} : vector<16xi32> to vector<1xi32>
      %squeeze3A_495 = vector.extract %slice3A_494[0] : i32 from vector<1xi32>
      %dma_start3A_496 = arith.constant 0 : i32
      %dma_start3A_497 = arith.constant 0 : i32
      %dma_start3A_498 = tpu.memref_slice %arg8[%dma_start3A_496, %dma_start3A_497] : memref<32x768xf32, #tpu.memory_space<vmem>> -> memref<1x768xf32, #tpu.memory_space<vmem>>
      %dma_start3A_499 = arith.constant 0 : i32
      %dma_start3A_500 = tpu.memref_slice %arg5[%squeeze3A_495, %dma_start3A_499] : memref<1024x768xf32, #tpu.memory_space<vmem_shared>> -> memref<1x768xf32, #tpu.memory_space<vmem_shared>>
      %dma_start3A_501 = arith.constant 0 : i32
      %dma_start3A_502 = arith.constant 0 : i32
      %dma_start3A_503 = tpu.memref_slice %arg8[%dma_start3A_501, %dma_start3A_502] : memref<32x768xf32, #tpu.memory_space<vmem>> -> memref<1x768xf32, #tpu.memory_space<vmem>>
      %dma_start3A_504 = arith.constant 0 : i32
      %dma_start3A_505 = tpu.memref_slice %arg5[%squeeze3A_495, %dma_start3A_504] : memref<1024x768xf32, #tpu.memory_space<vmem_shared>> -> memref<1x768xf32, #tpu.memory_space<vmem_shared>>
      tpu.enqueue_dma source(%dma_start3A_505 : memref<1x768xf32, #tpu.memory_space<vmem_shared>>) target(%dma_start3A_503 : memref<1x768xf32, #tpu.memory_space<vmem>>) target_semaphore(%arg10 : memref<!tpu.dma_semaphore, #tpu.memory_space<semaphore_mem>>)
      %slice3A_506 = vector.extract_strided_slice %get3A_493 {offsets = [1], sizes = [1], strides = [1]} : vector<16xi32> to vector<1xi32>
      %squeeze3A_507 = vector.extract %slice3A_506[0] : i32 from vector<1xi32>
      %dma_start3A_508 = arith.constant 1 : i32
      %dma_start3A_509 = arith.constant 0 : i32
      %dma_start3A_510 = tpu.memref_slice %arg8[%dma_start3A_508, %dma_start3A_509] : memref<32x768xf32, #tpu.memory_space<vmem>> -> memref<1x768xf32, #tpu.memory_space<vmem>>
      %dma_start3A_511 = arith.constant 0 : i32
      %dma_start3A_512 = tpu.memref_slice %arg5[%squeeze3A_507, %dma_start3A_511] : memref<1024x768xf32, #tpu.memory_space<vmem_shared>> -> memref<1x768xf32, #tpu.memory_space<vmem_shared>>
      %dma_start3A_513 = arith.constant 1 : i32
      %dma_start3A_514 = arith.constant 0 : i32
      %dma_start3A_515 = tpu.memref_slice %arg8[%dma_start3A_513, %dma_start3A_514] : memref<32x768xf32, #tpu.memory_space<vmem>> -> memref<1x768xf32, #tpu.memory_space<vmem>>
      %dma_start3A_516 = arith.constant 0 : i32
      %dma_start3A_517 = tpu.memref_slice %arg5[%squeeze3A_507, %dma_start3A_516] : memref<1024x768xf32, #tpu.memory_space<vmem_shared>> -> memref<1x768xf32, #tpu.memory_space<vmem_shared>>
      tpu.enqueue_dma source(%dma_start3A_517 : memref<1x768xf32, #tpu.memory_space<vmem_shared>>) target(%dma_start3A_515 : memref<1x768xf32, #tpu.memory_space<vmem>>) target_semaphore(%arg10 : memref<!tpu.dma_semaphore, #tpu.memory_space<semaphore_mem>>)
      %slice3A_518 = vector.extract_strided_slice %get3A_493 {offsets = [2], sizes = [1], strides = [1]} : vector<16xi32> to vector<1xi32>
      %squeeze3A_519 = vector.extract %slice3A_518[0] : i32 from vector<1xi32>
      %dma_start3A_520 = arith.constant 2 : i32
      %dma_start3A_521 = arith.constant 0 : i32
      %dma_start3A_522 = tpu.memref_slice %arg8[%dma_start3A_520, %dma_start3A_521] : memref<32x768xf32, #tpu.memory_space<vmem>> -> memref<1x768xf32, #tpu.memory_space<vmem>>
      %dma_start3A_523 = arith.constant 0 : i32
      %dma_start3A_524 = tpu.memref_slice %arg5[%squeeze3A_519, %dma_start3A_523] : memref<1024x768xf32, #tpu.memory_space<vmem_shared>> -> memref<1x768xf32, #tpu.memory_space<vmem_shared>>
      %dma_start3A_525 = arith.constant 2 : i32
      %dma_start3A_526 = arith.constant 0 : i32
      %dma_start3A_527 = tpu.memref_slice %arg8[%dma_start3A_525, %dma_start3A_526] : memref<32x768xf32, #tpu.memory_space<vmem>> -> memref<1x768xf32, #tpu.memory_space<vmem>>
      %dma_start3A_528 = arith.constant 0 : i32
      %dma_start3A_529 = tpu.memref_slice %arg5[%squeeze3A_519, %dma_start3A_528] : memref<1024x768xf32, #tpu.memory_space<vmem_shared>> -> memref<1x768xf32, #tpu.memory_space<vmem_shared>>
      tpu.enqueue_dma source(%dma_start3A_529 : memref<1x768xf32, #tpu.memory_space<vmem_shared>>) target(%dma_start3A_527 : memref<1x768xf32, #tpu.memory_space<vmem>>) target_semaphore(%arg10 : memref<!tpu.dma_semaphore, #tpu.memory_space<semaphore_mem>>)
      %slice3A_530 = vector.extract_strided_slice %get3A_493 {offsets = [3], sizes = [1], strides = [1]} : vector<16xi32> to vector<1xi32>
      %squeeze3A_531 = vector.extract %slice3A_530[0] : i32 from vector<1xi32>
      %dma_start3A_532 = arith.constant 3 : i32
      %dma_start3A_533 = arith.constant 0 : i32
      %dma_start3A_534 = tpu.memref_slice %arg8[%dma_start3A_532, %dma_start3A_533] : memref<32x768xf32, #tpu.memory_space<vmem>> -> memref<1x768xf32, #tpu.memory_space<vmem>>
      %dma_start3A_535 = arith.constant 0 : i32
      %dma_start3A_536 = tpu.memref_slice %arg5[%squeeze3A_531, %dma_start3A_535] : memref<1024x768xf32, #tpu.memory_space<vmem_shared>> -> memref<1x768xf32, #tpu.memory_space<vmem_shared>>
      %dma_start3A_537 = arith.constant 3 : i32
      %dma_start3A_538 = arith.constant 0 : i32
      %dma_start3A_539 = tpu.memref_slice %arg8[%dma_start3A_537, %dma_start3A_538] : memref<32x768xf32, #tpu.memory_space<vmem>> -> memref<1x768xf32, #tpu.memory_space<vmem>>
      %dma_start3A_540 = arith.constant 0 : i32
      %dma_start3A_541 = tpu.memref_slice %arg5[%squeeze3A_531, %dma_start3A_540] : memref<1024x768xf32, #tpu.memory_space<vmem_shared>> -> memref<1x768xf32, #tpu.memory_space<vmem_shared>>
      tpu.enqueue_dma source(%dma_start3A_541 : memref<1x768xf32, #tpu.memory_space<vmem_shared>>) target(%dma_start3A_539 : memref<1x768xf32, #tpu.memory_space<vmem>>) target_semaphore(%arg10 : memref<!tpu.dma_semaphore, #tpu.memory_space<semaphore_mem>>)
      %slice3A_542 = vector.extract_strided_slice %get3A_493 {offsets = [4], sizes = [1], strides = [1]} : vector<16xi32> to vector<1xi32>
      %squeeze3A_543 = vector.extract %slice3A_542[0] : i32 from vector<1xi32>
      %dma_start3A_544 = arith.constant 4 : i32
      %dma_start3A_545 = arith.constant 0 : i32
      %dma_start3A_546 = tpu.memref_slice %arg8[%dma_start3A_544, %dma_start3A_545] : memref<32x768xf32, #tpu.memory_space<vmem>> -> memref<1x768xf32, #tpu.memory_space<vmem>>
      %dma_start3A_547 = arith.constant 0 : i32
      %dma_start3A_548 = tpu.memref_slice %arg5[%squeeze3A_543, %dma_start3A_547] : memref<1024x768xf32, #tpu.memory_space<vmem_shared>> -> memref<1x768xf32, #tpu.memory_space<vmem_shared>>
      %dma_start3A_549 = arith.constant 4 : i32
      %dma_start3A_550 = arith.constant 0 : i32
      %dma_start3A_551 = tpu.memref_slice %arg8[%dma_start3A_549, %dma_start3A_550] : memref<32x768xf32, #tpu.memory_space<vmem>> -> memref<1x768xf32, #tpu.memory_space<vmem>>
      %dma_start3A_552 = arith.constant 0 : i32
      %dma_start3A_553 = tpu.memref_slice %arg5[%squeeze3A_543, %dma_start3A_552] : memref<1024x768xf32, #tpu.memory_space<vmem_shared>> -> memref<1x768xf32, #tpu.memory_space<vmem_shared>>
      tpu.enqueue_dma source(%dma_start3A_553 : memref<1x768xf32, #tpu.memory_space<vmem_shared>>) target(%dma_start3A_551 : memref<1x768xf32, #tpu.memory_space<vmem>>) target_semaphore(%arg10 : memref<!tpu.dma_semaphore, #tpu.memory_space<semaphore_mem>>)
      %slice3A_554 = vector.extract_strided_slice %get3A_493 {offsets = [5], sizes = [1], strides = [1]} : vector<16xi32> to vector<1xi32>
      %squeeze3A_555 = vector.extract %slice3A_554[0] : i32 from vector<1xi32>
      %dma_start3A_556 = arith.constant 5 : i32
      %dma_start3A_557 = arith.constant 0 : i32
      %dma_start3A_558 = tpu.memref_slice %arg8[%dma_start3A_556, %dma_start3A_557] : memref<32x768xf32, #tpu.memory_space<vmem>> -> memref<1x768xf32, #tpu.memory_space<vmem>>
      %dma_start3A_559 = arith.constant 0 : i32
      %dma_start3A_560 = tpu.memref_slice %arg5[%squeeze3A_555, %dma_start3A_559] : memref<1024x768xf32, #tpu.memory_space<vmem_shared>> -> memref<1x768xf32, #tpu.memory_space<vmem_shared>>
      %dma_start3A_561 = arith.constant 5 : i32
      %dma_start3A_562 = arith.constant 0 : i32
      %dma_start3A_563 = tpu.memref_slice %arg8[%dma_start3A_561, %dma_start3A_562] : memref<32x768xf32, #tpu.memory_space<vmem>> -> memref<1x768xf32, #tpu.memory_space<vmem>>
      %dma_start3A_564 = arith.constant 0 : i32
      %dma_start3A_565 = tpu.memref_slice %arg5[%squeeze3A_555, %dma_start3A_564] : memref<1024x768xf32, #tpu.memory_space<vmem_shared>> -> memref<1x768xf32, #tpu.memory_space<vmem_shared>>
      tpu.enqueue_dma source(%dma_start3A_565 : memref<1x768xf32, #tpu.memory_space<vmem_shared>>) target(%dma_start3A_563 : memref<1x768xf32, #tpu.memory_space<vmem>>) target_semaphore(%arg10 : memref<!tpu.dma_semaphore, #tpu.memory_space<semaphore_mem>>)
      %slice3A_566 = vector.extract_strided_slice %get3A_493 {offsets = [6], sizes = [1], strides = [1]} : vector<16xi32> to vector<1xi32>
      %squeeze3A_567 = vector.extract %slice3A_566[0] : i32 from vector<1xi32>
      %dma_start3A_568 = arith.constant 6 : i32
      %dma_start3A_569 = arith.constant 0 : i32
      %dma_start3A_570 = tpu.memref_slice %arg8[%dma_start3A_568, %dma_start3A_569] : memref<32x768xf32, #tpu.memory_space<vmem>> -> memref<1x768xf32, #tpu.memory_space<vmem>>
      %dma_start3A_571 = arith.constant 0 : i32
      %dma_start3A_572 = tpu.memref_slice %arg5[%squeeze3A_567, %dma_start3A_571] : memref<1024x768xf32, #tpu.memory_space<vmem_shared>> -> memref<1x768xf32, #tpu.memory_space<vmem_shared>>
      %dma_start3A_573 = arith.constant 6 : i32
      %dma_start3A_574 = arith.constant 0 : i32
      %dma_start3A_575 = tpu.memref_slice %arg8[%dma_start3A_573, %dma_start3A_574] : memref<32x768xf32, #tpu.memory_space<vmem>> -> memref<1x768xf32, #tpu.memory_space<vmem>>
      %dma_start3A_576 = arith.constant 0 : i32
      %dma_start3A_577 = tpu.memref_slice %arg5[%squeeze3A_567, %dma_start3A_576] : memref<1024x768xf32, #tpu.memory_space<vmem_shared>> -> memref<1x768xf32, #tpu.memory_space<vmem_shared>>
      tpu.enqueue_dma source(%dma_start3A_577 : memref<1x768xf32, #tpu.memory_space<vmem_shared>>) target(%dma_start3A_575 : memref<1x768xf32, #tpu.memory_space<vmem>>) target_semaphore(%arg10 : memref<!tpu.dma_semaphore, #tpu.memory_space<semaphore_mem>>)
      %slice3A_578 = vector.extract_strided_slice %get3A_493 {offsets = [7], sizes = [1], strides = [1]} : vector<16xi32> to vector<1xi32>
      %squeeze3A_579 = vector.extract %slice3A_578[0] : i32 from vector<1xi32>
      %dma_start3A_580 = arith.constant 7 : i32
      %dma_start3A_581 = arith.constant 0 : i32
      %dma_start3A_582 = tpu.memref_slice %arg8[%dma_start3A_580, %dma_start3A_581] : memref<32x768xf32, #tpu.memory_space<vmem>> -> memref<1x768xf32, #tpu.memory_space<vmem>>
      %dma_start3A_583 = arith.constant 0 : i32
      %dma_start3A_584 = tpu.memref_slice %arg5[%squeeze3A_579, %dma_start3A_583] : memref<1024x768xf32, #tpu.memory_space<vmem_shared>> -> memref<1x768xf32, #tpu.memory_space<vmem_shared>>
      %dma_start3A_585 = arith.constant 7 : i32
      %dma_start3A_586 = arith.constant 0 : i32
      %dma_start3A_587 = tpu.memref_slice %arg8[%dma_start3A_585, %dma_start3A_586] : memref<32x768xf32, #tpu.memory_space<vmem>> -> memref<1x768xf32, #tpu.memory_space<vmem>>
      %dma_start3A_588 = arith.constant 0 : i32
      %dma_start3A_589 = tpu.memref_slice %arg5[%squeeze3A_579, %dma_start3A_588] : memref<1024x768xf32, #tpu.memory_space<vmem_shared>> -> memref<1x768xf32, #tpu.memory_space<vmem_shared>>
      tpu.enqueue_dma source(%dma_start3A_589 : memref<1x768xf32, #tpu.memory_space<vmem_shared>>) target(%dma_start3A_587 : memref<1x768xf32, #tpu.memory_space<vmem>>) target_semaphore(%arg10 : memref<!tpu.dma_semaphore, #tpu.memory_space<semaphore_mem>>)
      %slice3A_590 = vector.extract_strided_slice %get3A_493 {offsets = [8], sizes = [1], strides = [1]} : vector<16xi32> to vector<1xi32>
      %squeeze3A_591 = vector.extract %slice3A_590[0] : i32 from vector<1xi32>
      %dma_start3A_592 = arith.constant 8 : i32
      %dma_start3A_593 = arith.constant 0 : i32
      %dma_start3A_594 = tpu.memref_slice %arg8[%dma_start3A_592, %dma_start3A_593] : memref<32x768xf32, #tpu.memory_space<vmem>> -> memref<1x768xf32, #tpu.memory_space<vmem>>
      %dma_start3A_595 = arith.constant 0 : i32
      %dma_start3A_596 = tpu.memref_slice %arg5[%squeeze3A_591, %dma_start3A_595] : memref<1024x768xf32, #tpu.memory_space<vmem_shared>> -> memref<1x768xf32, #tpu.memory_space<vmem_shared>>
      %dma_start3A_597 = arith.constant 8 : i32
      %dma_start3A_598 = arith.constant 0 : i32
      %dma_start3A_599 = tpu.memref_slice %arg8[%dma_start3A_597, %dma_start3A_598] : memref<32x768xf32, #tpu.memory_space<vmem>> -> memref<1x768xf32, #tpu.memory_space<vmem>>
      %dma_start3A_600 = arith.constant 0 : i32
      %dma_start3A_601 = tpu.memref_slice %arg5[%squeeze3A_591, %dma_start3A_600] : memref<1024x768xf32, #tpu.memory_space<vmem_shared>> -> memref<1x768xf32, #tpu.memory_space<vmem_shared>>
      tpu.enqueue_dma source(%dma_start3A_601 : memref<1x768xf32, #tpu.memory_space<vmem_shared>>) target(%dma_start3A_599 : memref<1x768xf32, #tpu.memory_space<vmem>>) target_semaphore(%arg10 : memref<!tpu.dma_semaphore, #tpu.memory_space<semaphore_mem>>)
      %slice3A_602 = vector.extract_strided_slice %get3A_493 {offsets = [9], sizes = [1], strides = [1]} : vector<16xi32> to vector<1xi32>
      %squeeze3A_603 = vector.extract %slice3A_602[0] : i32 from vector<1xi32>
      %dma_start3A_604 = arith.constant 9 : i32
      %dma_start3A_605 = arith.constant 0 : i32
      %dma_start3A_606 = tpu.memref_slice %arg8[%dma_start3A_604, %dma_start3A_605] : memref<32x768xf32, #tpu.memory_space<vmem>> -> memref<1x768xf32, #tpu.memory_space<vmem>>
      %dma_start3A_607 = arith.constant 0 : i32
      %dma_start3A_608 = tpu.memref_slice %arg5[%squeeze3A_603, %dma_start3A_607] : memref<1024x768xf32, #tpu.memory_space<vmem_shared>> -> memref<1x768xf32, #tpu.memory_space<vmem_shared>>
      %dma_start3A_609 = arith.constant 9 : i32
      %dma_start3A_610 = arith.constant 0 : i32
      %dma_start3A_611 = tpu.memref_slice %arg8[%dma_start3A_609, %dma_start3A_610] : memref<32x768xf32, #tpu.memory_space<vmem>> -> memref<1x768xf32, #tpu.memory_space<vmem>>
      %dma_start3A_612 = arith.constant 0 : i32
      %dma_start3A_613 = tpu.memref_slice %arg5[%squeeze3A_603, %dma_start3A_612] : memref<1024x768xf32, #tpu.memory_space<vmem_shared>> -> memref<1x768xf32, #tpu.memory_space<vmem_shared>>
      tpu.enqueue_dma source(%dma_start3A_613 : memref<1x768xf32, #tpu.memory_space<vmem_shared>>) target(%dma_start3A_611 : memref<1x768xf32, #tpu.memory_space<vmem>>) target_semaphore(%arg10 : memref<!tpu.dma_semaphore, #tpu.memory_space<semaphore_mem>>)
      %slice3A_614 = vector.extract_strided_slice %get3A_493 {offsets = [10], sizes = [1], strides = [1]} : vector<16xi32> to vector<1xi32>
      %squeeze3A_615 = vector.extract %slice3A_614[0] : i32 from vector<1xi32>
      %dma_start3A_616 = arith.constant 10 : i32
      %dma_start3A_617 = arith.constant 0 : i32
      %dma_start3A_618 = tpu.memref_slice %arg8[%dma_start3A_616, %dma_start3A_617] : memref<32x768xf32, #tpu.memory_space<vmem>> -> memref<1x768xf32, #tpu.memory_space<vmem>>
      %dma_start3A_619 = arith.constant 0 : i32
      %dma_start3A_620 = tpu.memref_slice %arg5[%squeeze3A_615, %dma_start3A_619] : memref<1024x768xf32, #tpu.memory_space<vmem_shared>> -> memref<1x768xf32, #tpu.memory_space<vmem_shared>>
      %dma_start3A_621 = arith.constant 10 : i32
      %dma_start3A_622 = arith.constant 0 : i32
      %dma_start3A_623 = tpu.memref_slice %arg8[%dma_start3A_621, %dma_start3A_622] : memref<32x768xf32, #tpu.memory_space<vmem>> -> memref<1x768xf32, #tpu.memory_space<vmem>>
      %dma_start3A_624 = arith.constant 0 : i32
      %dma_start3A_625 = tpu.memref_slice %arg5[%squeeze3A_615, %dma_start3A_624] : memref<1024x768xf32, #tpu.memory_space<vmem_shared>> -> memref<1x768xf32, #tpu.memory_space<vmem_shared>>
      tpu.enqueue_dma source(%dma_start3A_625 : memref<1x768xf32, #tpu.memory_space<vmem_shared>>) target(%dma_start3A_623 : memref<1x768xf32, #tpu.memory_space<vmem>>) target_semaphore(%arg10 : memref<!tpu.dma_semaphore, #tpu.memory_space<semaphore_mem>>)
      %slice3A_626 = vector.extract_strided_slice %get3A_493 {offsets = [11], sizes = [1], strides = [1]} : vector<16xi32> to vector<1xi32>
      %squeeze3A_627 = vector.extract %slice3A_626[0] : i32 from vector<1xi32>
      %dma_start3A_628 = arith.constant 11 : i32
      %dma_start3A_629 = arith.constant 0 : i32
      %dma_start3A_630 = tpu.memref_slice %arg8[%dma_start3A_628, %dma_start3A_629] : memref<32x768xf32, #tpu.memory_space<vmem>> -> memref<1x768xf32, #tpu.memory_space<vmem>>
      %dma_start3A_631 = arith.constant 0 : i32
      %dma_start3A_632 = tpu.memref_slice %arg5[%squeeze3A_627, %dma_start3A_631] : memref<1024x768xf32, #tpu.memory_space<vmem_shared>> -> memref<1x768xf32, #tpu.memory_space<vmem_shared>>
      %dma_start3A_633 = arith.constant 11 : i32
      %dma_start3A_634 = arith.constant 0 : i32
      %dma_start3A_635 = tpu.memref_slice %arg8[%dma_start3A_633, %dma_start3A_634] : memref<32x768xf32, #tpu.memory_space<vmem>> -> memref<1x768xf32, #tpu.memory_space<vmem>>
      %dma_start3A_636 = arith.constant 0 : i32
      %dma_start3A_637 = tpu.memref_slice %arg5[%squeeze3A_627, %dma_start3A_636] : memref<1024x768xf32, #tpu.memory_space<vmem_shared>> -> memref<1x768xf32, #tpu.memory_space<vmem_shared>>
      tpu.enqueue_dma source(%dma_start3A_637 : memref<1x768xf32, #tpu.memory_space<vmem_shared>>) target(%dma_start3A_635 : memref<1x768xf32, #tpu.memory_space<vmem>>) target_semaphore(%arg10 : memref<!tpu.dma_semaphore, #tpu.memory_space<semaphore_mem>>)
      %slice3A_638 = vector.extract_strided_slice %get3A_493 {offsets = [12], sizes = [1], strides = [1]} : vector<16xi32> to vector<1xi32>
      %squeeze3A_639 = vector.extract %slice3A_638[0] : i32 from vector<1xi32>
      %dma_start3A_640 = arith.constant 12 : i32
      %dma_start3A_641 = arith.constant 0 : i32
      %dma_start3A_642 = tpu.memref_slice %arg8[%dma_start3A_640, %dma_start3A_641] : memref<32x768xf32, #tpu.memory_space<vmem>> -> memref<1x768xf32, #tpu.memory_space<vmem>>
      %dma_start3A_643 = arith.constant 0 : i32
      %dma_start3A_644 = tpu.memref_slice %arg5[%squeeze3A_639, %dma_start3A_643] : memref<1024x768xf32, #tpu.memory_space<vmem_shared>> -> memref<1x768xf32, #tpu.memory_space<vmem_shared>>
      %dma_start3A_645 = arith.constant 12 : i32
      %dma_start3A_646 = arith.constant 0 : i32
      %dma_start3A_647 = tpu.memref_slice %arg8[%dma_start3A_645, %dma_start3A_646] : memref<32x768xf32, #tpu.memory_space<vmem>> -> memref<1x768xf32, #tpu.memory_space<vmem>>
      %dma_start3A_648 = arith.constant 0 : i32
      %dma_start3A_649 = tpu.memref_slice %arg5[%squeeze3A_639, %dma_start3A_648] : memref<1024x768xf32, #tpu.memory_space<vmem_shared>> -> memref<1x768xf32, #tpu.memory_space<vmem_shared>>
      tpu.enqueue_dma source(%dma_start3A_649 : memref<1x768xf32, #tpu.memory_space<vmem_shared>>) target(%dma_start3A_647 : memref<1x768xf32, #tpu.memory_space<vmem>>) target_semaphore(%arg10 : memref<!tpu.dma_semaphore, #tpu.memory_space<semaphore_mem>>)
      %slice3A_650 = vector.extract_strided_slice %get3A_493 {offsets = [13], sizes = [1], strides = [1]} : vector<16xi32> to vector<1xi32>
      %squeeze3A_651 = vector.extract %slice3A_650[0] : i32 from vector<1xi32>
      %dma_start3A_652 = arith.constant 13 : i32
      %dma_start3A_653 = arith.constant 0 : i32
      %dma_start3A_654 = tpu.memref_slice %arg8[%dma_start3A_652, %dma_start3A_653] : memref<32x768xf32, #tpu.memory_space<vmem>> -> memref<1x768xf32, #tpu.memory_space<vmem>>
      %dma_start3A_655 = arith.constant 0 : i32
      %dma_start3A_656 = tpu.memref_slice %arg5[%squeeze3A_651, %dma_start3A_655] : memref<1024x768xf32, #tpu.memory_space<vmem_shared>> -> memref<1x768xf32, #tpu.memory_space<vmem_shared>>
      %dma_start3A_657 = arith.constant 13 : i32
      %dma_start3A_658 = arith.constant 0 : i32
      %dma_start3A_659 = tpu.memref_slice %arg8[%dma_start3A_657, %dma_start3A_658] : memref<32x768xf32, #tpu.memory_space<vmem>> -> memref<1x768xf32, #tpu.memory_space<vmem>>
      %dma_start3A_660 = arith.constant 0 : i32
      %dma_start3A_661 = tpu.memref_slice %arg5[%squeeze3A_651, %dma_start3A_660] : memref<1024x768xf32, #tpu.memory_space<vmem_shared>> -> memref<1x768xf32, #tpu.memory_space<vmem_shared>>
      tpu.enqueue_dma source(%dma_start3A_661 : memref<1x768xf32, #tpu.memory_space<vmem_shared>>) target(%dma_start3A_659 : memref<1x768xf32, #tpu.memory_space<vmem>>) target_semaphore(%arg10 : memref<!tpu.dma_semaphore, #tpu.memory_space<semaphore_mem>>)
      %slice3A_662 = vector.extract_strided_slice %get3A_493 {offsets = [14], sizes = [1], strides = [1]} : vector<16xi32> to vector<1xi32>
      %squeeze3A_663 = vector.extract %slice3A_662[0] : i32 from vector<1xi32>
      %dma_start3A_664 = arith.constant 14 : i32
      %dma_start3A_665 = arith.constant 0 : i32
      %dma_start3A_666 = tpu.memref_slice %arg8[%dma_start3A_664, %dma_start3A_665] : memref<32x768xf32, #tpu.memory_space<vmem>> -> memref<1x768xf32, #tpu.memory_space<vmem>>
      %dma_start3A_667 = arith.constant 0 : i32
      %dma_start3A_668 = tpu.memref_slice %arg5[%squeeze3A_663, %dma_start3A_667] : memref<1024x768xf32, #tpu.memory_space<vmem_shared>> -> memref<1x768xf32, #tpu.memory_space<vmem_shared>>
      %dma_start3A_669 = arith.constant 14 : i32
      %dma_start3A_670 = arith.constant 0 : i32
      %dma_start3A_671 = tpu.memref_slice %arg8[%dma_start3A_669, %dma_start3A_670] : memref<32x768xf32, #tpu.memory_space<vmem>> -> memref<1x768xf32, #tpu.memory_space<vmem>>
      %dma_start3A_672 = arith.constant 0 : i32
      %dma_start3A_673 = tpu.memref_slice %arg5[%squeeze3A_663, %dma_start3A_672] : memref<1024x768xf32, #tpu.memory_space<vmem_shared>> -> memref<1x768xf32, #tpu.memory_space<vmem_shared>>
      tpu.enqueue_dma source(%dma_start3A_673 : memref<1x768xf32, #tpu.memory_space<vmem_shared>>) target(%dma_start3A_671 : memref<1x768xf32, #tpu.memory_space<vmem>>) target_semaphore(%arg10 : memref<!tpu.dma_semaphore, #tpu.memory_space<semaphore_mem>>)
      %slice3A_674 = vector.extract_strided_slice %get3A_493 {offsets = [15], sizes = [1], strides = [1]} : vector<16xi32> to vector<1xi32>
      %squeeze3A_675 = vector.extract %slice3A_674[0] : i32 from vector<1xi32>
      %dma_start3A_676 = arith.constant 15 : i32
      %dma_start3A_677 = arith.constant 0 : i32
      %dma_start3A_678 = tpu.memref_slice %arg8[%dma_start3A_676, %dma_start3A_677] : memref<32x768xf32, #tpu.memory_space<vmem>> -> memref<1x768xf32, #tpu.memory_space<vmem>>
      %dma_start3A_679 = arith.constant 0 : i32
      %dma_start3A_680 = tpu.memref_slice %arg5[%squeeze3A_675, %dma_start3A_679] : memref<1024x768xf32, #tpu.memory_space<vmem_shared>> -> memref<1x768xf32, #tpu.memory_space<vmem_shared>>
      %dma_start3A_681 = arith.constant 15 : i32
      %dma_start3A_682 = arith.constant 0 : i32
      %dma_start3A_683 = tpu.memref_slice %arg8[%dma_start3A_681, %dma_start3A_682] : memref<32x768xf32, #tpu.memory_space<vmem>> -> memref<1x768xf32, #tpu.memory_space<vmem>>
      %dma_start3A_684 = arith.constant 0 : i32
      %dma_start3A_685 = tpu.memref_slice %arg5[%squeeze3A_675, %dma_start3A_684] : memref<1024x768xf32, #tpu.memory_space<vmem_shared>> -> memref<1x768xf32, #tpu.memory_space<vmem_shared>>
      tpu.enqueue_dma source(%dma_start3A_685 : memref<1x768xf32, #tpu.memory_space<vmem_shared>>) target(%dma_start3A_683 : memref<1x768xf32, #tpu.memory_space<vmem>>) target_semaphore(%arg10 : memref<!tpu.dma_semaphore, #tpu.memory_space<semaphore_mem>>)
      %mul3A_686 = arith.constant 32 : i32
      %mul3A_687 = arith.muli %add3A_486, %mul3A_686 : i32
      %add3A_688 = arith.constant 16 : i32
      %add3A_689 = arith.addi %mul3A_687, %add3A_688 : i32
      %get3A_690 = arith.index_cast %add3A_689 : i32 to index
      %get3A_691 = tpu.vector_load %arg6[%get3A_690] {strides = array<i32>} : memref<512xi32, #tpu.memory_space<vmem>>, vector<16xi32>,
      %get3A_692 = vector.shape_cast %get3A_691 : vector<16xi32> to vector<16xi32>
      %slice3A_693 = vector.extract_strided_slice %get3A_692 {offsets = [0], sizes = [1], strides = [1]} : vector<16xi32> to vector<1xi32>
      %squeeze3A_694 = vector.extract %slice3A_693[0] : i32 from vector<1xi32>
      %dma_start3A_695 = arith.constant 16 : i32
      %dma_start3A_696 = arith.constant 0 : i32
      %dma_start3A_697 = tpu.memref_slice %arg8[%dma_start3A_695, %dma_start3A_696] : memref<32x768xf32, #tpu.memory_space<vmem>> -> memref<1x768xf32, #tpu.memory_space<vmem>>
      %dma_start3A_698 = arith.constant 0 : i32
      %dma_start3A_699 = tpu.memref_slice %arg5[%squeeze3A_694, %dma_start3A_698] : memref<1024x768xf32, #tpu.memory_space<vmem_shared>> -> memref<1x768xf32, #tpu.memory_space<vmem_shared>>
      %dma_start3A_700 = arith.constant 16 : i32
      %dma_start3A_701 = arith.constant 0 : i32
      %dma_start3A_702 = tpu.memref_slice %arg8[%dma_start3A_700, %dma_start3A_701] : memref<32x768xf32, #tpu.memory_space<vmem>> -> memref<1x768xf32, #tpu.memory_space<vmem>>
      %dma_start3A_703 = arith.constant 0 : i32
      %dma_start3A_704 = tpu.memref_slice %arg5[%squeeze3A_694, %dma_start3A_703] : memref<1024x768xf32, #tpu.memory_space<vmem_shared>> -> memref<1x768xf32, #tpu.memory_space<vmem_shared>>
      tpu.enqueue_dma source(%dma_start3A_704 : memref<1x768xf32, #tpu.memory_space<vmem_shared>>) target(%dma_start3A_702 : memref<1x768xf32, #tpu.memory_space<vmem>>) target_semaphore(%arg10 : memref<!tpu.dma_semaphore, #tpu.memory_space<semaphore_mem>>)
      %slice3A_705 = vector.extract_strided_slice %get3A_692 {offsets = [1], sizes = [1], strides = [1]} : vector<16xi32> to vector<1xi32>
      %squeeze3A_706 = vector.extract %slice3A_705[0] : i32 from vector<1xi32>
      %dma_start3A_707 = arith.constant 17 : i32
      %dma_start3A_708 = arith.constant 0 : i32
      %dma_start3A_709 = tpu.memref_slice %arg8[%dma_start3A_707, %dma_start3A_708] : memref<32x768xf32, #tpu.memory_space<vmem>> -> memref<1x768xf32, #tpu.memory_space<vmem>>
      %dma_start3A_710 = arith.constant 0 : i32
      %dma_start3A_711 = tpu.memref_slice %arg5[%squeeze3A_706, %dma_start3A_710] : memref<1024x768xf32, #tpu.memory_space<vmem_shared>> -> memref<1x768xf32, #tpu.memory_space<vmem_shared>>
      %dma_start3A_712 = arith.constant 17 : i32
      %dma_start3A_713 = arith.constant 0 : i32
      %dma_start3A_714 = tpu.memref_slice %arg8[%dma_start3A_712, %dma_start3A_713] : memref<32x768xf32, #tpu.memory_space<vmem>> -> memref<1x768xf32, #tpu.memory_space<vmem>>
      %dma_start3A_715 = arith.constant 0 : i32
      %dma_start3A_716 = tpu.memref_slice %arg5[%squeeze3A_706, %dma_start3A_715] : memref<1024x768xf32, #tpu.memory_space<vmem_shared>> -> memref<1x768xf32, #tpu.memory_space<vmem_shared>>
      tpu.enqueue_dma source(%dma_start3A_716 : memref<1x768xf32, #tpu.memory_space<vmem_shared>>) target(%dma_start3A_714 : memref<1x768xf32, #tpu.memory_space<vmem>>) target_semaphore(%arg10 : memref<!tpu.dma_semaphore, #tpu.memory_space<semaphore_mem>>)
      %slice3A_717 = vector.extract_strided_slice %get3A_692 {offsets = [2], sizes = [1], strides = [1]} : vector<16xi32> to vector<1xi32>
      %squeeze3A_718 = vector.extract %slice3A_717[0] : i32 from vector<1xi32>
      %dma_start3A_719 = arith.constant 18 : i32
      %dma_start3A_720 = arith.constant 0 : i32
      %dma_start3A_721 = tpu.memref_slice %arg8[%dma_start3A_719, %dma_start3A_720] : memref<32x768xf32, #tpu.memory_space<vmem>> -> memref<1x768xf32, #tpu.memory_space<vmem>>
      %dma_start3A_722 = arith.constant 0 : i32
      %dma_start3A_723 = tpu.memref_slice %arg5[%squeeze3A_718, %dma_start3A_722] : memref<1024x768xf32, #tpu.memory_space<vmem_shared>> -> memref<1x768xf32, #tpu.memory_space<vmem_shared>>
      %dma_start3A_724 = arith.constant 18 : i32
      %dma_start3A_725 = arith.constant 0 : i32
      %dma_start3A_726 = tpu.memref_slice %arg8[%dma_start3A_724, %dma_start3A_725] : memref<32x768xf32, #tpu.memory_space<vmem>> -> memref<1x768xf32, #tpu.memory_space<vmem>>
      %dma_start3A_727 = arith.constant 0 : i32
      %dma_start3A_728 = tpu.memref_slice %arg5[%squeeze3A_718, %dma_start3A_727] : memref<1024x768xf32, #tpu.memory_space<vmem_shared>> -> memref<1x768xf32, #tpu.memory_space<vmem_shared>>
      tpu.enqueue_dma source(%dma_start3A_728 : memref<1x768xf32, #tpu.memory_space<vmem_shared>>) target(%dma_start3A_726 : memref<1x768xf32, #tpu.memory_space<vmem>>) target_semaphore(%arg10 : memref<!tpu.dma_semaphore, #tpu.memory_space<semaphore_mem>>)
      %slice3A_729 = vector.extract_strided_slice %get3A_692 {offsets = [3], sizes = [1], strides = [1]} : vector<16xi32> to vector<1xi32>
      %squeeze3A_730 = vector.extract %slice3A_729[0] : i32 from vector<1xi32>
      %dma_start3A_731 = arith.constant 19 : i32
      %dma_start3A_732 = arith.constant 0 : i32
      %dma_start3A_733 = tpu.memref_slice %arg8[%dma_start3A_731, %dma_start3A_732] : memref<32x768xf32, #tpu.memory_space<vmem>> -> memref<1x768xf32, #tpu.memory_space<vmem>>
      %dma_start3A_734 = arith.constant 0 : i32
      %dma_start3A_735 = tpu.memref_slice %arg5[%squeeze3A_730, %dma_start3A_734] : memref<1024x768xf32, #tpu.memory_space<vmem_shared>> -> memref<1x768xf32, #tpu.memory_space<vmem_shared>>
      %dma_start3A_736 = arith.constant 19 : i32
      %dma_start3A_737 = arith.constant 0 : i32
      %dma_start3A_738 = tpu.memref_slice %arg8[%dma_start3A_736, %dma_start3A_737] : memref<32x768xf32, #tpu.memory_space<vmem>> -> memref<1x768xf32, #tpu.memory_space<vmem>>
      %dma_start3A_739 = arith.constant 0 : i32
      %dma_start3A_740 = tpu.memref_slice %arg5[%squeeze3A_730, %dma_start3A_739] : memref<1024x768xf32, #tpu.memory_space<vmem_shared>> -> memref<1x768xf32, #tpu.memory_space<vmem_shared>>
      tpu.enqueue_dma source(%dma_start3A_740 : memref<1x768xf32, #tpu.memory_space<vmem_shared>>) target(%dma_start3A_738 : memref<1x768xf32, #tpu.memory_space<vmem>>) target_semaphore(%arg10 : memref<!tpu.dma_semaphore, #tpu.memory_space<semaphore_mem>>)
      %slice3A_741 = vector.extract_strided_slice %get3A_692 {offsets = [4], sizes = [1], strides = [1]} : vector<16xi32> to vector<1xi32>
      %squeeze3A_742 = vector.extract %slice3A_741[0] : i32 from vector<1xi32>
      %dma_start3A_743 = arith.constant 20 : i32
      %dma_start3A_744 = arith.constant 0 : i32
      %dma_start3A_745 = tpu.memref_slice %arg8[%dma_start3A_743, %dma_start3A_744] : memref<32x768xf32, #tpu.memory_space<vmem>> -> memref<1x768xf32, #tpu.memory_space<vmem>>
      %dma_start3A_746 = arith.constant 0 : i32
      %dma_start3A_747 = tpu.memref_slice %arg5[%squeeze3A_742, %dma_start3A_746] : memref<1024x768xf32, #tpu.memory_space<vmem_shared>> -> memref<1x768xf32, #tpu.memory_space<vmem_shared>>
      %dma_start3A_748 = arith.constant 20 : i32
      %dma_start3A_749 = arith.constant 0 : i32
      %dma_start3A_750 = tpu.memref_slice %arg8[%dma_start3A_748, %dma_start3A_749] : memref<32x768xf32, #tpu.memory_space<vmem>> -> memref<1x768xf32, #tpu.memory_space<vmem>>
      %dma_start3A_751 = arith.constant 0 : i32
      %dma_start3A_752 = tpu.memref_slice %arg5[%squeeze3A_742, %dma_start3A_751] : memref<1024x768xf32, #tpu.memory_space<vmem_shared>> -> memref<1x768xf32, #tpu.memory_space<vmem_shared>>
      tpu.enqueue_dma source(%dma_start3A_752 : memref<1x768xf32, #tpu.memory_space<vmem_shared>>) target(%dma_start3A_750 : memref<1x768xf32, #tpu.memory_space<vmem>>) target_semaphore(%arg10 : memref<!tpu.dma_semaphore, #tpu.memory_space<semaphore_mem>>)
      %slice3A_753 = vector.extract_strided_slice %get3A_692 {offsets = [5], sizes = [1], strides = [1]} : vector<16xi32> to vector<1xi32>
      %squeeze3A_754 = vector.extract %slice3A_753[0] : i32 from vector<1xi32>
      %dma_start3A_755 = arith.constant 21 : i32
      %dma_start3A_756 = arith.constant 0 : i32
      %dma_start3A_757 = tpu.memref_slice %arg8[%dma_start3A_755, %dma_start3A_756] : memref<32x768xf32, #tpu.memory_space<vmem>> -> memref<1x768xf32, #tpu.memory_space<vmem>>
      %dma_start3A_758 = arith.constant 0 : i32
      %dma_start3A_759 = tpu.memref_slice %arg5[%squeeze3A_754, %dma_start3A_758] : memref<1024x768xf32, #tpu.memory_space<vmem_shared>> -> memref<1x768xf32, #tpu.memory_space<vmem_shared>>
      %dma_start3A_760 = arith.constant 21 : i32
      %dma_start3A_761 = arith.constant 0 : i32
      %dma_start3A_762 = tpu.memref_slice %arg8[%dma_start3A_760, %dma_start3A_761] : memref<32x768xf32, #tpu.memory_space<vmem>> -> memref<1x768xf32, #tpu.memory_space<vmem>>
      %dma_start3A_763 = arith.constant 0 : i32
      %dma_start3A_764 = tpu.memref_slice %arg5[%squeeze3A_754, %dma_start3A_763] : memref<1024x768xf32, #tpu.memory_space<vmem_shared>> -> memref<1x768xf32, #tpu.memory_space<vmem_shared>>
      tpu.enqueue_dma source(%dma_start3A_764 : memref<1x768xf32, #tpu.memory_space<vmem_shared>>) target(%dma_start3A_762 : memref<1x768xf32, #tpu.memory_space<vmem>>) target_semaphore(%arg10 : memref<!tpu.dma_semaphore, #tpu.memory_space<semaphore_mem>>)
      %slice3A_765 = vector.extract_strided_slice %get3A_692 {offsets = [6], sizes = [1], strides = [1]} : vector<16xi32> to vector<1xi32>
      %squeeze3A_766 = vector.extract %slice3A_765[0] : i32 from vector<1xi32>
      %dma_start3A_767 = arith.constant 22 : i32
      %dma_start3A_768 = arith.constant 0 : i32
      %dma_start3A_769 = tpu.memref_slice %arg8[%dma_start3A_767, %dma_start3A_768] : memref<32x768xf32, #tpu.memory_space<vmem>> -> memref<1x768xf32, #tpu.memory_space<vmem>>
      %dma_start3A_770 = arith.constant 0 : i32
      %dma_start3A_771 = tpu.memref_slice %arg5[%squeeze3A_766, %dma_start3A_770] : memref<1024x768xf32, #tpu.memory_space<vmem_shared>> -> memref<1x768xf32, #tpu.memory_space<vmem_shared>>
      %dma_start3A_772 = arith.constant 22 : i32
      %dma_start3A_773 = arith.constant 0 : i32
      %dma_start3A_774 = tpu.memref_slice %arg8[%dma_start3A_772, %dma_start3A_773] : memref<32x768xf32, #tpu.memory_space<vmem>> -> memref<1x768xf32, #tpu.memory_space<vmem>>
      %dma_start3A_775 = arith.constant 0 : i32
      %dma_start3A_776 = tpu.memref_slice %arg5[%squeeze3A_766, %dma_start3A_775] : memref<1024x768xf32, #tpu.memory_space<vmem_shared>> -> memref<1x768xf32, #tpu.memory_space<vmem_shared>>
      tpu.enqueue_dma source(%dma_start3A_776 : memref<1x768xf32, #tpu.memory_space<vmem_shared>>) target(%dma_start3A_774 : memref<1x768xf32, #tpu.memory_space<vmem>>) target_semaphore(%arg10 : memref<!tpu.dma_semaphore, #tpu.memory_space<semaphore_mem>>)
      %slice3A_777 = vector.extract_strided_slice %get3A_692 {offsets = [7], sizes = [1], strides = [1]} : vector<16xi32> to vector<1xi32>
      %squeeze3A_778 = vector.extract %slice3A_777[0] : i32 from vector<1xi32>
      %dma_start3A_779 = arith.constant 23 : i32
      %dma_start3A_780 = arith.constant 0 : i32
      %dma_start3A_781 = tpu.memref_slice %arg8[%dma_start3A_779, %dma_start3A_780] : memref<32x768xf32, #tpu.memory_space<vmem>> -> memref<1x768xf32, #tpu.memory_space<vmem>>
      %dma_start3A_782 = arith.constant 0 : i32
      %dma_start3A_783 = tpu.memref_slice %arg5[%squeeze3A_778, %dma_start3A_782] : memref<1024x768xf32, #tpu.memory_space<vmem_shared>> -> memref<1x768xf32, #tpu.memory_space<vmem_shared>>
      %dma_start3A_784 = arith.constant 23 : i32
      %dma_start3A_785 = arith.constant 0 : i32
      %dma_start3A_786 = tpu.memref_slice %arg8[%dma_start3A_784, %dma_start3A_785] : memref<32x768xf32, #tpu.memory_space<vmem>> -> memref<1x768xf32, #tpu.memory_space<vmem>>
      %dma_start3A_787 = arith.constant 0 : i32
      %dma_start3A_788 = tpu.memref_slice %arg5[%squeeze3A_778, %dma_start3A_787] : memref<1024x768xf32, #tpu.memory_space<vmem_shared>> -> memref<1x768xf32, #tpu.memory_space<vmem_shared>>
      tpu.enqueue_dma source(%dma_start3A_788 : memref<1x768xf32, #tpu.memory_space<vmem_shared>>) target(%dma_start3A_786 : memref<1x768xf32, #tpu.memory_space<vmem>>) target_semaphore(%arg10 : memref<!tpu.dma_semaphore, #tpu.memory_space<semaphore_mem>>)
      %slice3A_789 = vector.extract_strided_slice %get3A_692 {offsets = [8], sizes = [1], strides = [1]} : vector<16xi32> to vector<1xi32>
      %squeeze3A_790 = vector.extract %slice3A_789[0] : i32 from vector<1xi32>
      %dma_start3A_791 = arith.constant 24 : i32
      %dma_start3A_792 = arith.constant 0 : i32
      %dma_start3A_793 = tpu.memref_slice %arg8[%dma_start3A_791, %dma_start3A_792] : memref<32x768xf32, #tpu.memory_space<vmem>> -> memref<1x768xf32, #tpu.memory_space<vmem>>
      %dma_start3A_794 = arith.constant 0 : i32
      %dma_start3A_795 = tpu.memref_slice %arg5[%squeeze3A_790, %dma_start3A_794] : memref<1024x768xf32, #tpu.memory_space<vmem_shared>> -> memref<1x768xf32, #tpu.memory_space<vmem_shared>>
      %dma_start3A_796 = arith.constant 24 : i32
      %dma_start3A_797 = arith.constant 0 : i32
      %dma_start3A_798 = tpu.memref_slice %arg8[%dma_start3A_796, %dma_start3A_797] : memref<32x768xf32, #tpu.memory_space<vmem>> -> memref<1x768xf32, #tpu.memory_space<vmem>>
      %dma_start3A_799 = arith.constant 0 : i32
      %dma_start3A_800 = tpu.memref_slice %arg5[%squeeze3A_790, %dma_start3A_799] : memref<1024x768xf32, #tpu.memory_space<vmem_shared>> -> memref<1x768xf32, #tpu.memory_space<vmem_shared>>
      tpu.enqueue_dma source(%dma_start3A_800 : memref<1x768xf32, #tpu.memory_space<vmem_shared>>) target(%dma_start3A_798 : memref<1x768xf32, #tpu.memory_space<vmem>>) target_semaphore(%arg10 : memref<!tpu.dma_semaphore, #tpu.memory_space<semaphore_mem>>)
      %slice3A_801 = vector.extract_strided_slice %get3A_692 {offsets = [9], sizes = [1], strides = [1]} : vector<16xi32> to vector<1xi32>
      %squeeze3A_802 = vector.extract %slice3A_801[0] : i32 from vector<1xi32>
      %dma_start3A_803 = arith.constant 25 : i32
      %dma_start3A_804 = arith.constant 0 : i32
      %dma_start3A_805 = tpu.memref_slice %arg8[%dma_start3A_803, %dma_start3A_804] : memref<32x768xf32, #tpu.memory_space<vmem>> -> memref<1x768xf32, #tpu.memory_space<vmem>>
      %dma_start3A_806 = arith.constant 0 : i32
      %dma_start3A_807 = tpu.memref_slice %arg5[%squeeze3A_802, %dma_start3A_806] : memref<1024x768xf32, #tpu.memory_space<vmem_shared>> -> memref<1x768xf32, #tpu.memory_space<vmem_shared>>
      %dma_start3A_808 = arith.constant 25 : i32
      %dma_start3A_809 = arith.constant 0 : i32
      %dma_start3A_810 = tpu.memref_slice %arg8[%dma_start3A_808, %dma_start3A_809] : memref<32x768xf32, #tpu.memory_space<vmem>> -> memref<1x768xf32, #tpu.memory_space<vmem>>
      %dma_start3A_811 = arith.constant 0 : i32
      %dma_start3A_812 = tpu.memref_slice %arg5[%squeeze3A_802, %dma_start3A_811] : memref<1024x768xf32, #tpu.memory_space<vmem_shared>> -> memref<1x768xf32, #tpu.memory_space<vmem_shared>>
      tpu.enqueue_dma source(%dma_start3A_812 : memref<1x768xf32, #tpu.memory_space<vmem_shared>>) target(%dma_start3A_810 : memref<1x768xf32, #tpu.memory_space<vmem>>) target_semaphore(%arg10 : memref<!tpu.dma_semaphore, #tpu.memory_space<semaphore_mem>>)
      %slice3A_813 = vector.extract_strided_slice %get3A_692 {offsets = [10], sizes = [1], strides = [1]} : vector<16xi32> to vector<1xi32>
      %squeeze3A_814 = vector.extract %slice3A_813[0] : i32 from vector<1xi32>
      %dma_start3A_815 = arith.constant 26 : i32
      %dma_start3A_816 = arith.constant 0 : i32
      %dma_start3A_817 = tpu.memref_slice %arg8[%dma_start3A_815, %dma_start3A_816] : memref<32x768xf32, #tpu.memory_space<vmem>> -> memref<1x768xf32, #tpu.memory_space<vmem>>
      %dma_start3A_818 = arith.constant 0 : i32
      %dma_start3A_819 = tpu.memref_slice %arg5[%squeeze3A_814, %dma_start3A_818] : memref<1024x768xf32, #tpu.memory_space<vmem_shared>> -> memref<1x768xf32, #tpu.memory_space<vmem_shared>>
      %dma_start3A_820 = arith.constant 26 : i32
      %dma_start3A_821 = arith.constant 0 : i32
      %dma_start3A_822 = tpu.memref_slice %arg8[%dma_start3A_820, %dma_start3A_821] : memref<32x768xf32, #tpu.memory_space<vmem>> -> memref<1x768xf32, #tpu.memory_space<vmem>>
      %dma_start3A_823 = arith.constant 0 : i32
      %dma_start3A_824 = tpu.memref_slice %arg5[%squeeze3A_814, %dma_start3A_823] : memref<1024x768xf32, #tpu.memory_space<vmem_shared>> -> memref<1x768xf32, #tpu.memory_space<vmem_shared>>
      tpu.enqueue_dma source(%dma_start3A_824 : memref<1x768xf32, #tpu.memory_space<vmem_shared>>) target(%dma_start3A_822 : memref<1x768xf32, #tpu.memory_space<vmem>>) target_semaphore(%arg10 : memref<!tpu.dma_semaphore, #tpu.memory_space<semaphore_mem>>)
      %slice3A_825 = vector.extract_strided_slice %get3A_692 {offsets = [11], sizes = [1], strides = [1]} : vector<16xi32> to vector<1xi32>
      %squeeze3A_826 = vector.extract %slice3A_825[0] : i32 from vector<1xi32>
      %dma_start3A_827 = arith.constant 27 : i32
      %dma_start3A_828 = arith.constant 0 : i32
      %dma_start3A_829 = tpu.memref_slice %arg8[%dma_start3A_827, %dma_start3A_828] : memref<32x768xf32, #tpu.memory_space<vmem>> -> memref<1x768xf32, #tpu.memory_space<vmem>>
      %dma_start3A_830 = arith.constant 0 : i32
      %dma_start3A_831 = tpu.memref_slice %arg5[%squeeze3A_826, %dma_start3A_830] : memref<1024x768xf32, #tpu.memory_space<vmem_shared>> -> memref<1x768xf32, #tpu.memory_space<vmem_shared>>
      %dma_start3A_832 = arith.constant 27 : i32
      %dma_start3A_833 = arith.constant 0 : i32
      %dma_start3A_834 = tpu.memref_slice %arg8[%dma_start3A_832, %dma_start3A_833] : memref<32x768xf32, #tpu.memory_space<vmem>> -> memref<1x768xf32, #tpu.memory_space<vmem>>
      %dma_start3A_835 = arith.constant 0 : i32
      %dma_start3A_836 = tpu.memref_slice %arg5[%squeeze3A_826, %dma_start3A_835] : memref<1024x768xf32, #tpu.memory_space<vmem_shared>> -> memref<1x768xf32, #tpu.memory_space<vmem_shared>>
      tpu.enqueue_dma source(%dma_start3A_836 : memref<1x768xf32, #tpu.memory_space<vmem_shared>>) target(%dma_start3A_834 : memref<1x768xf32, #tpu.memory_space<vmem>>) target_semaphore(%arg10 : memref<!tpu.dma_semaphore, #tpu.memory_space<semaphore_mem>>)
      %slice3A_837 = vector.extract_strided_slice %get3A_692 {offsets = [12], sizes = [1], strides = [1]} : vector<16xi32> to vector<1xi32>
      %squeeze3A_838 = vector.extract %slice3A_837[0] : i32 from vector<1xi32>
      %dma_start3A_839 = arith.constant 28 : i32
      %dma_start3A_840 = arith.constant 0 : i32
      %dma_start3A_841 = tpu.memref_slice %arg8[%dma_start3A_839, %dma_start3A_840] : memref<32x768xf32, #tpu.memory_space<vmem>> -> memref<1x768xf32, #tpu.memory_space<vmem>>
      %dma_start3A_842 = arith.constant 0 : i32
      %dma_start3A_843 = tpu.memref_slice %arg5[%squeeze3A_838, %dma_start3A_842] : memref<1024x768xf32, #tpu.memory_space<vmem_shared>> -> memref<1x768xf32, #tpu.memory_space<vmem_shared>>
      %dma_start3A_844 = arith.constant 28 : i32
      %dma_start3A_845 = arith.constant 0 : i32
      %dma_start3A_846 = tpu.memref_slice %arg8[%dma_start3A_844, %dma_start3A_845] : memref<32x768xf32, #tpu.memory_space<vmem>> -> memref<1x768xf32, #tpu.memory_space<vmem>>
      %dma_start3A_847 = arith.constant 0 : i32
      %dma_start3A_848 = tpu.memref_slice %arg5[%squeeze3A_838, %dma_start3A_847] : memref<1024x768xf32, #tpu.memory_space<vmem_shared>> -> memref<1x768xf32, #tpu.memory_space<vmem_shared>>
      tpu.enqueue_dma source(%dma_start3A_848 : memref<1x768xf32, #tpu.memory_space<vmem_shared>>) target(%dma_start3A_846 : memref<1x768xf32, #tpu.memory_space<vmem>>) target_semaphore(%arg10 : memref<!tpu.dma_semaphore, #tpu.memory_space<semaphore_mem>>)
      %slice3A_849 = vector.extract_strided_slice %get3A_692 {offsets = [13], sizes = [1], strides = [1]} : vector<16xi32> to vector<1xi32>
      %squeeze3A_850 = vector.extract %slice3A_849[0] : i32 from vector<1xi32>
      %dma_start3A_851 = arith.constant 29 : i32
      %dma_start3A_852 = arith.constant 0 : i32
      %dma_start3A_853 = tpu.memref_slice %arg8[%dma_start3A_851, %dma_start3A_852] : memref<32x768xf32, #tpu.memory_space<vmem>> -> memref<1x768xf32, #tpu.memory_space<vmem>>
      %dma_start3A_854 = arith.constant 0 : i32
      %dma_start3A_855 = tpu.memref_slice %arg5[%squeeze3A_850, %dma_start3A_854] : memref<1024x768xf32, #tpu.memory_space<vmem_shared>> -> memref<1x768xf32, #tpu.memory_space<vmem_shared>>
      %dma_start3A_856 = arith.constant 29 : i32
      %dma_start3A_857 = arith.constant 0 : i32
      %dma_start3A_858 = tpu.memref_slice %arg8[%dma_start3A_856, %dma_start3A_857] : memref<32x768xf32, #tpu.memory_space<vmem>> -> memref<1x768xf32, #tpu.memory_space<vmem>>
      %dma_start3A_859 = arith.constant 0 : i32
      %dma_start3A_860 = tpu.memref_slice %arg5[%squeeze3A_850, %dma_start3A_859] : memref<1024x768xf32, #tpu.memory_space<vmem_shared>> -> memref<1x768xf32, #tpu.memory_space<vmem_shared>>
      tpu.enqueue_dma source(%dma_start3A_860 : memref<1x768xf32, #tpu.memory_space<vmem_shared>>) target(%dma_start3A_858 : memref<1x768xf32, #tpu.memory_space<vmem>>) target_semaphore(%arg10 : memref<!tpu.dma_semaphore, #tpu.memory_space<semaphore_mem>>)
      %slice3A_861 = vector.extract_strided_slice %get3A_692 {offsets = [14], sizes = [1], strides = [1]} : vector<16xi32> to vector<1xi32>
      %squeeze3A_862 = vector.extract %slice3A_861[0] : i32 from vector<1xi32>
      %dma_start3A_863 = arith.constant 30 : i32
      %dma_start3A_864 = arith.constant 0 : i32
      %dma_start3A_865 = tpu.memref_slice %arg8[%dma_start3A_863, %dma_start3A_864] : memref<32x768xf32, #tpu.memory_space<vmem>> -> memref<1x768xf32, #tpu.memory_space<vmem>>
      %dma_start3A_866 = arith.constant 0 : i32
      %dma_start3A_867 = tpu.memref_slice %arg5[%squeeze3A_862, %dma_start3A_866] : memref<1024x768xf32, #tpu.memory_space<vmem_shared>> -> memref<1x768xf32, #tpu.memory_space<vmem_shared>>
      %dma_start3A_868 = arith.constant 30 : i32
      %dma_start3A_869 = arith.constant 0 : i32
      %dma_start3A_870 = tpu.memref_slice %arg8[%dma_start3A_868, %dma_start3A_869] : memref<32x768xf32, #tpu.memory_space<vmem>> -> memref<1x768xf32, #tpu.memory_space<vmem>>
      %dma_start3A_871 = arith.constant 0 : i32
      %dma_start3A_872 = tpu.memref_slice %arg5[%squeeze3A_862, %dma_start3A_871] : memref<1024x768xf32, #tpu.memory_space<vmem_shared>> -> memref<1x768xf32, #tpu.memory_space<vmem_shared>>
      tpu.enqueue_dma source(%dma_start3A_872 : memref<1x768xf32, #tpu.memory_space<vmem_shared>>) target(%dma_start3A_870 : memref<1x768xf32, #tpu.memory_space<vmem>>) target_semaphore(%arg10 : memref<!tpu.dma_semaphore, #tpu.memory_space<semaphore_mem>>)
      %slice3A_873 = vector.extract_strided_slice %get3A_692 {offsets = [15], sizes = [1], strides = [1]} : vector<16xi32> to vector<1xi32>
      %squeeze3A_874 = vector.extract %slice3A_873[0] : i32 from vector<1xi32>
      %dma_start3A_875 = arith.constant 31 : i32
      %dma_start3A_876 = arith.constant 0 : i32
      %dma_start3A_877 = tpu.memref_slice %arg8[%dma_start3A_875, %dma_start3A_876] : memref<32x768xf32, #tpu.memory_space<vmem>> -> memref<1x768xf32, #tpu.memory_space<vmem>>
      %dma_start3A_878 = arith.constant 0 : i32
      %dma_start3A_879 = tpu.memref_slice %arg5[%squeeze3A_874, %dma_start3A_878] : memref<1024x768xf32, #tpu.memory_space<vmem_shared>> -> memref<1x768xf32, #tpu.memory_space<vmem_shared>>
      %dma_start3A_880 = arith.constant 31 : i32
      %dma_start3A_881 = arith.constant 0 : i32
      %dma_start3A_882 = tpu.memref_slice %arg8[%dma_start3A_880, %dma_start3A_881] : memref<32x768xf32, #tpu.memory_space<vmem>> -> memref<1x768xf32, #tpu.memory_space<vmem>>
      %dma_start3A_883 = arith.constant 0 : i32
      %dma_start3A_884 = tpu.memref_slice %arg5[%squeeze3A_874, %dma_start3A_883] : memref<1024x768xf32, #tpu.memory_space<vmem_shared>> -> memref<1x768xf32, #tpu.memory_space<vmem_shared>>
      tpu.enqueue_dma source(%dma_start3A_884 : memref<1x768xf32, #tpu.memory_space<vmem_shared>>) target(%dma_start3A_882 : memref<1x768xf32, #tpu.memory_space<vmem>>) target_semaphore(%arg10 : memref<!tpu.dma_semaphore, #tpu.memory_space<semaphore_mem>>)
      %dma_wait3A_885 = arith.constant 0 : i32
      %dma_wait3A_886 = arith.constant 0 : i32
      %dma_wait3A_887 = arith.constant 0 : i32
      %dma_wait3A_888 = tpu.memref_slice %arg4[%dma_wait3A_885, %dma_wait3A_886, %dma_wait3A_887] : memref<16x1024x768xf32, #tpu.memory_space<hbm>> -> memref<1x32x768xf32, #tpu.memory_space<hbm>>
      %dma_wait3A_889 = tpu.memref_squeeze %dma_wait3A_888 : memref<1x32x768xf32, #tpu.memory_space<hbm>> -> memref<32x768xf32, #tpu.memory_space<hbm>>
      %dma_wait3A_890 = arith.constant 0 : i32
      %dma_wait3A_891 = arith.constant 0 : i32
      %dma_wait3A_892 = tpu.memref_slice %arg4[%dma_wait3A_885, %dma_wait3A_890, %dma_wait3A_891] : memref<16x1024x768xf32, #tpu.memory_space<hbm>> -> memref<1x32x768xf32, #tpu.memory_space<hbm>>
      %dma_wait3A_893 = tpu.memref_squeeze %dma_wait3A_892 : memref<1x32x768xf32, #tpu.memory_space<hbm>> -> memref<32x768xf32, #tpu.memory_space<hbm>>
      tpu.wait_dma2 semaphore(%arg10 : memref<!tpu.dma_semaphore, #tpu.memory_space<semaphore_mem>>) src(%dma_wait3A_893 : memref<32x768xf32, #tpu.memory_space<hbm>>) dst(%arg8 : memref<32x768xf32, #tpu.memory_space<vmem>>)
      %mul3A_894 = arith.constant 32 : i32
      %mul3A_895 = arith.muli %add3A_486, %mul3A_894 : i32
      %add3A_896 = arith.addi %mul3A_32, %mul3A_895 : i32
      %dma_start3A_897 = arith.constant 0 : i32
      %dma_start3A_898 = tpu.memref_slice %arg4[%select_n3A, %add3A_896, %dma_start3A_897] : memref<16x1024x768xf32, #tpu.memory_space<hbm>> -> memref<1x32x768xf32, #tpu.memory_space<hbm>>
      %dma_start3A_899 = tpu.memref_squeeze %dma_start3A_898 : memref<1x32x768xf32, #tpu.memory_space<hbm>> -> memref<32x768xf32, #tpu.memory_space<hbm>>
      %dma_start3A_900 = arith.constant 0 : i32
      %dma_start3A_901 = tpu.memref_slice %arg4[%select_n3A, %add3A_896, %dma_start3A_900] : memref<16x1024x768xf32, #tpu.memory_space<hbm>> -> memref<1x32x768xf32, #tpu.memory_space<hbm>>
      %dma_start3A_902 = tpu.memref_squeeze %dma_start3A_901 : memref<1x32x768xf32, #tpu.memory_space<hbm>> -> memref<32x768xf32, #tpu.memory_space<hbm>>
      tpu.enqueue_dma source(%arg8 : memref<32x768xf32, #tpu.memory_space<vmem>>) target(%dma_start3A_902 : memref<32x768xf32, #tpu.memory_space<hbm>>) target_semaphore(%arg12 : memref<!tpu.dma_semaphore, #tpu.memory_space<semaphore_mem>>)
    }
    %scan3A_41 = arith.constant 8 : i32
    %dma_wait3A = arith.constant 0 : i32
    %dma_wait3A_42 = arith.constant 0 : i32
    %dma_wait3A_43 = arith.constant 0 : i32
    %dma_wait3A_44 = tpu.memref_slice %arg4[%dma_wait3A, %dma_wait3A_42, %dma_wait3A_43] : memref<16x1024x768xf32, #tpu.memory_space<hbm>> -> memref<1x32x768xf32, #tpu.memory_space<hbm>>
    %dma_wait3A_45 = tpu.memref_squeeze %dma_wait3A_44 : memref<1x32x768xf32, #tpu.memory_space<hbm>> -> memref<32x768xf32, #tpu.memory_space<hbm>>
    %dma_wait3A_46 = arith.constant 0 : i32
    %dma_wait3A_47 = arith.constant 0 : i32
    %dma_wait3A_48 = tpu.memref_slice %arg4[%dma_wait3A, %dma_wait3A_46, %dma_wait3A_47] : memref<16x1024x768xf32, #tpu.memory_space<hbm>> -> memref<1x32x768xf32, #tpu.memory_space<hbm>>
    %dma_wait3A_49 = tpu.memref_squeeze %dma_wait3A_48 : memref<1x32x768xf32, #tpu.memory_space<hbm>> -> memref<32x768xf32, #tpu.memory_space<hbm>>
    tpu.wait_dma2 semaphore(%arg11 : memref<!tpu.dma_semaphore, #tpu.memory_space<semaphore_mem>>) src(%dma_wait3A_49 : memref<32x768xf32, #tpu.memory_space<hbm>>) dst(%arg7 : memref<32x768xf32, #tpu.memory_space<vmem>>)
    %dma_wait3A_50 = arith.constant 0 : i32
    %dma_wait3A_51 = arith.constant 0 : i32
    %dma_wait3A_52 = arith.constant 0 : i32
    %dma_wait3A_53 = tpu.memref_slice %arg4[%dma_wait3A_50, %dma_wait3A_51, %dma_wait3A_52] : memref<16x1024x768xf32, #tpu.memory_space<hbm>> -> memref<1x32x768xf32, #tpu.memory_space<hbm>>
    %dma_wait3A_54 = tpu.memref_squeeze %dma_wait3A_53 : memref<1x32x768xf32, #tpu.memory_space<hbm>> -> memref<32x768xf32, #tpu.memory_space<hbm>>
    %dma_wait3A_55 = arith.constant 0 : i32
    %dma_wait3A_56 = arith.constant 0 : i32
    %dma_wait3A_57 = tpu.memref_slice %arg4[%dma_wait3A_50, %dma_wait3A_55, %dma_wait3A_56] : memref<16x1024x768xf32, #tpu.memory_space<hbm>> -> memref<1x32x768xf32, #tpu.memory_space<hbm>>
    %dma_wait3A_58 = tpu.memref_squeeze %dma_wait3A_57 : memref<1x32x768xf32, #tpu.memory_space<hbm>> -> memref<32x768xf32, #tpu.memory_space<hbm>>
    tpu.wait_dma2 semaphore(%arg12 : memref<!tpu.dma_semaphore, #tpu.memory_space<semaphore_mem>>) src(%dma_wait3A_58 : memref<32x768xf32, #tpu.memory_space<hbm>>) dst(%arg8 : memref<32x768xf32, #tpu.memory_space<vmem>>)
    return
  }
}

</mosaic_0001>

<sc_bundles>
// kernel: _lookup.3.cloned.1.call-start
scs
__scs_entry_jumppad:
0x0: {  	(pc) =	sbr.rel $0x88, $3  }
0x1: {  	(tag) =	ssettag $0x0;
	lr =	simm.s32 $0x1  }
0x2: {  	[smem:$0x3F9F] =	sst lr;
	_ =	strace $0xD0000000  }
0x3: {  	_ = 	snop  }
0x4: {  	_ = 	snop  }
0x5: {  	_ = 	snop  }
0x6: {  	_ = 	snop  }
0x7: {  	_ = 	snop  }
__scs_overlays_trampoline_lowered:
0x8: {  	[smem:$0x3FAE] =	sst s0  }
0x9: {  	[smem:$0x3FAF] =	sst s1  }
0xa: {  	[smem:$0x3FB0] =	sst s2  }
0xb: {  	[smem:$0x3FB1] =	sst s3  }
0xc: {  	[smem:$0x3FB2] =	sst s4  }
0xd: {  	[smem:$0x3FB3] =	sst s5  }
0xe: {  	[smem:$0x3FB4] =	sst s6  }
0xf: {  	[smem:$0x3FB5] =	sst s7  }
0x10: {  	[smem:$0x3FB6] =	sst s8  }
0x11: {  	[smem:$0x3FB7] =	sst s9;
	s0 =	simm.s32 @!p0 $0x0  }
0x12: {  	s1 =	sld [smem:$0x3F9D];
	s0 =	simm.s32 @p0 $0x1  }
0x13: {  	[smem:$0x3FB8] =	sst s0;
	s0 =	simm.s32 @!p1 $0x0  }
0x14: {  	s2 =	sld [smem:$0x3F9C];
	s0 =	simm.s32 @p1 $0x1  }
0x15: {  	[smem:$0x3FB9] =	sst s0;
	s0 =	simm.s32 @!p2 $0x0  }
0x16: {  	s3 =	sld [smem:$0x3FDB];
	s0 =	simm.s32 @p2 $0x1  }
0x17: {  	s4 =	simm.s32 $0x1BF5;
	[smem:$0x3FBB] =	sst s0  }
0x18: {  	s0 =	sld [smem:$0x3F9E];
	_ =	swait.ge [sflag:s4], $0x0  }
0x19: {  	s7 =	sld [smem:$0x3F9F]  }
0x1a: {  	s8 =	sadd.s32 $0xFFFFE003, lr  }
0x1b: {  	s9 =	sadd.s32 $0xFFFFFEF7, lr;
	s5 =	simm.s32 $0xFFFFFFFF;
	p2 =	slt.u32 s8, $0xFFFFF086  }
0x1c: {  	p1 =	slt.u32 s9, $0xF7A;
	s5 =	simm.s32 @!p2 $0x0  }
0x1d: {  	s5 =	simm.s32 @p1 $0x1;
	p0 =	seq.s32 s7, s2  }
0x1e: {  	s7 =	smul.u32 @!p0 $0xF7A, s2;
	p2 =	seq.s32 @!p0 s5, $0x0  }
0x1f: {  	s9 =	smul.u32 $0xF7A, s1;
	s8 =	simm.s32 @!p0 $0x1BF5;
	p2 =	por !p2, p0  }
0x20: {  	[sflag:s8] =	ssyncset.s32 @!p0 $0xFFFFF086;
	s6 =	sadd.s32 @!p0 s3, s7;
	s7 =	simm.s32 @!p0 $0x108  }
0x21: {  	s3 =	sadd.s32 s3, s9;
	s6 =	sadd.s32 @!p0 $0x88, s6;
	s7 =	simm.s32 @p2 $0x1082  }
0x22: {  	[simem:s7], [sflag:s8] =	dma.local @!p0 [hbm:s6], $0xF7A  }
0x23: {  	s9 =	sor.u32 $0xD0000000, s2;
	s6 =	simm.s32 $0x108;
	_ =	swait.ge @!p0 [sflag:s8], $0x0  }
0x24: {  	s3 =	sadd.s32 $0x88, s3;
	s6 =	simm.s32 @!p1 $0x1082;
	[sflag:s4] =	ssyncset.s32 $0xFFFFF086  }
0x25: {  	[simem:s6], [sflag:s4] =	dma.local [hbm:s3], $0xF7A  }
0x26: {  	[smem:$0x3F9F] =	sst s1;
	(tag) =	ssettag s2;
	_ =	strace s9  }
0x27: {  	s1 =	sld [smem:$0x3FAF]  }
0x28: {  	s2 =	sld [smem:$0x3FB0]  }
0x29: {  	s4 =	sld [smem:$0x3FB2]  }
0x2a: {  	p0 =	seq.s32 s5, $0x0;
	s5 =	sld [smem:$0x3FB3]  }
0x2b: {  	s6 =	sld [smem:$0x3FB4]  }
0x2c: {  	s7 =	sld [smem:$0x3FB5]  }
0x2d: {  	s3 =	simm.s32 $0x108;
	s8 =	sld [smem:$0x3FB6]  }
0x2e: {  	s3 =	simm.s32 @!p0 $0x1082;
	s9 =	sld [smem:$0x3FB7]  }
0x2f: {  	lr =	sadd.s32 s0, s3;
	s0 =	sld [smem:$0x3FAE]  }
0x30: {  	s3 =	sld [smem:$0x3FB1]  }
0x31: {  	[smem:$0x3FBA] =	sst s10  }
0x32: {  	s10 =	sld [smem:$0x3FB8];
	_ =	sdelay $0x3  }
0x33: {  	p0 =	seq.s32 s10, $0x1;
	s10 =	sld [smem:$0x3FBA];
	_ =	sdelay $0x3  }
0x34: {  	[smem:$0x3FBA] =	sst s10  }
0x35: {  	s10 =	sld [smem:$0x3FB9];
	_ =	sdelay $0x3  }
0x36: {  	p1 =	seq.s32 s10, $0x1;
	s10 =	sld [smem:$0x3FBA];
	_ =	sdelay $0x3  }
0x37: {  	[smem:$0x3FBA] =	sst s10  }
0x38: {  	s10 =	sld [smem:$0x3FBB]  }
0x39: {  	_ = 	snop;
	(pc) =	sbr.ind lr, $3  }
0x3a: {  	_ = 	snop  }
0x3b: {  	_ = 	snop  }
0x3c: {  	p2 =	seq.s32 s10, $0x1;
	s10 =	sld [smem:$0x3FBA]  }
0x3d: {  	_ =	shalt  }
0x3e: {  	_ =	shalt  }
0x3f: {  	_ =	shalt  }
0x40: {  	_ =	shalt  }
0x41: {  	_ =	shalt  }
0x42: {  	_ =	shalt  }
0x43: {  	_ =	shalt  }
0x44: {  	_ =	shalt  }
0x45: {  	_ =	shalt  }
0x46: {  	_ =	shalt  }
0x47: {  	_ =	shalt  }
0x48: {  	_ =	shalt  }
0x49: {  	_ =	shalt  }
0x4a: {  	_ =	shalt  }
0x4b: {  	_ =	shalt  }
0x4c: {  	_ =	shalt  }
0x4d: {  	_ =	shalt  }
0x4e: {  	_ =	shalt  }
0x4f: {  	_ =	shalt  }
0x50: {  	_ =	shalt  }
0x51: {  	_ =	shalt  }
0x52: {  	_ =	shalt  }
0x53: {  	_ =	shalt  }
0x54: {  	_ =	shalt  }
0x55: {  	_ =	shalt  }
0x56: {  	_ =	shalt  }
0x57: {  	_ =	shalt  }
0x58: {  	_ =	shalt  }
0x59: {  	_ =	shalt  }
0x5a: {  	_ =	shalt  }
0x5b: {  	_ =	shalt  }
0x5c: {  	_ =	shalt  }
0x5d: {  	_ =	shalt  }
0x5e: {  	_ =	shalt  }
0x5f: {  	_ =	shalt  }
0x60: {  	_ =	shalt  }
0x61: {  	_ =	shalt  }
0x62: {  	_ =	shalt  }
0x63: {  	_ =	shalt  }
0x64: {  	_ =	shalt  }
0x65: {  	_ =	shalt  }
0x66: {  	_ =	shalt  }
0x67: {  	_ =	shalt  }
0x68: {  	_ =	shalt  }
0x69: {  	_ =	shalt  }
0x6a: {  	_ =	shalt  }
0x6b: {  	_ =	shalt  }
0x6c: {  	_ =	shalt  }
0x6d: {  	_ =	shalt  }
0x6e: {  	_ =	shalt  }
0x6f: {  	_ =	shalt  }
0x70: {  	_ =	shalt  }
0x71: {  	_ =	shalt  }
0x72: {  	_ =	shalt  }
0x73: {  	_ =	shalt  }
0x74: {  	_ =	shalt  }
0x75: {  	_ =	shalt  }
0x76: {  	_ =	shalt  }
0x77: {  	_ =	shalt  }
0x78: {  	_ =	shalt  }
0x79: {  	_ =	shalt  }
0x7a: {  	_ =	shalt  }
0x7b: {  	_ =	shalt  }
0x7c: {  	_ =	shalt  }
0x7d: {  	_ =	shalt  }
0x7e: {  	_ =	shalt  }
0x7f: {  	_ =	shalt  }
0x80: {  	_ =	shalt  }
0x81: {  	_ =	shalt  }
0x82: {  	_ =	shalt  }
0x83: {  	_ =	shalt  }
0x84: {  	_ =	shalt  }
0x85: {  	_ =	shalt  }
0x86: {  	_ =	shalt  }
0x87: {  	_ =	shalt  }
.Lfunc_end0:
.L_simem_size_0:
called_computation_lowered:
.L_overlay_start_0:
0x88: {  	s2 =	sld [smem:$0x3FD9]  }
0x89: {  	s3 =	sld [smem:$0x3FFE];
	_ =	sdelay $0x1  }
0x8a: {  	s1 =	srdreg.scid  }
0x8b: {  	s0 =	sand.u32 $0x1, s1  }
0x8c: {  	s18 =	sshll.u32 s0, $0xA;
	s2 =	sadd.s32 s3, s2  }
0x8d: {  	s2 =	sadd.s32 s2, s18  }
0x8e: {  	[smem:$0x3FC6] =	sst s2  }
0x8f: {  	_ = 	snop  }
0x90: {  	s2 =	sld [smem:$0x3FC9]  }
0x91: {  	s19 =	sld [smem:$0x3FC8]  }
0x92: {  	s4 =	sld [smem:$0x3FD0];
	(tm) =	ssettm $0x1  }
0x93: {  	s5 =	sld [smem:$0x3FFB];
	_ =	sdelay $0x3  }
0x94: {  	_ =	strace s5  }
0x95: {  	s5 =	sld [smem:$0x3FFC];
	_ =	sdelay $0x3  }
0x96: {  	_ =	strace s5  }
0x97: {  	s5 =	sld [smem:$0x3FFD];
	_ =	sdelay $0x3  }
0x98: {  	_ =	strace s5  }
0x99: {  	_ =	strace $0x8FFFFFFF  }
0x9a: {  	s20 =	sld [smem:$0x3FDB];
	_ =	sdelay $0x1  }
0x9b: {  	s6 =	simm.s32 $_scs_section_size  }
0x9c: {  	s7 =	simm.s32 $_size__tile_overlayer_lowered;
	s8 =	simm.s32 $_tile_overlayer_lowered  }
0x9d: {  	s23 =	simm.s32 $0x1BFF;
	s22 =	sshll.u32 s8, $0x1;
	s5 =	sadd.s32 s6, s20  }
0x9e: {  	s9 =	simm.s32 $0x0;
	s21 =	sshll.u32 s7, $0x1;
	s7 =	sadd.s32 s22, s5  }
0x9f: {  	[timem:s9], [sflag:s23] =	dma.local [hbm:s7], s21  }
0xa0: {  	_ =	swait.ge [sflag:s23], s21  }
0xa1: {  	s6 =	ssub.s32 $0x0, s21;
	[sflag:s23] =	ssyncset.done $0x0  }
0xa2: {  	[sflag:s23] =	ssyncadd.s32 s6;
	_ =	sdelay $0x1  }
0xa3: {  	s24 =	simm.s32 $0x1B8B  }
0xa4: {  	_ =	swait.ge [sflag:s24], $0x1  }
0xa5: {  	[sflag:s24] =	ssyncset.done $0x0  }
0xa6: {  	s25 =	simm.s32 $0x1B8E;
	[sflag:s24] =	ssyncadd.s32 $0xFFFFFFFF  }
0xa7: {  	s26 =	simm.s32 $execute0_lowered;
	[smem:$0x3FD2] =	sst s25  }
0xa8: {  	s6 =	sshll.u32 s26, $0x1;
	_ =	strace $0x80000046;
	[dreg:$0x1] =	wrdreg $0xFFFFFFFF  }
0xa9: {  	s28 =	simm.s32 $_size_execute0_lowered;
	s5 =	sadd.s32 s5, s6;
	[dreg:$0x0] =	wrdreg $0x0  }
0xaa: {  	s6 =	sshll.u32 s28, $0x1;
	[dreg:$0x2] =	wrdreg s5  }
0xab: {  	[dreg:$0x3] =	wrdreg s6  }
0xac: {  	[dreg:$0x4] =	wrdreg $0xC0  }
0xad: {  	_ =	task [dreg:s9], $0x5FFFF  }
0xae: {  	[dreg:$0x1] =	wrdreg $0xFFFFFFFF  }
0xaf: {  	[dreg:$0x0] =	wrdreg $0x60  }
0xb0: {  	[dreg:$0x2] =	wrdreg s2  }
0xb1: {  	[dreg:$0x3] =	wrdreg s19  }
0xb2: {  	[dreg:$0x4] =	wrdreg s4  }
0xb3: {  	[dreg:$0x5] =	wrdreg $0x0  }
0xb4: {  	[dreg:$0x6] =	wrdreg $0x9  }
0xb5: {  	_ =	task.clear_ibuf [dreg:s9], $0x7FFFF;
	_ =	strace $0x90000046  }
0xb6: {  	s29 =	simm.s32 $0x9;
	_ =	strace $0x80000048  }
0xb7: {  	_ =	swait.ge [sflag:s29], $0x1  }
0xb8: {  	[sflag:s29] =	ssyncadd.s32 $0xFFFFFFFF  }
0xb9: {  	_ =	strace $0x90000048  }
0xba: {  	_ =	sfence  }
0xbb: {  	s30 =	sld [smem:$0x0];
	_ =	sdelay $0x2  }
0xbc: {  	s31 =	sshll.u32 s1, $0xD;
	s1 =	sshrl.u32 s1, $0x2  }
0xbd: {  	s3 =	sand.u32 $0x4000, s31;
	s1 =	sadd.s32 s1, s30  }
0xbe: {  	s0 =	sor.u32 s3, s0;
	s1 =	sshll.u32 s1, $0x11  }
0xbf: {  	s0 =	sor.u32 s1, s0  }
0xc0: {  	s0 =	sadd.s32 $0x8F2B, s0  }
0xc1: {  	[sflag:s0] =	ssyncadd.remote.s32 $0x1  }
0xc2: {  	_ =	sfence.sel $0xFFFF  }
0xc3: {  	[dreg:$0x0] =	wrdreg $0xFFFFFFFF;
	(pc) =	sbr.abs _section_cstart, $3  }
0xc4: {  	[dreg:$0x1] =	wrdreg $0xFFFFFFFF  }
0xc5: {  	_ =	task.clear_ibuf [dreg:s9], $0x2FFFF;
	_ =	strace $0x9FFFFFFF  }
0xc6: {  	(tm) =	ssettm $0x7FFFFFFF  }
0xc7: {  	_ =	shalt  }
tec
execute0_lowered:
.L_overlay_start_1:
0x0: {  	(tag) =	ssettag $0x1  }
0x1: {  	s1 =	srdreg.scid  }
0x2: {  	s0 =	stileid.u32;
	s6 =	rddreg [dreg:$0x0];
	s9 =	sand.u32 $0x1, s1  }
0x3: {  	s8 =	rddreg [dreg:$0x1];
	s1 =	sor.u32 s9, s0  }
0x4: {  	s3 =	rddreg [dreg:$0x3];
	p1 =	seq.s32 s9, $0x1;
	p0 =	seq.s32 s1, $0x0  }
0x5: {  	s2 =	rddreg [dreg:$0x4];
	p0 =	por !p0, !p1  }
0x6: {  	s4 =	simm.s32 $0x0;
	s1 =	simm.s32 $0x1;
	p0 =	por !p0, !p0  }
0x7: {  	[smem:$0x7FF] =	sst s4;
	s1 =	simm.s32 @!p0 $0x0  }
0x8: {  	s14 =	simm.s32 $0xC600;
	s10 =	ssub.s32 s0, s1;
	s1 =	rddreg [dreg:$0x2]  }
0x9: {  	s15 =	simm.s32 $0xCA00;
	_ =	strace $0x80000047;
	[dreg:$0x7] =	wrdreg s14  }
0xa: {  	s16 =	simm.s32 $0xCE00;
	[dreg:$0x8] =	wrdreg s15  }
0xb: {  	s17 =	simm.s32 $0xD200;
	[dreg:$0x9] =	wrdreg s16  }
0xc: {  	s18 =	simm.s32 $0xD600;
	[dreg:$0xa] =	wrdreg s17  }
0xd: {  	s19 =	simm.s32 $0xC280;
	[dreg:$0xb] =	wrdreg s18  }
0xe: {  	s20 =	simm.s32 $0xC680;
	[dreg:$0xc] =	wrdreg s19  }
0xf: {  	s21 =	simm.s32 $0xCA80;
	[dreg:$0xd] =	wrdreg s20  }
0x10: {  	s22 =	simm.s32 $0xCE80;
	[dreg:$0xe] =	wrdreg s21  }
0x11: {  	s23 =	simm.s32 $0xD280;
	[dreg:$0xf] =	wrdreg s22  }
0x12: {  	s24 =	simm.s32 $0xD680;
	[dreg:$0x10] =	wrdreg s23  }
0x13: {  	s25 =	simm.s32 $0xC300;
	[dreg:$0x11] =	wrdreg s24  }
0x14: {  	s26 =	simm.s32 $0xC700;
	[dreg:$0x12] =	wrdreg s25  }
0x15: {  	s28 =	simm.s32 $0xCB00;
	[dreg:$0x13] =	wrdreg s26  }
0x16: {  	s29 =	simm.s32 $0xCF00;
	[dreg:$0x14] =	wrdreg s28  }
0x17: {  	s30 =	simm.s32 $0xD300;
	[dreg:$0x15] =	wrdreg s29  }
0x18: {  	s31 =	simm.s32 $0xD700;
	[dreg:$0x16] =	wrdreg s30  }
0x19: {  	[dreg:$0x17] =	wrdreg s31;
	s14 =	simm.s32 $0xD380  }
0x1a: {  	s15 =	simm.s32 $0xD780;
	[dreg:$0x1c] =	wrdreg s14  }
0x1b: {  	s16 =	simm.s32 $0xC400;
	[dreg:$0x1d] =	wrdreg s15  }
0x1c: {  	s17 =	simm.s32 $0xC800;
	[dreg:$0x1e] =	wrdreg s16  }
0x1d: {  	s18 =	simm.s32 $0xCC00;
	[dreg:$0x1f] =	wrdreg s17  }
0x1e: {  	s19 =	simm.s32 $0xD000;
	[smem:$0x699] =	sst s18  }
0x1f: {  	s20 =	simm.s32 $0xD400;
	[smem:$0x69A] =	sst s19  }
0x20: {  	s21 =	simm.s32 $0xD800;
	[smem:$0x69B] =	sst s20  }
0x21: {  	s22 =	simm.s32 $0xC480;
	[smem:$0x69C] =	sst s21  }
0x22: {  	s23 =	simm.s32 $0xC880;
	[smem:$0x69D] =	sst s22  }
0x23: {  	s24 =	simm.s32 $0xCC80;
	[smem:$0x69E] =	sst s23  }
0x24: {  	s25 =	simm.s32 $0xD080;
	[smem:$0x69F] =	sst s24  }
0x25: {  	s26 =	simm.s32 $0xD480;
	[smem:$0x6A0] =	sst s25  }
0x26: {  	s28 =	simm.s32 $0xD880;
	[smem:$0x6A1] =	sst s26  }
0x27: {  	s29 =	simm.s32 $0xC500;
	[smem:$0x6A2] =	sst s28  }
0x28: {  	s30 =	simm.s32 $0xC900;
	[smem:$0x6A3] =	sst s29  }
0x29: {  	s31 =	simm.s32 $0xCD00;
	[smem:$0x6A4] =	sst s30  }
0x2a: {  	[smem:$0x6A5] =	sst s31;
	s14 =	simm.s32 $0xC980  }
0x2b: {  	s15 =	simm.s32 $0xCD80;
	[smem:$0x6AA] =	sst s14  }
0x2c: {  	s16 =	simm.s32 $0xD180;
	[smem:$0x6AB] =	sst s15  }
0x2d: {  	s17 =	simm.s32 $0xD580;
	[smem:$0x6AC] =	sst s16  }
0x2e: {  	s18 =	simm.s32 $0xD980;
	[smem:$0x6AD] =	sst s17  }
0x2f: {  	s19 =	simm.s32 $0xDA00;
	[smem:$0x6AE] =	sst s18  }
0x30: {  	s20 =	simm.s32 $0xDE00;
	[smem:$0x6AF] =	sst s19  }
0x31: {  	s21 =	simm.s32 $0xE200;
	[smem:$0x6B0] =	sst s20  }
0x32: {  	s22 =	simm.s32 $0xE600;
	[smem:$0x6B1] =	sst s21  }
0x33: {  	s23 =	simm.s32 $0xEA00;
	[smem:$0x6B2] =	sst s22  }
0x34: {  	s24 =	simm.s32 $0xEE00;
	[smem:$0x6B3] =	sst s23  }
0x35: {  	s25 =	simm.s32 $0xDA80;
	[smem:$0x6B4] =	sst s24  }
0x36: {  	s7 =	simm.s32 $0xFFFFFFFF;
	s26 =	simm.s32 $0xDE80;
	[smem:$0x6B5] =	sst s25  }
0x37: {  	s12 =	smul.u32 $0xC0000, s0;
	s28 =	simm.s32 $0xE280;
	[smem:$0x6B6] =	sst s26  }
0x38: {  	s7 =	simm.s32 @!p0 $0x0;
	s29 =	simm.s32 $0xE680;
	[smem:$0x6B7] =	sst s28  }
0x39: {  	s7 =	smul.u32 $0xC0000, s7;
	s30 =	simm.s32 $0xEA80;
	[smem:$0x6B8] =	sst s29  }
0x3a: {  	s31 =	simm.s32 $0xEE80;
	[smem:$0x6B9] =	sst s30  }
0x3b: {  	s7 =	sadd.s32 s7, s12;
	s12 =	simm.s32 $0xCB80;
	[smem:$0x6BA] =	sst s31  }
0x3c: {  	s14 =	simm.s32 $0xEB00;
	[dreg:$0x1a] =	wrdreg s12  }
0x3d: {  	s15 =	simm.s32 $0xEF00;
	[smem:$0x6BF] =	sst s14  }
0x3e: {  	s16 =	simm.s32 $0xDB80;
	[smem:$0x6C0] =	sst s15  }
0x3f: {  	s17 =	simm.s32 $0xDF80;
	[smem:$0x6C1] =	sst s16  }
0x40: {  	s18 =	simm.s32 $0xE380;
	[smem:$0x6C2] =	sst s17  }
0x41: {  	s19 =	simm.s32 $0xE780;
	[smem:$0x6C3] =	sst s18  }
0x42: {  	s20 =	simm.s32 $0xEB80;
	[smem:$0x6C4] =	sst s19  }
0x43: {  	s21 =	simm.s32 $0xEF80;
	[smem:$0x6C5] =	sst s20  }
0x44: {  	s22 =	simm.s32 $0xDC00;
	[smem:$0x6C6] =	sst s21  }
0x45: {  	s23 =	simm.s32 $0xE000;
	[smem:$0x6C7] =	sst s22  }
0x46: {  	s24 =	simm.s32 $0xE400;
	[smem:$0x6C8] =	sst s23  }
0x47: {  	s25 =	simm.s32 $0xE800;
	[smem:$0x6C9] =	sst s24  }
0x48: {  	s26 =	simm.s32 $0xEC00;
	[smem:$0x6CA] =	sst s25  }
0x49: {  	s28 =	simm.s32 $0xF000;
	[smem:$0x6CB] =	sst s26  }
0x4a: {  	s11 =	smul.u32 $0x60000, s9;
	s29 =	simm.s32 $0xDC80;
	[smem:$0x6CC] =	sst s28  }
0x4b: {  	s5 =	smul.u32 $0xC0000, s10;
	s30 =	simm.s32 $0xE080;
	[smem:$0x6CD] =	sst s29  }
0x4c: {  	s31 =	simm.s32 $0xE480;
	[smem:$0x6CE] =	sst s30  }
0x4d: {  	s5 =	sadd.s32 s11, s5;
	[smem:$0x6CF] =	sst s31  }
0x4e: {  	s13 =	sadd.s32 s11, s7;
	[dreg:$0x5] =	wrdreg s5  }
0x4f: {  	s7 =	simm.s32 $0xC380;
	[dreg:$0x6] =	wrdreg s13  }
0x50: {  	s11 =	simm.s32 $0xC780;
	[dreg:$0x18] =	wrdreg s7  }
0x51: {  	s12 =	simm.s32 $0xD900;
	[dreg:$0x19] =	wrdreg s11  }
0x52: {  	s14 =	simm.s32 $0xE100;
	[smem:$0x6A8] =	sst s12  }
0x53: {  	s15 =	simm.s32 $0xE500;
	[smem:$0x6D4] =	sst s14  }
0x54: {  	s16 =	simm.s32 $0xE900;
	[smem:$0x6D5] =	sst s15  }
0x55: {  	s17 =	simm.s32 $0xED00;
	[smem:$0x6D6] =	sst s16  }
0x56: {  	s18 =	simm.s32 $0xF100;
	[smem:$0x6D7] =	sst s17  }
0x57: {  	s19 =	simm.s32 $0xDD80;
	[smem:$0x6D8] =	sst s18  }
0x58: {  	s20 =	simm.s32 $0xE180;
	[smem:$0x6D9] =	sst s19  }
0x59: {  	s21 =	simm.s32 $0xE580;
	[smem:$0x6DA] =	sst s20  }
0x5a: {  	s22 =	simm.s32 $0xE980;
	[smem:$0x6DB] =	sst s21  }
0x5b: {  	s23 =	simm.s32 $0xED80;
	[smem:$0x6DC] =	sst s22  }
0x5c: {  	s24 =	simm.s32 $0xF180;
	[smem:$0x6DD] =	sst s23  }
0x5d: {  	s25 =	simm.s32 $0xF200;
	[smem:$0x6DE] =	sst s24  }
0x5e: {  	s26 =	simm.s32 $0xF600;
	[smem:$0x6DF] =	sst s25  }
0x5f: {  	s28 =	simm.s32 $0xFA00;
	[smem:$0x6E0] =	sst s26  }
0x60: {  	s29 =	simm.s32 $0xFE00;
	[smem:$0x6E1] =	sst s28  }
0x61: {  	s30 =	simm.s32 $0x10200;
	[smem:$0x6E2] =	sst s29  }
0x62: {  	s31 =	simm.s32 $0x10600;
	[smem:$0x6E3] =	sst s30  }
0x63: {  	s13 =	simm.s32 $0xCF80;
	[smem:$0x6E4] =	sst s31  }
0x64: {  	s7 =	simm.s32 $0xD100;
	[dreg:$0x1b] =	wrdreg s13  }
0x65: {  	s11 =	simm.s32 $0xD500;
	[smem:$0x6A6] =	sst s7  }
0x66: {  	s12 =	simm.s32 $0xE300;
	[smem:$0x6A7] =	sst s11  }
0x67: {  	s14 =	simm.s32 $0x10280;
	[smem:$0x6BD] =	sst s12  }
0x68: {  	s15 =	simm.s32 $0x10680;
	[smem:$0x6E9] =	sst s14  }
0x69: {  	s16 =	simm.s32 $0xF300;
	[smem:$0x6EA] =	sst s15  }
0x6a: {  	s17 =	simm.s32 $0xF700;
	[smem:$0x6EB] =	sst s16  }
0x6b: {  	s18 =	simm.s32 $0xFB00;
	[smem:$0x6EC] =	sst s17  }
0x6c: {  	s19 =	simm.s32 $0xFF00;
	[smem:$0x6ED] =	sst s18  }
0x6d: {  	s20 =	simm.s32 $0x10300;
	[smem:$0x6EE] =	sst s19  }
0x6e: {  	s21 =	simm.s32 $0x10700;
	[smem:$0x6EF] =	sst s20  }
0x6f: {  	s22 =	simm.s32 $0xF380;
	[smem:$0x6F0] =	sst s21  }
0x70: {  	s23 =	simm.s32 $0xF780;
	[smem:$0x6F1] =	sst s22  }
0x71: {  	s24 =	simm.s32 $0xFB80;
	[smem:$0x6F2] =	sst s23  }
0x72: {  	s25 =	simm.s32 $0xFF80;
	[smem:$0x6F3] =	sst s24  }
0x73: {  	s26 =	simm.s32 $0x10380;
	[smem:$0x6F4] =	sst s25  }
0x74: {  	s28 =	simm.s32 $0x10780;
	[smem:$0x6F5] =	sst s26  }
0x75: {  	s29 =	simm.s32 $0xF400;
	[smem:$0x6F6] =	sst s28  }
0x76: {  	s30 =	simm.s32 $0xF800;
	[smem:$0x6F7] =	sst s29  }
0x77: {  	s31 =	simm.s32 $0xFC00;
	[smem:$0x6F8] =	sst s30  }
0x78: {  	s13 =	simm.s32 $0xC580;
	[smem:$0x6F9] =	sst s31  }
0x79: {  	s7 =	simm.s32 $0xDB00;
	[smem:$0x6A9] =	sst s13  }
0x7a: {  	s11 =	simm.s32 $0xDF00;
	[smem:$0x6BB] =	sst s7  }
0x7b: {  	s12 =	simm.s32 $0xF080;
	[smem:$0x6BC] =	sst s11  }
0x7c: {  	s14 =	simm.s32 $0xF880;
	[smem:$0x6D2] =	sst s12  }
0x7d: {  	s15 =	simm.s32 $0xFC80;
	[smem:$0x6FE] =	sst s14  }
0x7e: {  	s16 =	simm.s32 $0x10080;
	[smem:$0x6FF] =	sst s15  }
0x7f: {  	s17 =	simm.s32 $0x10480;
	[smem:$0x700] =	sst s16  }
0x80: {  	s18 =	simm.s32 $0x10880;
	[smem:$0x701] =	sst s17  }
0x81: {  	s19 =	simm.s32 $0xF500;
	[smem:$0x702] =	sst s18  }
0x82: {  	s20 =	simm.s32 $0xF900;
	[smem:$0x703] =	sst s19  }
0x83: {  	s21 =	simm.s32 $0xFD00;
	[smem:$0x704] =	sst s20  }
0x84: {  	s22 =	simm.s32 $0x10100;
	[smem:$0x705] =	sst s21  }
0x85: {  	s23 =	simm.s32 $0x10500;
	[smem:$0x706] =	sst s22  }
0x86: {  	s24 =	simm.s32 $0x10900;
	[smem:$0x707] =	sst s23  }
0x87: {  	s25 =	simm.s32 $0xF580;
	[smem:$0x708] =	sst s24  }
0x88: {  	s26 =	simm.s32 $0xF980;
	[smem:$0x709] =	sst s25  }
0x89: {  	s28 =	simm.s32 $0xFD80;
	[smem:$0x70A] =	sst s26  }
0x8a: {  	s29 =	simm.s32 $0x10180;
	[smem:$0x70B] =	sst s28  }
0x8b: {  	s30 =	simm.s32 $0x10580;
	[smem:$0x70C] =	sst s29  }
0x8c: {  	s31 =	simm.s32 $0x10980;
	[smem:$0x70D] =	sst s30  }
0x8d: {  	s13 =	simm.s32 $0xE700;
	[smem:$0x70E] =	sst s31  }
0x8e: {  	s7 =	simm.s32 $0xE880;
	[smem:$0x6BE] =	sst s13  }
0x8f: {  	s11 =	simm.s32 $0xEC80;
	[smem:$0x6D0] =	sst s7  }
0x90: {  	s12 =	simm.s32 $0xFA80;
	[smem:$0x6D1] =	sst s11  }
0x91: {  	s14 =	simm.s32 $0x11A00;
	[smem:$0x6E7] =	sst s12  }
0x92: {  	s15 =	simm.s32 $0x11E00;
	[smem:$0x713] =	sst s14  }
0x93: {  	s16 =	simm.s32 $0x10A80;
	[smem:$0x714] =	sst s15  }
0x94: {  	s17 =	simm.s32 $0x10E80;
	[smem:$0x715] =	sst s16  }
0x95: {  	s18 =	simm.s32 $0x11280;
	[smem:$0x716] =	sst s17  }
0x96: {  	s19 =	simm.s32 $0x11680;
	[smem:$0x717] =	sst s18  }
0x97: {  	s20 =	simm.s32 $0x11A80;
	[smem:$0x718] =	sst s19  }
0x98: {  	s21 =	simm.s32 $0x11E80;
	[smem:$0x719] =	sst s20  }
0x99: {  	s22 =	simm.s32 $0x10B00;
	[smem:$0x71A] =	sst s21  }
0x9a: {  	s23 =	simm.s32 $0x10F00;
	[smem:$0x71B] =	sst s22  }
0x9b: {  	s24 =	simm.s32 $0x11300;
	[smem:$0x71C] =	sst s23  }
0x9c: {  	s25 =	simm.s32 $0x11700;
	[smem:$0x71D] =	sst s24  }
0x9d: {  	s26 =	simm.s32 $0x11B00;
	[smem:$0x71E] =	sst s25  }
0x9e: {  	s28 =	simm.s32 $0x11F00;
	[smem:$0x71F] =	sst s26  }
0x9f: {  	s29 =	simm.s32 $0x10B80;
	[smem:$0x720] =	sst s28  }
0xa0: {  	s30 =	simm.s32 $0x10F80;
	[smem:$0x721] =	sst s29  }
0xa1: {  	s31 =	simm.s32 $0x11380;
	[smem:$0x722] =	sst s30  }
0xa2: {  	s13 =	simm.s32 $0xDD00;
	[smem:$0x723] =	sst s31  }
0xa3: {  	s7 =	simm.s32 $0xF280;
	[smem:$0x6D3] =	sst s13  }
0xa4: {  	s11 =	simm.s32 $0xF680;
	[smem:$0x6E5] =	sst s7  }
0xa5: {  	s12 =	simm.s32 $0x10800;
	[smem:$0x6E6] =	sst s11  }
0xa6: {  	s14 =	simm.s32 $0x11000;
	[smem:$0x6FC] =	sst s12  }
0xa7: {  	s15 =	simm.s32 $0x11400;
	[smem:$0x728] =	sst s14  }
0xa8: {  	s16 =	simm.s32 $0x11800;
	[smem:$0x729] =	sst s15  }
0xa9: {  	s17 =	simm.s32 $0x11C00;
	[smem:$0x72A] =	sst s16  }
0xaa: {  	s18 =	simm.s32 $0x12000;
	[smem:$0x72B] =	sst s17  }
0xab: {  	s19 =	simm.s32 $0x10C80;
	[smem:$0x72C] =	sst s18  }
0xac: {  	s20 =	simm.s32 $0x11080;
	[smem:$0x72D] =	sst s19  }
0xad: {  	s21 =	simm.s32 $0x11480;
	[smem:$0x72E] =	sst s20  }
0xae: {  	s22 =	simm.s32 $0x11880;
	[smem:$0x72F] =	sst s21  }
0xaf: {  	s23 =	simm.s32 $0x11C80;
	[smem:$0x730] =	sst s22  }
0xb0: {  	s24 =	simm.s32 $0x12080;
	[smem:$0x731] =	sst s23  }
0xb1: {  	s25 =	simm.s32 $0x10D00;
	[smem:$0x732] =	sst s24  }
0xb2: {  	s26 =	simm.s32 $0x11100;
	[smem:$0x733] =	sst s25  }
0xb3: {  	s28 =	simm.s32 $0x11500;
	[smem:$0x734] =	sst s26  }
0xb4: {  	s29 =	simm.s32 $0x11900;
	[smem:$0x735] =	sst s28  }
0xb5: {  	s30 =	simm.s32 $0x11D00;
	[smem:$0x736] =	sst s29  }
0xb6: {  	s31 =	simm.s32 $0x12100;
	[smem:$0x737] =	sst s30  }
0xb7: {  	s13 =	simm.s32 $0xFE80;
	[smem:$0x738] =	sst s31  }
0xb8: {  	s7 =	simm.s32 $0x10000;
	[smem:$0x6E8] =	sst s13  }
0xb9: {  	s11 =	simm.s32 $0x10400;
	[smem:$0x6FA] =	sst s7  }
0xba: {  	s12 =	simm.s32 $0x11200;
	[smem:$0x6FB] =	sst s11  }
0xbb: {  	s14 =	simm.s32 $0x11D80;
	[smem:$0x711] =	sst s12  }
0xbc: {  	s15 =	simm.s32 $0x12180;
	[smem:$0x73D] =	sst s14  }
0xbd: {  	s16 =	simm.s32 $0x12600;
	[smem:$0x73E] =	sst s15  }
0xbe: {  	s17 =	simm.s32 $0x12A00;
	[smem:$0x73F] =	sst s16  }
0xbf: {  	s18 =	simm.s32 $0x12E00;
	[smem:$0x740] =	sst s17  }
0xc0: {  	s19 =	simm.s32 $0x13200;
	[smem:$0x741] =	sst s18  }
0xc1: {  	s20 =	simm.s32 $0x13600;
	[smem:$0x742] =	sst s19  }
0xc2: {  	s21 =	simm.s32 $0x12280;
	[smem:$0x743] =	sst s20  }
0xc3: {  	s22 =	simm.s32 $0x12680;
	[smem:$0x744] =	sst s21  }
0xc4: {  	s23 =	simm.s32 $0x12A80;
	[smem:$0x745] =	sst s22  }
0xc5: {  	s24 =	simm.s32 $0x12E80;
	[smem:$0x746] =	sst s23  }
0xc6: {  	s25 =	simm.s32 $0x13280;
	[smem:$0x747] =	sst s24  }
0xc7: {  	s26 =	simm.s32 $0x13680;
	[smem:$0x748] =	sst s25  }
0xc8: {  	s28 =	simm.s32 $0x12300;
	[smem:$0x749] =	sst s26  }
0xc9: {  	s29 =	simm.s32 $0x12700;
	[smem:$0x74A] =	sst s28  }
0xca: {  	s30 =	simm.s32 $0x12B00;
	[smem:$0x74B] =	sst s29  }
0xcb: {  	s31 =	simm.s32 $0x12F00;
	[smem:$0x74C] =	sst s30  }
0xcc: {  	s13 =	simm.s32 $0xF480;
	[smem:$0x74D] =	sst s31  }
0xcd: {  	s7 =	simm.s32 $0x10A00;
	[smem:$0x6FD] =	sst s13  }
0xce: {  	s11 =	simm.s32 $0x10E00;
	[smem:$0x70F] =	sst s7  }
0xcf: {  	s12 =	simm.s32 $0x11F80;
	[smem:$0x710] =	sst s11  }
0xd0: {  	s14 =	simm.s32 $0x12B80;
	[smem:$0x726] =	sst s12  }
0xd1: {  	s15 =	simm.s32 $0x12F80;
	[smem:$0x752] =	sst s14  }
0xd2: {  	s16 =	simm.s32 $0x13380;
	[smem:$0x753] =	sst s15  }
0xd3: {  	s17 =	simm.s32 $0x13780;
	[smem:$0x754] =	sst s16  }
0xd4: {  	s18 =	simm.s32 $0x12400;
	[smem:$0x755] =	sst s17  }
0xd5: {  	s19 =	simm.s32 $0x12800;
	[smem:$0x756] =	sst s18  }
0xd6: {  	s20 =	simm.s32 $0x12C00;
	[smem:$0x757] =	sst s19  }
0xd7: {  	s21 =	simm.s32 $0x13000;
	[smem:$0x758] =	sst s20  }
0xd8: {  	s22 =	simm.s32 $0x13400;
	[smem:$0x759] =	sst s21  }
0xd9: {  	s23 =	simm.s32 $0x13800;
	[smem:$0x75A] =	sst s22  }
0xda: {  	s24 =	simm.s32 $0x12480;
	[smem:$0x75B] =	sst s23  }
0xdb: {  	s25 =	simm.s32 $0x12880;
	[smem:$0x75C] =	sst s24  }
0xdc: {  	s26 =	simm.s32 $0x12C80;
	[smem:$0x75D] =	sst s25  }
0xdd: {  	s28 =	simm.s32 $0x13080;
	[smem:$0x75E] =	sst s26  }
0xde: {  	s29 =	simm.s32 $0x13480;
	[smem:$0x75F] =	sst s28  }
0xdf: {  	s30 =	simm.s32 $0x13880;
	[smem:$0x760] =	sst s29  }
0xe0: {  	s31 =	simm.s32 $0x12500;
	[smem:$0x761] =	sst s30  }
0xe1: {  	s13 =	simm.s32 $0x11600;
	[smem:$0x762] =	sst s31  }
0xe2: {  	s7 =	simm.s32 $0x11780;
	[smem:$0x712] =	sst s13  }
0xe3: {  	s11 =	simm.s32 $0x11B80;
	[smem:$0x724] =	sst s7  }
0xe4: {  	s12 =	simm.s32 $0x11580;
	[smem:$0x725] =	sst s11  }
0xe5: {  	s14 =	simm.s32 $0x13900;
	[smem:$0x73B] =	sst s12  }
0xe6: {  	s15 =	simm.s32 $0x12580;
	[smem:$0x767] =	sst s14  }
0xe7: {  	s16 =	simm.s32 $0x12980;
	[smem:$0x768] =	sst s15  }
0xe8: {  	s17 =	simm.s32 $0x12D80;
	[smem:$0x769] =	sst s16  }
0xe9: {  	s18 =	simm.s32 $0x13180;
	[smem:$0x76A] =	sst s17  }
0xea: {  	s19 =	simm.s32 $0x13580;
	[smem:$0x76B] =	sst s18  }
0xeb: {  	s20 =	simm.s32 $0x13980;
	[smem:$0x76C] =	sst s19  }
0xec: {  	s21 =	simm.s32 $0x13A00;
	[smem:$0x76D] =	sst s20  }
0xed: {  	s22 =	simm.s32 $0x13E00;
	[smem:$0x76E] =	sst s21  }
0xee: {  	s23 =	simm.s32 $0x14200;
	[smem:$0x76F] =	sst s22  }
0xef: {  	s24 =	simm.s32 $0x14600;
	[smem:$0x770] =	sst s23  }
0xf0: {  	s25 =	simm.s32 $0x14A00;
	[smem:$0x771] =	sst s24  }
0xf1: {  	s26 =	simm.s32 $0x14E00;
	[smem:$0x772] =	sst s25  }
0xf2: {  	s28 =	simm.s32 $0x13A80;
	[smem:$0x773] =	sst s26  }
0xf3: {  	s29 =	simm.s32 $0x13E80;
	[smem:$0x774] =	sst s28  }
0xf4: {  	s30 =	simm.s32 $0x14280;
	[smem:$0x775] =	sst s29  }
0xf5: {  	s31 =	simm.s32 $0x14680;
	[smem:$0x776] =	sst s30  }
0xf6: {  	s13 =	simm.s32 $0x10C00;
	[smem:$0x777] =	sst s31  }
0xf7: {  	s7 =	simm.s32 $0x10D80;
	[smem:$0x727] =	sst s13  }
0xf8: {  	s11 =	simm.s32 $0x11180;
	[smem:$0x739] =	sst s7  }
0xf9: {  	s12 =	simm.s32 $0x12380;
	[smem:$0x73A] =	sst s11  }
0xfa: {  	s14 =	simm.s32 $0x14300;
	[smem:$0x750] =	sst s12  }
0xfb: {  	s15 =	simm.s32 $0x14700;
	[smem:$0x77C] =	sst s14  }
0xfc: {  	s16 =	simm.s32 $0x14B00;
	[smem:$0x77D] =	sst s15  }
0xfd: {  	s17 =	simm.s32 $0x14F00;
	[smem:$0x77E] =	sst s16  }
0xfe: {  	s18 =	simm.s32 $0x13B80;
	[smem:$0x77F] =	sst s17  }
0xff: {  	s19 =	simm.s32 $0x13F80;
	[smem:$0x780] =	sst s18  }
0x100: {  	s20 =	simm.s32 $0x14380;
	[smem:$0x781] =	sst s19  }
0x101: {  	s21 =	simm.s32 $0x14780;
	[smem:$0x782] =	sst s20  }
0x102: {  	s22 =	simm.s32 $0x14B80;
	[smem:$0x783] =	sst s21  }
0x103: {  	s23 =	simm.s32 $0x14F80;
	[smem:$0x784] =	sst s22  }
0x104: {  	s24 =	simm.s32 $0x13C00;
	[smem:$0x785] =	sst s23  }
0x105: {  	s25 =	simm.s32 $0x14000;
	[smem:$0x786] =	sst s24  }
0x106: {  	s26 =	simm.s32 $0x14400;
	[smem:$0x787] =	sst s25  }
0x107: {  	s28 =	simm.s32 $0x14800;
	[smem:$0x788] =	sst s26  }
0x108: {  	s29 =	simm.s32 $0x14C00;
	[smem:$0x789] =	sst s28  }
0x109: {  	s30 =	simm.s32 $0x15000;
	[smem:$0x78A] =	sst s29  }
0x10a: {  	s31 =	simm.s32 $0x13C80;
	[smem:$0x78B] =	sst s30  }
0x10b: {  	s13 =	simm.s32 $0x11980;
	[smem:$0x78C] =	sst s31  }
0x10c: {  	s7 =	simm.s32 $0x13300;
	[smem:$0x73C] =	sst s13  }
0x10d: {  	s11 =	simm.s32 $0x13700;
	[smem:$0x74E] =	sst s7  }
0x10e: {  	s12 =	simm.s32 $0x13100;
	[smem:$0x74F] =	sst s11  }
0x10f: {  	s14 =	simm.s32 $0x14C80;
	[smem:$0x765] =	sst s12  }
0x110: {  	s15 =	simm.s32 $0x15080;
	[smem:$0x790] =	sst s14  }
0x111: {  	s16 =	simm.s32 $0x13D00;
	[smem:$0x791] =	sst s15  }
0x112: {  	s17 =	simm.s32 $0x14100;
	[smem:$0x792] =	sst s16  }
0x113: {  	s18 =	simm.s32 $0x14500;
	[smem:$0x793] =	sst s17  }
0x114: {  	s19 =	simm.s32 $0x14900;
	[smem:$0x794] =	sst s18  }
0x115: {  	s20 =	simm.s32 $0x14D00;
	[smem:$0x795] =	sst s19  }
0x116: {  	s21 =	simm.s32 $0x15100;
	[smem:$0x796] =	sst s20  }
0x117: {  	s22 =	simm.s32 $0x13D80;
	[smem:$0x797] =	sst s21  }
0x118: {  	s23 =	simm.s32 $0x14180;
	[smem:$0x798] =	sst s22  }
0x119: {  	s24 =	simm.s32 $0x14580;
	[smem:$0x799] =	sst s23  }
0x11a: {  	s25 =	simm.s32 $0x14980;
	[smem:$0x79A] =	sst s24  }
0x11b: {  	s26 =	simm.s32 $0x14D80;
	[smem:$0x79B] =	sst s25  }
0x11c: {  	s28 =	simm.s32 $0x15180;
	[smem:$0x79C] =	sst s26  }
0x11d: {  	s29 =	simm.s32 $0x15200;
	[smem:$0x79D] =	sst s28  }
0x11e: {  	s30 =	simm.s32 $0x15600;
	[smem:$0x79E] =	sst s29  }
0x11f: {  	s31 =	simm.s32 $0x15A00;
	[smem:$0x79F] =	sst s30  }
0x120: {  	s13 =	simm.s32 $0x12780;
	[smem:$0x7A0] =	sst s31  }
0x121: {  	s7 =	simm.s32 $0x12900;
	[smem:$0x751] =	sst s13  }
0x122: {  	s11 =	simm.s32 $0x12D00;
	[smem:$0x763] =	sst s7  }
0x123: {  	s12 =	simm.s32 $0x13B00;
	[smem:$0x764] =	sst s11  }
0x124: {  	s14 =	simm.s32 $0x15280;
	[smem:$0x77A] =	sst s12  }
0x125: {  	s15 =	simm.s32 $0x15680;
	[smem:$0x7A4] =	sst s14  }
0x126: {  	s16 =	simm.s32 $0x15A80;
	[smem:$0x7A5] =	sst s15  }
0x127: {  	s17 =	simm.s32 $0x15E80;
	[smem:$0x7A6] =	sst s16  }
0x128: {  	s18 =	simm.s32 $0x16280;
	[smem:$0x7A7] =	sst s17  }
0x129: {  	s19 =	simm.s32 $0x16680;
	[smem:$0x7A8] =	sst s18  }
0x12a: {  	s20 =	simm.s32 $0x15300;
	[smem:$0x7A9] =	sst s19  }
0x12b: {  	s21 =	simm.s32 $0x15700;
	[smem:$0x7AA] =	sst s20  }
0x12c: {  	s22 =	simm.s32 $0x15B00;
	[smem:$0x7AB] =	sst s21  }
0x12d: {  	s23 =	simm.s32 $0x15F00;
	[smem:$0x7AC] =	sst s22  }
0x12e: {  	s24 =	simm.s32 $0x16300;
	[smem:$0x7AD] =	sst s23  }
0x12f: {  	s25 =	simm.s32 $0x16700;
	[smem:$0x7AE] =	sst s24  }
0x130: {  	s26 =	simm.s32 $0x15380;
	[smem:$0x7AF] =	sst s25  }
0x131: {  	s28 =	simm.s32 $0x15780;
	[smem:$0x7B0] =	sst s26  }
0x132: {  	s29 =	simm.s32 $0x15B80;
	[smem:$0x7B1] =	sst s28  }
0x133: {  	s30 =	simm.s32 $0x15F80;
	[smem:$0x7B2] =	sst s29  }
0x134: {  	s31 =	simm.s32 $0x16380;
	[smem:$0x7B3] =	sst s30  }
0x135: {  	s13 =	simm.s32 $0x13500;
	[smem:$0x7B4] =	sst s31  }
0x136: {  	s7 =	simm.s32 $0x14A80;
	[smem:$0x766] =	sst s13  }
0x137: {  	s11 =	simm.s32 $0x14E80;
	[smem:$0x778] =	sst s7  }
0x138: {  	s12 =	simm.s32 $0x14480;
	[smem:$0x779] =	sst s11  }
0x139: {  	s14 =	simm.s32 $0x15C00;
	[smem:$0x78E] =	sst s12  }
0x13a: {  	s15 =	simm.s32 $0x16000;
	[smem:$0x7B8] =	sst s14  }
0x13b: {  	s16 =	simm.s32 $0x16400;
	[smem:$0x7B9] =	sst s15  }
0x13c: {  	s17 =	simm.s32 $0x16800;
	[smem:$0x7BA] =	sst s16  }
0x13d: {  	s18 =	simm.s32 $0x15480;
	[smem:$0x7BB] =	sst s17  }
0x13e: {  	s19 =	simm.s32 $0x15880;
	[smem:$0x7BC] =	sst s18  }
0x13f: {  	s20 =	simm.s32 $0x15C80;
	[smem:$0x7BD] =	sst s19  }
0x140: {  	s21 =	simm.s32 $0x16080;
	[smem:$0x7BE] =	sst s20  }
0x141: {  	s22 =	simm.s32 $0x16480;
	[smem:$0x7BF] =	sst s21  }
0x142: {  	s23 =	simm.s32 $0x16880;
	[smem:$0x7C0] =	sst s22  }
0x143: {  	s24 =	simm.s32 $0x15500;
	[smem:$0x7C1] =	sst s23  }
0x144: {  	s25 =	simm.s32 $0x15900;
	[smem:$0x7C2] =	sst s24  }
0x145: {  	s26 =	simm.s32 $0x15D00;
	[smem:$0x7C3] =	sst s25  }
0x146: {  	s28 =	simm.s32 $0x16100;
	[smem:$0x7C4] =	sst s26  }
0x147: {  	s29 =	simm.s32 $0x16500;
	[smem:$0x7C5] =	sst s28  }
0x148: {  	s30 =	simm.s32 $0x16900;
	[smem:$0x7C6] =	sst s29  }
0x149: {  	s31 =	simm.s32 $0x15580;
	[smem:$0x7C7] =	sst s30  }
0x14a: {  	s13 =	simm.s32 $0x13F00;
	[smem:$0x7C8] =	sst s31  }
0x14b: {  	s11 =	simm.s32 $0x14080;
	[smem:$0x77B] =	sst s13  }
0x14c: {  	s12 =	simm.s32 $0x16200;
	[smem:$0x78D] =	sst s11  }
0x14d: {  	s14 =	simm.s32 $0x16580;
	[smem:$0x7A2] =	sst s12  }
0x14e: {  	s15 =	simm.s32 $0x16980;
	[smem:$0x7CC] =	sst s14  }
0x14f: {  	s16 =	simm.s32 $0x16A00;
	[smem:$0x7CD] =	sst s15  }
0x150: {  	s17 =	simm.s32 $0x16E00;
	[smem:$0x7CE] =	sst s16  }
0x151: {  	s18 =	simm.s32 $0x17200;
	[smem:$0x7CF] =	sst s17  }
0x152: {  	s19 =	simm.s32 $0x17600;
	[smem:$0x7D0] =	sst s18  }
0x153: {  	s20 =	simm.s32 $0x17A00;
	[smem:$0x7D1] =	sst s19  }
0x154: {  	s21 =	simm.s32 $0x17E00;
	[smem:$0x7D2] =	sst s20  }
0x155: {  	s22 =	simm.s32 $0x16A80;
	[smem:$0x7D3] =	sst s21  }
0x156: {  	s23 =	simm.s32 $0x16E80;
	[smem:$0x7D4] =	sst s22  }
0x157: {  	s24 =	simm.s32 $0x17280;
	[smem:$0x7D5] =	sst s23  }
0x158: {  	s25 =	simm.s32 $0x17680;
	[smem:$0x7D6] =	sst s24  }
0x159: {  	s26 =	simm.s32 $0x17A80;
	[smem:$0x7D7] =	sst s25  }
0x15a: {  	s28 =	simm.s32 $0x17E80;
	[smem:$0x7D8] =	sst s26  }
0x15b: {  	s29 =	simm.s32 $0x16B00;
	[smem:$0x7D9] =	sst s28  }
0x15c: {  	s30 =	simm.s32 $0x16F00;
	[smem:$0x7DA] =	sst s29  }
0x15d: {  	s31 =	simm.s32 $0x17300;
	[smem:$0x7DB] =	sst s30  }
0x15e: {  	s13 =	simm.s32 $0x14880;
	[smem:$0x7DC] =	sst s31  }
0x15f: {  	s11 =	simm.s32 $0x15E00;
	[smem:$0x78F] =	sst s13  }
0x160: {  	s12 =	simm.s32 $0x15400;
	[smem:$0x7A1] =	sst s11  }
0x161: {  	s14 =	simm.s32 $0x16B80;
	[smem:$0x7B6] =	sst s12  }
0x162: {  	s15 =	simm.s32 $0x16F80;
	[smem:$0x7E0] =	sst s14  }
0x163: {  	s16 =	simm.s32 $0x17380;
	[smem:$0x7E1] =	sst s15  }
0x164: {  	s17 =	simm.s32 $0x17780;
	[smem:$0x7E2] =	sst s16  }
0x165: {  	s19 =	simm.s32 $0x17B80;
	[smem:$0x7E3] =	sst s17  }
0x166: {  	s21 =	simm.s32 $0x17F80;
	[smem:$0x7E4] =	sst s19  }
0x167: {  	s22 =	simm.s32 $0x16C00;
	[smem:$0x7E5] =	sst s21  }
0x168: {  	s24 =	simm.s32 $0x17000;
	[smem:$0x7E6] =	sst s22  }
0x169: {  	s25 =	simm.s32 $0x17400;
	[smem:$0x7E7] =	sst s24  }
0x16a: {  	s26 =	simm.s32 $0x17C00;
	[smem:$0x7E8] =	sst s25  }
0x16b: {  	s29 =	simm.s32 $0x18000;
	[smem:$0x7EA] =	sst s26  }
0x16c: {  	s31 =	simm.s32 $0x16C80;
	[smem:$0x7EB] =	sst s29  }
0x16d: {  	s13 =	simm.s32 $0x16600;
	[smem:$0x7EC] =	sst s31  }
0x16e: {  	s11 =	simm.s32 $0x16780;
	[smem:$0x7A3] =	sst s13  }
0x16f: {  	s12 =	simm.s32 $0x15D80;
	[smem:$0x7B5] =	sst s11  }
0x170: {  	s14 =	simm.s32 $0x17800;
	[smem:$0x7CA] =	sst s12  }
0x171: {  	s5 =	simm.s32 $0x1;
	s15 =	simm.s32 $0x17480;
	[smem:$0x7E9] =	sst s14  }
0x172: {  	s18 =	ssub.s32 $0x2, s9;
	s19 =	simm.s32 $0x17C80;
	[smem:$0x7EE] =	sst s15  }
0x173: {  	s23 =	smul.u32 $0xC000, s0;
	s21 =	simm.s32 $0x16D00;
	[smem:$0x7F0] =	sst s19  }
0x174: {  	s30 =	sshll.u32 s0, $0x6;
	s22 =	simm.s32 $0x17100;
	[smem:$0x7F2] =	sst s21  }
0x175: {  	s9 =	sshll.u32 s9, $0xC;
	s24 =	simm.s32 $0x17900;
	[smem:$0x7F3] =	sst s22  }
0x176: {  	s20 =	sshrl.u32 s18, $0x1;
	s25 =	simm.s32 $0x17D00;
	[smem:$0x7F5] =	sst s24  }
0x177: {  	s7 =	sor.u32 $0x1C05, s30;
	s26 =	simm.s32 $0x18100;
	[smem:$0x7F6] =	sst s25  }
0x178: {  	s16 =	sshll.u32 s10, $0xA;
	s29 =	simm.s32 $0x17180;
	[smem:$0x7F7] =	sst s26  }
0x179: {  	s10 =	sshll.u32 s10, $0x7;
	s30 =	simm.s32 $0x17580;
	[smem:$0x7F9] =	sst s29  }
0x17a: {  	s31 =	simm.s32 $0x17980;
	s13 =	simm.s32 $0x15800;
	[smem:$0x7FA] =	sst s30  }
0x17b: {  	s11 =	simm.s32 $0x15980;
	s12 =	simm.s32 $0x17B00;
	[smem:$0x7FB] =	sst s31  }
0x17c: {  	s28 =	sadd.s32 s23, s3;
	s14 =	simm.s32 $0x17080;
	[smem:$0x7B7] =	sst s13  }
0x17d: {  	s17 =	sand.u32 $0xFFFFE000, s16;
	s10 =	sand.u32 $0x380, s10;
	[smem:$0x7C9] =	sst s11  }
0x17e: {  	s16 =	simm.s32 $0x17D80;
	s15 =	simm.s32 $0xC200;
	[smem:$0x7DE] =	sst s12  }
0x17f: {  	s19 =	simm.s32 $0x4;
	s13 =	simm.s32 $0x16180;
	[smem:$0x7ED] =	sst s14  }
0x180: {  	s11 =	simm.s32 $0x17700;
	s9 =	sor.u32 s9, s17;
	[smem:$0x7FC] =	sst s16  }
0x181: {  	s12 =	simm.s32 $0x80;
	s14 =	simm.s32 $0xC000;
	[smem:$0x7CB] =	sst s13  }
0x182: {  	s17 =	simm.s32 $0x18180;
	s16 =	simm.s32 $0x12200;
	[smem:$0x7DD] =	sst s11  }
0x183: {  	s13 =	simm.s32 $0x17F00;
	s11 =	ssub.s32 s18, s20;
	s18 =	simm.s32 $0x17880  }
0x184: {  	s20 =	simm.s32 $0x18080;
	s9 =	sor.u32 s10, s9;
	[smem:$0x7FD] =	sst s17  }
0x185: {  	s10 =	sshrl.u32 s28, $0x3;
	s28 =	simm.s32 $0x16D80;
	[smem:$0x7DF] =	sst s13  }
0x186: {  	s17 =	simm.s32 $0x2;
	s13 =	sshrl.u32 s23, $0x3;
	[smem:$0x7EF] =	sst s18  }
0x187: {  	[smem:$0x7F1] =	sst s20;
	s23 =	simm.s32 $0x17500;
	s9 =	sshrl.u32 s9, $0x3  }
0x188: {  	[smem:$0x7F8] =	sst s28;
	s18 =	simm.s32 $0x3;
	s20 =	simm.s32 $0x0  }
0x189: {  	s6 =	sadd.s32 s6, s13;
	[smem:$0x7F4] =	sst s23;
	s8 =	sadd.s32 s8, s9  }
0x18a: {  	s9 =	smax.u32 s11, $0x1;
	s11 =	simm.s32 $0x5;
	s13 =	simm.s32 $0x400  }
.LBB2_1:
0x18b: {  	[spmem:s10], [sflag:s7] =	dma.local [hbm:s6], $0x1800  }
0x18c: {  	_ =	swait.ge [sflag:s11], $0x1800  }
0x18d: {  	[sflag:s11] =	ssyncset.done $0x0  }
0x18e: {  	[sflag:s11] =	ssyncadd.s32 $0xFFFFE800  }
0x18f: {  	[tilespmem:s14], [sflag:$0x5] =	stream.strided.gather [hbm4b:s8+s12], $0x200, s13, s12, $0x38;
	[tilespmem:$0x18200] =	vst v63  }
0x190: {  	_ =	swait.ge [sflag:s11], $0x200  }
0x191: {  	[sflag:s11] =	ssyncset.done $0x0  }
0x192: {  	[sflag:s11] =	ssyncadd.s32 $0xFFFFFE00  }
0x193: {  	s21 =	simm.s32 $0xC020;
	s22 =	simm.s32 $0x0;
	[bflag:$0x0] =	sbarrier.arrive $0xFFFF  }
.LBB2_2:
0x194: {  	p0 =	seq.s32 s22, $0x0  }
0x195: {  	s23 =	simm.s32 @!p0 $0x3  }
0x196: {  	_ =	swait.ge @!p0 [sflag:s23], $0x6000  }
0x197: {  	[sflag:s23] =	ssyncset.done @!p0 $0x0  }
0x198: {  	[sflag:s23] =	ssyncadd.s32 @!p0 $0xFFFFA000  }
0x199: {  	v0 =	vld [tilespmem:s21+$0xFFFFFFE0];
	_ =	sdelay $0x4  }
0x19a: {  	(v2sf) =	vpush v0, $0x0;
	_ =	sdelay $0xe  }
0x19b: {  	s28 =	spop (v2sf)  }
0x19c: {  	(v2sf) =	vpush v0, $0x1;
	s24 =	sshrl.u32 s28, $0x3  }
0x19d: {  	s24 =	smul.u32 $0x6000, s24;
	_ =	sdelay $0x1  }
0x19e: {  	s23 =	sshll.u32 s28, $0x7;
	s24 =	sshra.s32 s24, $0x2  }
0x19f: {  	s23 =	sand.u32 $0x380, s23;
	s24 =	sadd.s32 s24, s3  }
0x1a0: {  	s23 =	sadd.s32 s23, s24  }
0x1a1: {  	[tilespmem:s15], [sflag:$0x1] =	stream.linear.gather [spmem:s23], $0x80, $0x38;
	[tilespmem:$0x18200] =	vst v63  }
0x1a2: {  	s29 =	rddreg [dreg:$0x7];
	s25 =	sadd.s32 $0x400, s23  }
0x1a3: {  	[tilespmem:s29], [sflag:$0x1] =	stream.linear.gather [spmem:s25], $0x80, $0x38;
	[tilespmem:$0x18200] =	vst v63  }
0x1a4: {  	s26 =	rddreg [dreg:$0x8];
	s30 =	sadd.s32 $0x800, s23  }
0x1a5: {  	[tilespmem:s26], [sflag:$0x1] =	stream.linear.gather [spmem:s30], $0x80, $0x38;
	[tilespmem:$0x18200] =	vst v63  }
0x1a6: {  	s31 =	rddreg [dreg:$0x9];
	s26 =	sadd.s32 $0xC00, s23  }
0x1a7: {  	[tilespmem:s31], [sflag:$0x1] =	stream.linear.gather [spmem:s26], $0x80, $0x38;
	[tilespmem:$0x18200] =	vst v63  }
0x1a8: {  	s28 =	rddreg [dreg:$0xa];
	s29 =	sadd.s32 $0x1000, s23  }
0x1a9: {  	[tilespmem:s28], [sflag:$0x1] =	stream.linear.gather [spmem:s29], $0x80, $0x38;
	[tilespmem:$0x18200] =	vst v63  }
0x1aa: {  	s31 =	spop (v2sf)  }
0x1ab: {  	(v2sf) =	vpush v0, $0x2;
	s28 =	sshrl.u32 s31, $0x3  }
0x1ac: {  	s30 =	rddreg [dreg:$0xb];
	s23 =	sadd.s32 $0x1400, s23;
	s26 =	smul.u32 $0x6000, s28  }
0x1ad: {  	[tilespmem:s30], [sflag:$0x1] =	stream.linear.gather [spmem:s23], $0x80, $0x38;
	[tilespmem:$0x18200] =	vst v63  }
0x1ae: {  	s29 =	sshll.u32 s31, $0x7;
	s30 =	sshra.s32 s26, $0x2  }
0x1af: {  	s23 =	sand.u32 $0x380, s29;
	s24 =	sadd.s32 s30, s3  }
0x1b0: {  	s31 =	rddreg [dreg:$0xc];
	s23 =	sadd.s32 s23, s24  }
0x1b1: {  	[tilespmem:s31], [sflag:$0x1] =	stream.linear.gather [spmem:s23], $0x80, $0x38;
	[tilespmem:$0x18200] =	vst v63  }
0x1b2: {  	s26 =	rddreg [dreg:$0xd];
	s28 =	sadd.s32 $0x400, s23  }
0x1b3: {  	[tilespmem:s26], [sflag:$0x1] =	stream.linear.gather [spmem:s28], $0x80, $0x38;
	[tilespmem:$0x18200] =	vst v63  }
0x1b4: {  	s29 =	rddreg [dreg:$0xe];
	s30 =	sadd.s32 $0x800, s23  }
0x1b5: {  	[tilespmem:s29], [sflag:$0x1] =	stream.linear.gather [spmem:s30], $0x80, $0x38;
	[tilespmem:$0x18200] =	vst v63  }
0x1b6: {  	s31 =	rddreg [dreg:$0xf];
	s26 =	sadd.s32 $0xC00, s23  }
0x1b7: {  	[tilespmem:s31], [sflag:$0x1] =	stream.linear.gather [spmem:s26], $0x80, $0x38;
	[tilespmem:$0x18200] =	vst v63  }
0x1b8: {  	s28 =	rddreg [dreg:$0x10];
	s29 =	sadd.s32 $0x1000, s23  }
0x1b9: {  	[tilespmem:s28], [sflag:$0x1] =	stream.linear.gather [spmem:s29], $0x80, $0x38;
	[tilespmem:$0x18200] =	vst v63  }
0x1ba: {  	s31 =	spop (v2sf)  }
0x1bb: {  	(v2sf) =	vpush v0, $0x3;
	s28 =	sshrl.u32 s31, $0x3  }
0x1bc: {  	s30 =	rddreg [dreg:$0x11];
	s23 =	sadd.s32 $0x1400, s23;
	s26 =	smul.u32 $0x6000, s28  }
0x1bd: {  	[tilespmem:s30], [sflag:$0x1] =	stream.linear.gather [spmem:s23], $0x80, $0x38;
	[tilespmem:$0x18200] =	vst v63  }
0x1be: {  	s29 =	sshll.u32 s31, $0x7;
	s30 =	sshra.s32 s26, $0x2  }
0x1bf: {  	s23 =	sand.u32 $0x380, s29;
	s24 =	sadd.s32 s30, s3  }
0x1c0: {  	s31 =	rddreg [dreg:$0x12];
	s23 =	sadd.s32 s23, s24  }
0x1c1: {  	[tilespmem:s31], [sflag:$0x1] =	stream.linear.gather [spmem:s23], $0x80, $0x38;
	[tilespmem:$0x18200] =	vst v63  }
0x1c2: {  	s26 =	rddreg [dreg:$0x13];
	s28 =	sadd.s32 $0x400, s23  }
0x1c3: {  	[tilespmem:s26], [sflag:$0x1] =	stream.linear.gather [spmem:s28], $0x80, $0x38;
	[tilespmem:$0x18200] =	vst v63  }
0x1c4: {  	s29 =	rddreg [dreg:$0x14];
	s30 =	sadd.s32 $0x800, s23  }
0x1c5: {  	[tilespmem:s29], [sflag:$0x1] =	stream.linear.gather [spmem:s30], $0x80, $0x38;
	[tilespmem:$0x18200] =	vst v63  }
0x1c6: {  	s31 =	rddreg [dreg:$0x15];
	s26 =	sadd.s32 $0xC00, s23  }
0x1c7: {  	[tilespmem:s31], [sflag:$0x1] =	stream.linear.gather [spmem:s26], $0x80, $0x38;
	[tilespmem:$0x18200] =	vst v63  }
0x1c8: {  	s28 =	rddreg [dreg:$0x16];
	s29 =	sadd.s32 $0x1000, s23  }
0x1c9: {  	[tilespmem:s28], [sflag:$0x1] =	stream.linear.gather [spmem:s29], $0x80, $0x38;
	[tilespmem:$0x18200] =	vst v63  }
0x1ca: {  	s31 =	spop (v2sf)  }
0x1cb: {  	(v2sf) =	vpush v0, $0x4;
	s28 =	sshrl.u32 s31, $0x3  }
0x1cc: {  	s30 =	rddreg [dreg:$0x17];
	s23 =	sadd.s32 $0x1400, s23;
	s26 =	smul.u32 $0x6000, s28  }
0x1cd: {  	[tilespmem:s30], [sflag:$0x1] =	stream.linear.gather [spmem:s23], $0x80, $0x38;
	[tilespmem:$0x18200] =	vst v63  }
0x1ce: {  	s29 =	sshll.u32 s31, $0x7;
	s30 =	sshra.s32 s26, $0x2  }
0x1cf: {  	s23 =	sand.u32 $0x380, s29;
	s24 =	sadd.s32 s30, s3  }
0x1d0: {  	s31 =	rddreg [dreg:$0x18];
	s23 =	sadd.s32 s23, s24  }
0x1d1: {  	[tilespmem:s31], [sflag:$0x1] =	stream.linear.gather [spmem:s23], $0x80, $0x38;
	[tilespmem:$0x18200] =	vst v63  }
0x1d2: {  	s26 =	rddreg [dreg:$0x19];
	s28 =	sadd.s32 $0x400, s23  }
0x1d3: {  	[tilespmem:s26], [sflag:$0x1] =	stream.linear.gather [spmem:s28], $0x80, $0x38;
	[tilespmem:$0x18200] =	vst v63  }
0x1d4: {  	s29 =	rddreg [dreg:$0x1a];
	s30 =	sadd.s32 $0x800, s23  }
0x1d5: {  	[tilespmem:s29], [sflag:$0x1] =	stream.linear.gather [spmem:s30], $0x80, $0x38;
	[tilespmem:$0x18200] =	vst v63  }
0x1d6: {  	s31 =	rddreg [dreg:$0x1b];
	s26 =	sadd.s32 $0xC00, s23  }
0x1d7: {  	[tilespmem:s31], [sflag:$0x1] =	stream.linear.gather [spmem:s26], $0x80, $0x38;
	[tilespmem:$0x18200] =	vst v63  }
0x1d8: {  	s28 =	rddreg [dreg:$0x1c];
	s29 =	sadd.s32 $0x1000, s23  }
0x1d9: {  	[tilespmem:s28], [sflag:$0x1] =	stream.linear.gather [spmem:s29], $0x80, $0x38;
	[tilespmem:$0x18200] =	vst v63  }
0x1da: {  	s31 =	spop (v2sf)  }
0x1db: {  	(v2sf) =	vpush v0, $0x5;
	s28 =	sshrl.u32 s31, $0x3  }
0x1dc: {  	s30 =	rddreg [dreg:$0x1d];
	s23 =	sadd.s32 $0x1400, s23;
	s26 =	smul.u32 $0x6000, s28  }
0x1dd: {  	[tilespmem:s30], [sflag:$0x1] =	stream.linear.gather [spmem:s23], $0x80, $0x38;
	[tilespmem:$0x18200] =	vst v63  }
0x1de: {  	s29 =	sshll.u32 s31, $0x7;
	s30 =	sshra.s32 s26, $0x2  }
0x1df: {  	s31 =	rddreg [dreg:$0x1e];
	s23 =	sand.u32 $0x380, s29;
	s24 =	sadd.s32 s30, s3  }
0x1e0: {  	s29 =	sld [smem:$0x699];
	s23 =	sadd.s32 s23, s24  }
0x1e1: {  	[tilespmem:s31], [sflag:$0x1] =	stream.linear.gather [spmem:s23], $0x80, $0x38;
	[tilespmem:$0x18200] =	vst v63  }
0x1e2: {  	s26 =	rddreg [dreg:$0x1f];
	s28 =	sadd.s32 $0x400, s23  }
0x1e3: {  	[tilespmem:s26], [sflag:$0x1] =	stream.linear.gather [spmem:s28], $0x80, $0x38;
	[tilespmem:$0x18200] =	vst v63  }
0x1e4: {  	s30 =	sadd.s32 $0x800, s23;
	s31 =	sld [smem:$0x69A]  }
0x1e5: {  	[tilespmem:s29], [sflag:$0x1] =	stream.linear.gather [spmem:s30], $0x80, $0x38;
	[tilespmem:$0x18200] =	vst v63  }
0x1e6: {  	s26 =	sadd.s32 $0xC00, s23;
	s28 =	sld [smem:$0x69B]  }
0x1e7: {  	[tilespmem:s31], [sflag:$0x1] =	stream.linear.gather [spmem:s26], $0x80, $0x38;
	[tilespmem:$0x18200] =	vst v63  }
0x1e8: {  	s29 =	sadd.s32 $0x1000, s23  }
0x1e9: {  	[tilespmem:s28], [sflag:$0x1] =	stream.linear.gather [spmem:s29], $0x80, $0x38;
	[tilespmem:$0x18200] =	vst v63  }
0x1ea: {  	s30 =	sld [smem:$0x69C];
	s31 =	spop (v2sf)  }
0x1eb: {  	(v2sf) =	vpush v0, $0x6;
	s28 =	sshrl.u32 s31, $0x3  }
0x1ec: {  	s23 =	sadd.s32 $0x1400, s23;
	s26 =	smul.u32 $0x6000, s28  }
0x1ed: {  	[tilespmem:s30], [sflag:$0x1] =	stream.linear.gather [spmem:s23], $0x80, $0x38;
	[tilespmem:$0x18200] =	vst v63  }
0x1ee: {  	s29 =	sshll.u32 s31, $0x7;
	s31 =	sld [smem:$0x69D];
	s30 =	sshra.s32 s26, $0x2  }
0x1ef: {  	s23 =	sand.u32 $0x380, s29;
	s24 =	sadd.s32 s30, s3  }
0x1f0: {  	s26 =	sld [smem:$0x69E];
	s23 =	sadd.s32 s23, s24  }
0x1f1: {  	[tilespmem:s31], [sflag:$0x1] =	stream.linear.gather [spmem:s23], $0x80, $0x38;
	[tilespmem:$0x18200] =	vst v63  }
0x1f2: {  	s29 =	sld [smem:$0x69F];
	s28 =	sadd.s32 $0x400, s23  }
0x1f3: {  	[tilespmem:s26], [sflag:$0x1] =	stream.linear.gather [spmem:s28], $0x80, $0x38;
	[tilespmem:$0x18200] =	vst v63  }
0x1f4: {  	s30 =	sadd.s32 $0x800, s23;
	s31 =	sld [smem:$0x6A0]  }
0x1f5: {  	[tilespmem:s29], [sflag:$0x1] =	stream.linear.gather [spmem:s30], $0x80, $0x38;
	[tilespmem:$0x18200] =	vst v63  }
0x1f6: {  	s26 =	sadd.s32 $0xC00, s23;
	s28 =	sld [smem:$0x6A1]  }
0x1f7: {  	[tilespmem:s31], [sflag:$0x1] =	stream.linear.gather [spmem:s26], $0x80, $0x38;
	[tilespmem:$0x18200] =	vst v63  }
0x1f8: {  	s29 =	sadd.s32 $0x1000, s23  }
0x1f9: {  	[tilespmem:s28], [sflag:$0x1] =	stream.linear.gather [spmem:s29], $0x80, $0x38;
	[tilespmem:$0x18200] =	vst v63  }
0x1fa: {  	s30 =	sld [smem:$0x6A2];
	s31 =	spop (v2sf)  }
0x1fb: {  	(v2sf) =	vpush v0, $0x7;
	s28 =	sshrl.u32 s31, $0x3  }
0x1fc: {  	s23 =	sadd.s32 $0x1400, s23;
	s26 =	smul.u32 $0x6000, s28  }
0x1fd: {  	[tilespmem:s30], [sflag:$0x1] =	stream.linear.gather [spmem:s23], $0x80, $0x38;
	[tilespmem:$0x18200] =	vst v63  }
0x1fe: {  	s29 =	sshll.u32 s31, $0x7;
	s31 =	sld [smem:$0x6A3];
	s30 =	sshra.s32 s26, $0x2  }
0x1ff: {  	s23 =	sand.u32 $0x380, s29;
	s24 =	sadd.s32 s30, s3  }
0x200: {  	s26 =	sld [smem:$0x6A4];
	s23 =	sadd.s32 s23, s24  }
0x201: {  	[tilespmem:s31], [sflag:$0x1] =	stream.linear.gather [spmem:s23], $0x80, $0x38;
	[tilespmem:$0x18200] =	vst v63  }
0x202: {  	s29 =	sld [smem:$0x6A5];
	s28 =	sadd.s32 $0x400, s23  }
0x203: {  	[tilespmem:s26], [sflag:$0x1] =	stream.linear.gather [spmem:s28], $0x80, $0x38;
	[tilespmem:$0x18200] =	vst v63  }
0x204: {  	s30 =	sadd.s32 $0x800, s23;
	s31 =	sld [smem:$0x6A6]  }
0x205: {  	[tilespmem:s29], [sflag:$0x1] =	stream.linear.gather [spmem:s30], $0x80, $0x38;
	[tilespmem:$0x18200] =	vst v63  }
0x206: {  	s26 =	sadd.s32 $0xC00, s23;
	s28 =	sld [smem:$0x6A7]  }
0x207: {  	[tilespmem:s31], [sflag:$0x1] =	stream.linear.gather [spmem:s26], $0x80, $0x38;
	[tilespmem:$0x18200] =	vst v63  }
0x208: {  	s29 =	sadd.s32 $0x1000, s23  }
0x209: {  	[tilespmem:s28], [sflag:$0x1] =	stream.linear.gather [spmem:s29], $0x80, $0x38;
	[tilespmem:$0x18200] =	vst v63  }
0x20a: {  	s30 =	sld [smem:$0x6A8];
	s31 =	spop (v2sf)  }
0x20b: {  	(v2sf) =	vpush v0, $0x8;
	s28 =	sshrl.u32 s31, $0x3  }
0x20c: {  	s23 =	sadd.s32 $0x1400, s23;
	s26 =	smul.u32 $0x6000, s28  }
0x20d: {  	[tilespmem:s30], [sflag:$0x1] =	stream.linear.gather [spmem:s23], $0x80, $0x38;
	[tilespmem:$0x18200] =	vst v63  }
0x20e: {  	s29 =	sshll.u32 s31, $0x7;
	s31 =	sld [smem:$0x6A9];
	s30 =	sshra.s32 s26, $0x2  }
0x20f: {  	s23 =	sand.u32 $0x380, s29;
	s24 =	sadd.s32 s30, s3  }
0x210: {  	s26 =	sld [smem:$0x6AA];
	s23 =	sadd.s32 s23, s24  }
0x211: {  	[tilespmem:s31], [sflag:$0x1] =	stream.linear.gather [spmem:s23], $0x80, $0x38;
	[tilespmem:$0x18200] =	vst v63  }
0x212: {  	s29 =	sld [smem:$0x6AB];
	s28 =	sadd.s32 $0x400, s23  }
0x213: {  	[tilespmem:s26], [sflag:$0x1] =	stream.linear.gather [spmem:s28], $0x80, $0x38;
	[tilespmem:$0x18200] =	vst v63  }
0x214: {  	s30 =	sadd.s32 $0x800, s23;
	s31 =	sld [smem:$0x6AC]  }
0x215: {  	[tilespmem:s29], [sflag:$0x1] =	stream.linear.gather [spmem:s30], $0x80, $0x38;
	[tilespmem:$0x18200] =	vst v63  }
0x216: {  	s26 =	sadd.s32 $0xC00, s23;
	s28 =	sld [smem:$0x6AD]  }
0x217: {  	[tilespmem:s31], [sflag:$0x1] =	stream.linear.gather [spmem:s26], $0x80, $0x38;
	[tilespmem:$0x18200] =	vst v63  }
0x218: {  	s29 =	sadd.s32 $0x1000, s23  }
0x219: {  	[tilespmem:s28], [sflag:$0x1] =	stream.linear.gather [spmem:s29], $0x80, $0x38;
	[tilespmem:$0x18200] =	vst v63  }
0x21a: {  	s30 =	sld [smem:$0x6AE];
	s31 =	spop (v2sf)  }
0x21b: {  	(v2sf) =	vpush v0, $0x9;
	s28 =	sshrl.u32 s31, $0x3  }
0x21c: {  	s23 =	sadd.s32 $0x1400, s23;
	s26 =	smul.u32 $0x6000, s28  }
0x21d: {  	[tilespmem:s30], [sflag:$0x1] =	stream.linear.gather [spmem:s23], $0x80, $0x38;
	[tilespmem:$0x18200] =	vst v63  }
0x21e: {  	s29 =	sshll.u32 s31, $0x7;
	s31 =	sld [smem:$0x6AF];
	s30 =	sshra.s32 s26, $0x2  }
0x21f: {  	s23 =	sand.u32 $0x380, s29;
	s24 =	sadd.s32 s30, s3  }
0x220: {  	s26 =	sld [smem:$0x6B0];
	s23 =	sadd.s32 s23, s24  }
0x221: {  	[tilespmem:s31], [sflag:$0x1] =	stream.linear.gather [spmem:s23], $0x80, $0x38;
	[tilespmem:$0x18200] =	vst v63  }
0x222: {  	s29 =	sld [smem:$0x6B1];
	s28 =	sadd.s32 $0x400, s23  }
0x223: {  	[tilespmem:s26], [sflag:$0x1] =	stream.linear.gather [spmem:s28], $0x80, $0x38;
	[tilespmem:$0x18200] =	vst v63  }
0x224: {  	s30 =	sadd.s32 $0x800, s23;
	s31 =	sld [smem:$0x6B2]  }
0x225: {  	[tilespmem:s29], [sflag:$0x1] =	stream.linear.gather [spmem:s30], $0x80, $0x38;
	[tilespmem:$0x18200] =	vst v63  }
0x226: {  	s26 =	sadd.s32 $0xC00, s23;
	s28 =	sld [smem:$0x6B3]  }
0x227: {  	[tilespmem:s31], [sflag:$0x1] =	stream.linear.gather [spmem:s26], $0x80, $0x38;
	[tilespmem:$0x18200] =	vst v63  }
0x228: {  	s29 =	sadd.s32 $0x1000, s23  }
0x229: {  	[tilespmem:s28], [sflag:$0x1] =	stream.linear.gather [spmem:s29], $0x80, $0x38;
	[tilespmem:$0x18200] =	vst v63  }
0x22a: {  	s30 =	sld [smem:$0x6B4];
	s31 =	spop (v2sf)  }
0x22b: {  	(v2sf) =	vpush v0, $0xA;
	s28 =	sshrl.u32 s31, $0x3  }
0x22c: {  	s23 =	sadd.s32 $0x1400, s23;
	s26 =	smul.u32 $0x6000, s28  }
0x22d: {  	[tilespmem:s30], [sflag:$0x1] =	stream.linear.gather [spmem:s23], $0x80, $0x38;
	[tilespmem:$0x18200] =	vst v63  }
0x22e: {  	s29 =	sshll.u32 s31, $0x7;
	s31 =	sld [smem:$0x6B5];
	s30 =	sshra.s32 s26, $0x2  }
0x22f: {  	s23 =	sand.u32 $0x380, s29;
	s24 =	sadd.s32 s30, s3  }
0x230: {  	s26 =	sld [smem:$0x6B6];
	s23 =	sadd.s32 s23, s24  }
0x231: {  	[tilespmem:s31], [sflag:$0x1] =	stream.linear.gather [spmem:s23], $0x80, $0x38;
	[tilespmem:$0x18200] =	vst v63  }
0x232: {  	s29 =	sld [smem:$0x6B7];
	s28 =	sadd.s32 $0x400, s23  }
0x233: {  	[tilespmem:s26], [sflag:$0x1] =	stream.linear.gather [spmem:s28], $0x80, $0x38;
	[tilespmem:$0x18200] =	vst v63  }
0x234: {  	s30 =	sadd.s32 $0x800, s23;
	s31 =	sld [smem:$0x6B8]  }
0x235: {  	[tilespmem:s29], [sflag:$0x1] =	stream.linear.gather [spmem:s30], $0x80, $0x38;
	[tilespmem:$0x18200] =	vst v63  }
0x236: {  	s26 =	sadd.s32 $0xC00, s23;
	s28 =	sld [smem:$0x6B9]  }
0x237: {  	[tilespmem:s31], [sflag:$0x1] =	stream.linear.gather [spmem:s26], $0x80, $0x38;
	[tilespmem:$0x18200] =	vst v63  }
0x238: {  	s29 =	sadd.s32 $0x1000, s23  }
0x239: {  	[tilespmem:s28], [sflag:$0x1] =	stream.linear.gather [spmem:s29], $0x80, $0x38;
	[tilespmem:$0x18200] =	vst v63  }
0x23a: {  	s30 =	sld [smem:$0x6BA];
	s31 =	spop (v2sf)  }
0x23b: {  	(v2sf) =	vpush v0, $0xB;
	s28 =	sshrl.u32 s31, $0x3  }
0x23c: {  	s23 =	sadd.s32 $0x1400, s23;
	s26 =	smul.u32 $0x6000, s28  }
0x23d: {  	[tilespmem:s30], [sflag:$0x1] =	stream.linear.gather [spmem:s23], $0x80, $0x38;
	[tilespmem:$0x18200] =	vst v63  }
0x23e: {  	s29 =	sshll.u32 s31, $0x7;
	s31 =	sld [smem:$0x6BB];
	s30 =	sshra.s32 s26, $0x2  }
0x23f: {  	s23 =	sand.u32 $0x380, s29;
	s24 =	sadd.s32 s30, s3  }
0x240: {  	s26 =	sld [smem:$0x6BC];
	s23 =	sadd.s32 s23, s24  }
0x241: {  	[tilespmem:s31], [sflag:$0x1] =	stream.linear.gather [spmem:s23], $0x80, $0x38;
	[tilespmem:$0x18200] =	vst v63  }
0x242: {  	s29 =	sld [smem:$0x6BD];
	s28 =	sadd.s32 $0x400, s23  }
0x243: {  	[tilespmem:s26], [sflag:$0x1] =	stream.linear.gather [spmem:s28], $0x80, $0x38;
	[tilespmem:$0x18200] =	vst v63  }
0x244: {  	s30 =	sadd.s32 $0x800, s23;
	s31 =	sld [smem:$0x6BE]  }
0x245: {  	[tilespmem:s29], [sflag:$0x1] =	stream.linear.gather [spmem:s30], $0x80, $0x38;
	[tilespmem:$0x18200] =	vst v63  }
0x246: {  	s26 =	sadd.s32 $0xC00, s23;
	s28 =	sld [smem:$0x6BF]  }
0x247: {  	[tilespmem:s31], [sflag:$0x1] =	stream.linear.gather [spmem:s26], $0x80, $0x38;
	[tilespmem:$0x18200] =	vst v63  }
0x248: {  	s29 =	sadd.s32 $0x1000, s23  }
0x249: {  	[tilespmem:s28], [sflag:$0x1] =	stream.linear.gather [spmem:s29], $0x80, $0x38;
	[tilespmem:$0x18200] =	vst v63  }
0x24a: {  	s30 =	sld [smem:$0x6C0];
	s31 =	spop (v2sf)  }
0x24b: {  	(v2sf) =	vpush v0, $0xC;
	s28 =	sshrl.u32 s31, $0x3  }
0x24c: {  	s23 =	sadd.s32 $0x1400, s23;
	s26 =	smul.u32 $0x6000, s28  }
0x24d: {  	[tilespmem:s30], [sflag:$0x1] =	stream.linear.gather [spmem:s23], $0x80, $0x38;
	[tilespmem:$0x18200] =	vst v63  }
0x24e: {  	s29 =	sshll.u32 s31, $0x7;
	s31 =	sld [smem:$0x6C1];
	s30 =	sshra.s32 s26, $0x2  }
0x24f: {  	s23 =	sand.u32 $0x380, s29;
	s24 =	sadd.s32 s30, s3  }
0x250: {  	s26 =	sld [smem:$0x6C2];
	s23 =	sadd.s32 s23, s24  }
0x251: {  	[tilespmem:s31], [sflag:$0x1] =	stream.linear.gather [spmem:s23], $0x80, $0x38;
	[tilespmem:$0x18200] =	vst v63  }
0x252: {  	s29 =	sld [smem:$0x6C3];
	s28 =	sadd.s32 $0x400, s23  }
0x253: {  	[tilespmem:s26], [sflag:$0x1] =	stream.linear.gather [spmem:s28], $0x80, $0x38;
	[tilespmem:$0x18200] =	vst v63  }
0x254: {  	s30 =	sadd.s32 $0x800, s23;
	s31 =	sld [smem:$0x6C4]  }
0x255: {  	[tilespmem:s29], [sflag:$0x1] =	stream.linear.gather [spmem:s30], $0x80, $0x38;
	[tilespmem:$0x18200] =	vst v63  }
0x256: {  	s26 =	sadd.s32 $0xC00, s23;
	s28 =	sld [smem:$0x6C5]  }
0x257: {  	[tilespmem:s31], [sflag:$0x1] =	stream.linear.gather [spmem:s26], $0x80, $0x38;
	[tilespmem:$0x18200] =	vst v63  }
0x258: {  	s29 =	sadd.s32 $0x1000, s23  }
0x259: {  	[tilespmem:s28], [sflag:$0x1] =	stream.linear.gather [spmem:s29], $0x80, $0x38;
	[tilespmem:$0x18200] =	vst v63  }
0x25a: {  	s30 =	sld [smem:$0x6C6];
	s31 =	spop (v2sf)  }
0x25b: {  	(v2sf) =	vpush v0, $0xD;
	s28 =	sshrl.u32 s31, $0x3  }
0x25c: {  	s23 =	sadd.s32 $0x1400, s23;
	s26 =	smul.u32 $0x6000, s28  }
0x25d: {  	[tilespmem:s30], [sflag:$0x1] =	stream.linear.gather [spmem:s23], $0x80, $0x38;
	[tilespmem:$0x18200] =	vst v63  }
0x25e: {  	s29 =	sshll.u32 s31, $0x7;
	s31 =	sld [smem:$0x6C7];
	s30 =	sshra.s32 s26, $0x2  }
0x25f: {  	s23 =	sand.u32 $0x380, s29;
	s24 =	sadd.s32 s30, s3  }
0x260: {  	s26 =	sld [smem:$0x6C8];
	s23 =	sadd.s32 s23, s24  }
0x261: {  	[tilespmem:s31], [sflag:$0x1] =	stream.linear.gather [spmem:s23], $0x80, $0x38;
	[tilespmem:$0x18200] =	vst v63  }
0x262: {  	s29 =	sld [smem:$0x6C9];
	s28 =	sadd.s32 $0x400, s23  }
0x263: {  	[tilespmem:s26], [sflag:$0x1] =	stream.linear.gather [spmem:s28], $0x80, $0x38;
	[tilespmem:$0x18200] =	vst v63  }
0x264: {  	s30 =	sadd.s32 $0x800, s23;
	s31 =	sld [smem:$0x6CA]  }
0x265: {  	[tilespmem:s29], [sflag:$0x1] =	stream.linear.gather [spmem:s30], $0x80, $0x38;
	[tilespmem:$0x18200] =	vst v63  }
0x266: {  	s26 =	sadd.s32 $0xC00, s23;
	s28 =	sld [smem:$0x6CB]  }
0x267: {  	[tilespmem:s31], [sflag:$0x1] =	stream.linear.gather [spmem:s26], $0x80, $0x38;
	[tilespmem:$0x18200] =	vst v63  }
0x268: {  	s29 =	sadd.s32 $0x1000, s23  }
0x269: {  	[tilespmem:s28], [sflag:$0x1] =	stream.linear.gather [spmem:s29], $0x80, $0x38;
	[tilespmem:$0x18200] =	vst v63  }
0x26a: {  	s30 =	sld [smem:$0x6CC];
	s31 =	spop (v2sf)  }
0x26b: {  	(v2sf) =	vpush v0, $0xE;
	s28 =	sshrl.u32 s31, $0x3  }
0x26c: {  	s23 =	sadd.s32 $0x1400, s23;
	s26 =	smul.u32 $0x6000, s28  }
0x26d: {  	[tilespmem:s30], [sflag:$0x1] =	stream.linear.gather [spmem:s23], $0x80, $0x38;
	[tilespmem:$0x18200] =	vst v63  }
0x26e: {  	s29 =	sshll.u32 s31, $0x7;
	s31 =	sld [smem:$0x6CD];
	s30 =	sshra.s32 s26, $0x2  }
0x26f: {  	s23 =	sand.u32 $0x380, s29;
	s24 =	sadd.s32 s30, s3  }
0x270: {  	s26 =	sld [smem:$0x6CE];
	s23 =	sadd.s32 s23, s24  }
0x271: {  	[tilespmem:s31], [sflag:$0x1] =	stream.linear.gather [spmem:s23], $0x80, $0x38;
	[tilespmem:$0x18200] =	vst v63  }
0x272: {  	s29 =	sld [smem:$0x6CF];
	s28 =	sadd.s32 $0x400, s23  }
0x273: {  	[tilespmem:s26], [sflag:$0x1] =	stream.linear.gather [spmem:s28], $0x80, $0x38;
	[tilespmem:$0x18200] =	vst v63  }
0x274: {  	s30 =	sadd.s32 $0x800, s23;
	s31 =	sld [smem:$0x6D0]  }
0x275: {  	[tilespmem:s29], [sflag:$0x1] =	stream.linear.gather [spmem:s30], $0x80, $0x38;
	[tilespmem:$0x18200] =	vst v63  }
0x276: {  	s26 =	sadd.s32 $0xC00, s23;
	s28 =	sld [smem:$0x6D1]  }
0x277: {  	[tilespmem:s31], [sflag:$0x1] =	stream.linear.gather [spmem:s26], $0x80, $0x38;
	[tilespmem:$0x18200] =	vst v63  }
0x278: {  	s29 =	sadd.s32 $0x1000, s23  }
0x279: {  	[tilespmem:s28], [sflag:$0x1] =	stream.linear.gather [spmem:s29], $0x80, $0x38;
	[tilespmem:$0x18200] =	vst v63  }
0x27a: {  	s30 =	sld [smem:$0x6D2];
	s31 =	spop (v2sf)  }
0x27b: {  	(v2sf) =	vpush v0, $0xF;
	s28 =	sshrl.u32 s31, $0x3  }
0x27c: {  	s23 =	sadd.s32 $0x1400, s23;
	s26 =	smul.u32 $0x6000, s28  }
0x27d: {  	[tilespmem:s30], [sflag:$0x1] =	stream.linear.gather [spmem:s23], $0x80, $0x38;
	[tilespmem:$0x18200] =	vst v63  }
0x27e: {  	s29 =	sshll.u32 s31, $0x7;
	s31 =	sld [smem:$0x6D3];
	s30 =	sshra.s32 s26, $0x2  }
0x27f: {  	s23 =	sand.u32 $0x380, s29;
	s24 =	sadd.s32 s30, s3  }
0x280: {  	s26 =	sld [smem:$0x6D4];
	s23 =	sadd.s32 s23, s24  }
0x281: {  	[tilespmem:s31], [sflag:$0x1] =	stream.linear.gather [spmem:s23], $0x80, $0x38;
	[tilespmem:$0x18200] =	vst v63  }
0x282: {  	s29 =	sld [smem:$0x6D5];
	s28 =	sadd.s32 $0x400, s23  }
0x283: {  	[tilespmem:s26], [sflag:$0x1] =	stream.linear.gather [spmem:s28], $0x80, $0x38;
	[tilespmem:$0x18200] =	vst v63  }
0x284: {  	s30 =	sadd.s32 $0x800, s23;
	s31 =	sld [smem:$0x6D6]  }
0x285: {  	[tilespmem:s29], [sflag:$0x1] =	stream.linear.gather [spmem:s30], $0x80, $0x38;
	[tilespmem:$0x18200] =	vst v63  }
0x286: {  	s26 =	sadd.s32 $0xC00, s23;
	s28 =	sld [smem:$0x6D7]  }
0x287: {  	[tilespmem:s31], [sflag:$0x1] =	stream.linear.gather [spmem:s26], $0x80, $0x38;
	[tilespmem:$0x18200] =	vst v63  }
0x288: {  	s29 =	sadd.s32 $0x1000, s23  }
0x289: {  	[tilespmem:s28], [sflag:$0x1] =	stream.linear.gather [spmem:s29], $0x80, $0x38;
	[tilespmem:$0x18200] =	vst v63  }
0x28a: {  	s30 =	sld [smem:$0x6D8];
	s31 =	spop (v2sf)  }
0x28b: {  	s28 =	sshrl.u32 s31, $0x3  }
0x28c: {  	s23 =	sadd.s32 $0x1400, s23;
	s26 =	smul.u32 $0x6000, s28  }
0x28d: {  	[tilespmem:s30], [sflag:$0x1] =	stream.linear.gather [spmem:s23], $0x80, $0x38;
	[tilespmem:$0x18200] =	vst v63  }
0x28e: {  	s29 =	sshll.u32 s31, $0x7;
	s31 =	sld [smem:$0x6D9];
	s30 =	sshra.s32 s26, $0x2  }
0x28f: {  	s23 =	sand.u32 $0x380, s29;
	s24 =	sadd.s32 s30, s3  }
0x290: {  	s26 =	sld [smem:$0x6DA];
	s23 =	sadd.s32 s23, s24  }
0x291: {  	[tilespmem:s31], [sflag:$0x1] =	stream.linear.gather [spmem:s23], $0x80, $0x38;
	[tilespmem:$0x18200] =	vst v63  }
0x292: {  	s29 =	sld [smem:$0x6DB];
	s28 =	sadd.s32 $0x400, s23  }
0x293: {  	[tilespmem:s26], [sflag:$0x1] =	stream.linear.gather [spmem:s28], $0x80, $0x38;
	[tilespmem:$0x18200] =	vst v63  }
0x294: {  	s30 =	sadd.s32 $0x800, s23;
	s31 =	sld [smem:$0x6DC]  }
0x295: {  	[tilespmem:s29], [sflag:$0x1] =	stream.linear.gather [spmem:s30], $0x80, $0x38;
	[tilespmem:$0x18200] =	vst v63  }
0x296: {  	s28 =	sadd.s32 $0xC00, s23;
	s29 =	sld [smem:$0x6DD]  }
0x297: {  	[tilespmem:s31], [sflag:$0x1] =	stream.linear.gather [spmem:s28], $0x80, $0x38;
	[tilespmem:$0x18200] =	vst v63  }
0x298: {  	s30 =	sadd.s32 $0x1000, s23;
	s31 =	sld [smem:$0x6DE]  }
0x299: {  	[tilespmem:s29], [sflag:$0x1] =	stream.linear.gather [spmem:s30], $0x80, $0x38;
	[tilespmem:$0x18200] =	vst v63  }
0x29a: {  	s23 =	sadd.s32 $0x1400, s23  }
0x29b: {  	[tilespmem:s31], [sflag:$0x1] =	stream.linear.gather [spmem:s23], $0x80, $0x38;
	[tilespmem:$0x18200] =	vst v63  }
0x29c: {  	v61 =	vld [tilespmem:s21+$0xFFFFFFF0];
	_ =	sdelay $0x4  }
0x29d: {  	(v2sf) =	vpush v61, $0x0;
	_ =	sdelay $0xe  }
0x29e: {  	s25 =	spop (v2sf)  }
0x29f: {  	(v2sf) =	vpush v61, $0x1;
	s26 =	sshrl.u32 s25, $0x3  }
0x2a0: {  	s24 =	smul.u32 $0x6000, s26;
	_ =	sdelay $0x1  }
0x2a1: {  	s28 =	sld [smem:$0x6DF];
	s23 =	sshll.u32 s25, $0x7;
	s24 =	sshra.s32 s24, $0x2  }
0x2a2: {  	s23 =	sand.u32 $0x380, s23;
	s24 =	sadd.s32 s24, s3  }
0x2a3: {  	s29 =	sld [smem:$0x6E0];
	s23 =	sadd.s32 s23, s24  }
0x2a4: {  	[tilespmem:s28], [sflag:$0x1] =	stream.linear.gather [spmem:s23], $0x80, $0x38;
	[tilespmem:$0x18200] =	vst v63  }
0x2a5: {  	s31 =	sld [smem:$0x6E1];
	s30 =	sadd.s32 $0x400, s23  }
0x2a6: {  	[tilespmem:s29], [sflag:$0x1] =	stream.linear.gather [spmem:s30], $0x80, $0x38;
	[tilespmem:$0x18200] =	vst v63  }
0x2a7: {  	s28 =	sadd.s32 $0x800, s23;
	s29 =	sld [smem:$0x6E2]  }
0x2a8: {  	[tilespmem:s31], [sflag:$0x1] =	stream.linear.gather [spmem:s28], $0x80, $0x38;
	[tilespmem:$0x18200] =	vst v63  }
0x2a9: {  	s30 =	sadd.s32 $0xC00, s23;
	s31 =	sld [smem:$0x6E3]  }
0x2aa: {  	[tilespmem:s29], [sflag:$0x1] =	stream.linear.gather [spmem:s30], $0x80, $0x38;
	[tilespmem:$0x18200] =	vst v63  }
0x2ab: {  	s28 =	sadd.s32 $0x1000, s23  }
0x2ac: {  	[tilespmem:s31], [sflag:$0x1] =	stream.linear.gather [spmem:s28], $0x80, $0x38;
	[tilespmem:$0x18200] =	vst v63  }
0x2ad: {  	s29 =	sld [smem:$0x6E4];
	s30 =	spop (v2sf)  }
0x2ae: {  	(v2sf) =	vpush v61, $0x2;
	s31 =	sshrl.u32 s30, $0x3  }
0x2af: {  	s23 =	sadd.s32 $0x1400, s23;
	s26 =	smul.u32 $0x6000, s31  }
0x2b0: {  	[tilespmem:s29], [sflag:$0x1] =	stream.linear.gather [spmem:s23], $0x80, $0x38;
	[tilespmem:$0x18200] =	vst v63  }
0x2b1: {  	s28 =	sld [smem:$0x6E5];
	s25 =	sshll.u32 s30, $0x7;
	s26 =	sshra.s32 s26, $0x2  }
0x2b2: {  	s23 =	sand.u32 $0x380, s25;
	s24 =	sadd.s32 s26, s3  }
0x2b3: {  	s29 =	sld [smem:$0x6E6];
	s23 =	sadd.s32 s23, s24  }
0x2b4: {  	[tilespmem:s28], [sflag:$0x1] =	stream.linear.gather [spmem:s23], $0x80, $0x38;
	[tilespmem:$0x18200] =	vst v63  }
0x2b5: {  	s31 =	sld [smem:$0x6E7];
	s30 =	sadd.s32 $0x400, s23  }
0x2b6: {  	[tilespmem:s29], [sflag:$0x1] =	stream.linear.gather [spmem:s30], $0x80, $0x38;
	[tilespmem:$0x18200] =	vst v63  }
0x2b7: {  	s28 =	sadd.s32 $0x800, s23;
	s29 =	sld [smem:$0x6E8]  }
0x2b8: {  	[tilespmem:s31], [sflag:$0x1] =	stream.linear.gather [spmem:s28], $0x80, $0x38;
	[tilespmem:$0x18200] =	vst v63  }
0x2b9: {  	s30 =	sadd.s32 $0xC00, s23;
	s31 =	sld [smem:$0x6E9]  }
0x2ba: {  	[tilespmem:s29], [sflag:$0x1] =	stream.linear.gather [spmem:s30], $0x80, $0x38;
	[tilespmem:$0x18200] =	vst v63  }
0x2bb: {  	s28 =	sadd.s32 $0x1000, s23  }
0x2bc: {  	[tilespmem:s31], [sflag:$0x1] =	stream.linear.gather [spmem:s28], $0x80, $0x38;
	[tilespmem:$0x18200] =	vst v63  }
0x2bd: {  	s29 =	sld [smem:$0x6EA];
	s30 =	spop (v2sf)  }
0x2be: {  	(v2sf) =	vpush v61, $0x3;
	s31 =	sshrl.u32 s30, $0x3  }
0x2bf: {  	s23 =	sadd.s32 $0x1400, s23;
	s26 =	smul.u32 $0x6000, s31  }
0x2c0: {  	[tilespmem:s29], [sflag:$0x1] =	stream.linear.gather [spmem:s23], $0x80, $0x38;
	[tilespmem:$0x18200] =	vst v63  }
0x2c1: {  	s28 =	sld [smem:$0x6EB];
	s25 =	sshll.u32 s30, $0x7;
	s26 =	sshra.s32 s26, $0x2  }
0x2c2: {  	s23 =	sand.u32 $0x380, s25;
	s24 =	sadd.s32 s26, s3  }
0x2c3: {  	s29 =	sld [smem:$0x6EC];
	s23 =	sadd.s32 s23, s24  }
0x2c4: {  	[tilespmem:s28], [sflag:$0x1] =	stream.linear.gather [spmem:s23], $0x80, $0x38;
	[tilespmem:$0x18200] =	vst v63  }
0x2c5: {  	s31 =	sld [smem:$0x6ED];
	s30 =	sadd.s32 $0x400, s23  }
0x2c6: {  	[tilespmem:s29], [sflag:$0x1] =	stream.linear.gather [spmem:s30], $0x80, $0x38;
	[tilespmem:$0x18200] =	vst v63  }
0x2c7: {  	s28 =	sadd.s32 $0x800, s23;
	s29 =	sld [smem:$0x6EE]  }
0x2c8: {  	[tilespmem:s31], [sflag:$0x1] =	stream.linear.gather [spmem:s28], $0x80, $0x38;
	[tilespmem:$0x18200] =	vst v63  }
0x2c9: {  	s30 =	sadd.s32 $0xC00, s23;
	s31 =	sld [smem:$0x6EF]  }
0x2ca: {  	[tilespmem:s29], [sflag:$0x1] =	stream.linear.gather [spmem:s30], $0x80, $0x38;
	[tilespmem:$0x18200] =	vst v63  }
0x2cb: {  	s28 =	sadd.s32 $0x1000, s23  }
0x2cc: {  	[tilespmem:s31], [sflag:$0x1] =	stream.linear.gather [spmem:s28], $0x80, $0x38;
	[tilespmem:$0x18200] =	vst v63  }
0x2cd: {  	s29 =	sld [smem:$0x6F0];
	s30 =	spop (v2sf)  }
0x2ce: {  	(v2sf) =	vpush v61, $0x4;
	s31 =	sshrl.u32 s30, $0x3  }
0x2cf: {  	s23 =	sadd.s32 $0x1400, s23;
	s26 =	smul.u32 $0x6000, s31  }
0x2d0: {  	[tilespmem:s29], [sflag:$0x1] =	stream.linear.gather [spmem:s23], $0x80, $0x38;
	[tilespmem:$0x18200] =	vst v63  }
0x2d1: {  	s28 =	sld [smem:$0x6F1];
	s25 =	sshll.u32 s30, $0x7;
	s26 =	sshra.s32 s26, $0x2  }
0x2d2: {  	s23 =	sand.u32 $0x380, s25;
	s24 =	sadd.s32 s26, s3  }
0x2d3: {  	s29 =	sld [smem:$0x6F2];
	s23 =	sadd.s32 s23, s24  }
0x2d4: {  	[tilespmem:s28], [sflag:$0x1] =	stream.linear.gather [spmem:s23], $0x80, $0x38;
	[tilespmem:$0x18200] =	vst v63  }
0x2d5: {  	s31 =	sld [smem:$0x6F3];
	s30 =	sadd.s32 $0x400, s23  }
0x2d6: {  	[tilespmem:s29], [sflag:$0x1] =	stream.linear.gather [spmem:s30], $0x80, $0x38;
	[tilespmem:$0x18200] =	vst v63  }
0x2d7: {  	s28 =	sadd.s32 $0x800, s23;
	s29 =	sld [smem:$0x6F4]  }
0x2d8: {  	[tilespmem:s31], [sflag:$0x1] =	stream.linear.gather [spmem:s28], $0x80, $0x38;
	[tilespmem:$0x18200] =	vst v63  }
0x2d9: {  	s30 =	sadd.s32 $0xC00, s23;
	s31 =	sld [smem:$0x6F5]  }
0x2da: {  	[tilespmem:s29], [sflag:$0x1] =	stream.linear.gather [spmem:s30], $0x80, $0x38;
	[tilespmem:$0x18200] =	vst v63  }
0x2db: {  	s28 =	sadd.s32 $0x1000, s23  }
0x2dc: {  	[tilespmem:s31], [sflag:$0x1] =	stream.linear.gather [spmem:s28], $0x80, $0x38;
	[tilespmem:$0x18200] =	vst v63  }
0x2dd: {  	s29 =	sld [smem:$0x6F6];
	s30 =	spop (v2sf)  }
0x2de: {  	(v2sf) =	vpush v61, $0x5;
	s31 =	sshrl.u32 s30, $0x3  }
0x2df: {  	s23 =	sadd.s32 $0x1400, s23;
	s26 =	smul.u32 $0x6000, s31  }
0x2e0: {  	[tilespmem:s29], [sflag:$0x1] =	stream.linear.gather [spmem:s23], $0x80, $0x38;
	[tilespmem:$0x18200] =	vst v63  }
0x2e1: {  	s28 =	sld [smem:$0x6F7];
	s25 =	sshll.u32 s30, $0x7;
	s26 =	sshra.s32 s26, $0x2  }
0x2e2: {  	s23 =	sand.u32 $0x380, s25;
	s24 =	sadd.s32 s26, s3  }
0x2e3: {  	s29 =	sld [smem:$0x6F8];
	s23 =	sadd.s32 s23, s24  }
0x2e4: {  	[tilespmem:s28], [sflag:$0x1] =	stream.linear.gather [spmem:s23], $0x80, $0x38;
	[tilespmem:$0x18200] =	vst v63  }
0x2e5: {  	s31 =	sld [smem:$0x6F9];
	s30 =	sadd.s32 $0x400, s23  }
0x2e6: {  	[tilespmem:s29], [sflag:$0x1] =	stream.linear.gather [spmem:s30], $0x80, $0x38;
	[tilespmem:$0x18200] =	vst v63  }
0x2e7: {  	s28 =	sadd.s32 $0x800, s23;
	s29 =	sld [smem:$0x6FA]  }
0x2e8: {  	[tilespmem:s31], [sflag:$0x1] =	stream.linear.gather [spmem:s28], $0x80, $0x38;
	[tilespmem:$0x18200] =	vst v63  }
0x2e9: {  	s30 =	sadd.s32 $0xC00, s23;
	s31 =	sld [smem:$0x6FB]  }
0x2ea: {  	[tilespmem:s29], [sflag:$0x1] =	stream.linear.gather [spmem:s30], $0x80, $0x38;
	[tilespmem:$0x18200] =	vst v63  }
0x2eb: {  	s28 =	sadd.s32 $0x1000, s23  }
0x2ec: {  	[tilespmem:s31], [sflag:$0x1] =	stream.linear.gather [spmem:s28], $0x80, $0x38;
	[tilespmem:$0x18200] =	vst v63  }
0x2ed: {  	s29 =	sld [smem:$0x6FC];
	s30 =	spop (v2sf)  }
0x2ee: {  	(v2sf) =	vpush v61, $0x6;
	s31 =	sshrl.u32 s30, $0x3  }
0x2ef: {  	s23 =	sadd.s32 $0x1400, s23;
	s26 =	smul.u32 $0x6000, s31  }
0x2f0: {  	[tilespmem:s29], [sflag:$0x1] =	stream.linear.gather [spmem:s23], $0x80, $0x38;
	[tilespmem:$0x18200] =	vst v63  }
0x2f1: {  	s28 =	sld [smem:$0x6FD];
	s25 =	sshll.u32 s30, $0x7;
	s26 =	sshra.s32 s26, $0x2  }
0x2f2: {  	s23 =	sand.u32 $0x380, s25;
	s24 =	sadd.s32 s26, s3  }
0x2f3: {  	s29 =	sld [smem:$0x6FE];
	s23 =	sadd.s32 s23, s24  }
0x2f4: {  	[tilespmem:s28], [sflag:$0x1] =	stream.linear.gather [spmem:s23], $0x80, $0x38;
	[tilespmem:$0x18200] =	vst v63  }
0x2f5: {  	s31 =	sld [smem:$0x6FF];
	s30 =	sadd.s32 $0x400, s23  }
0x2f6: {  	[tilespmem:s29], [sflag:$0x1] =	stream.linear.gather [spmem:s30], $0x80, $0x38;
	[tilespmem:$0x18200] =	vst v63  }
0x2f7: {  	s28 =	sadd.s32 $0x800, s23;
	s29 =	sld [smem:$0x700]  }
0x2f8: {  	[tilespmem:s31], [sflag:$0x1] =	stream.linear.gather [spmem:s28], $0x80, $0x38;
	[tilespmem:$0x18200] =	vst v63  }
0x2f9: {  	s30 =	sadd.s32 $0xC00, s23;
	s31 =	sld [smem:$0x701]  }
0x2fa: {  	[tilespmem:s29], [sflag:$0x1] =	stream.linear.gather [spmem:s30], $0x80, $0x38;
	[tilespmem:$0x18200] =	vst v63  }
0x2fb: {  	s28 =	sadd.s32 $0x1000, s23  }
0x2fc: {  	[tilespmem:s31], [sflag:$0x1] =	stream.linear.gather [spmem:s28], $0x80, $0x38;
	[tilespmem:$0x18200] =	vst v63  }
0x2fd: {  	s29 =	sld [smem:$0x702];
	s30 =	spop (v2sf)  }
0x2fe: {  	(v2sf) =	vpush v61, $0x7;
	s31 =	sshrl.u32 s30, $0x3  }
0x2ff: {  	s23 =	sadd.s32 $0x1400, s23;
	s26 =	smul.u32 $0x6000, s31  }
0x300: {  	[tilespmem:s29], [sflag:$0x1] =	stream.linear.gather [spmem:s23], $0x80, $0x38;
	[tilespmem:$0x18200] =	vst v63  }
0x301: {  	s28 =	sld [smem:$0x703];
	s25 =	sshll.u32 s30, $0x7;
	s26 =	sshra.s32 s26, $0x2  }
0x302: {  	s23 =	sand.u32 $0x380, s25;
	s24 =	sadd.s32 s26, s3  }
0x303: {  	s29 =	sld [smem:$0x704];
	s23 =	sadd.s32 s23, s24  }
0x304: {  	[tilespmem:s28], [sflag:$0x1] =	stream.linear.gather [spmem:s23], $0x80, $0x38;
	[tilespmem:$0x18200] =	vst v63  }
0x305: {  	s31 =	sld [smem:$0x705];
	s30 =	sadd.s32 $0x400, s23  }
0x306: {  	[tilespmem:s29], [sflag:$0x1] =	stream.linear.gather [spmem:s30], $0x80, $0x38;
	[tilespmem:$0x18200] =	vst v63  }
0x307: {  	s28 =	sadd.s32 $0x800, s23;
	s29 =	sld [smem:$0x706]  }
0x308: {  	[tilespmem:s31], [sflag:$0x1] =	stream.linear.gather [spmem:s28], $0x80, $0x38;
	[tilespmem:$0x18200] =	vst v63  }
0x309: {  	s30 =	sadd.s32 $0xC00, s23;
	s31 =	sld [smem:$0x707]  }
0x30a: {  	[tilespmem:s29], [sflag:$0x1] =	stream.linear.gather [spmem:s30], $0x80, $0x38;
	[tilespmem:$0x18200] =	vst v63  }
0x30b: {  	s28 =	sadd.s32 $0x1000, s23  }
0x30c: {  	[tilespmem:s31], [sflag:$0x1] =	stream.linear.gather [spmem:s28], $0x80, $0x38;
	[tilespmem:$0x18200] =	vst v63  }
0x30d: {  	s29 =	sld [smem:$0x708];
	s30 =	spop (v2sf)  }
0x30e: {  	(v2sf) =	vpush v61, $0x8;
	s31 =	sshrl.u32 s30, $0x3  }
0x30f: {  	s23 =	sadd.s32 $0x1400, s23;
	s26 =	smul.u32 $0x6000, s31  }
0x310: {  	[tilespmem:s29], [sflag:$0x1] =	stream.linear.gather [spmem:s23], $0x80, $0x38;
	[tilespmem:$0x18200] =	vst v63  }
0x311: {  	s28 =	sld [smem:$0x709];
	s25 =	sshll.u32 s30, $0x7;
	s26 =	sshra.s32 s26, $0x2  }
0x312: {  	s23 =	sand.u32 $0x380, s25;
	s24 =	sadd.s32 s26, s3  }
0x313: {  	s29 =	sld [smem:$0x70A];
	s23 =	sadd.s32 s23, s24  }
0x314: {  	[tilespmem:s28], [sflag:$0x1] =	stream.linear.gather [spmem:s23], $0x80, $0x38;
	[tilespmem:$0x18200] =	vst v63  }
0x315: {  	s31 =	sld [smem:$0x70B];
	s30 =	sadd.s32 $0x400, s23  }
0x316: {  	[tilespmem:s29], [sflag:$0x1] =	stream.linear.gather [spmem:s30], $0x80, $0x38;
	[tilespmem:$0x18200] =	vst v63  }
0x317: {  	s28 =	sadd.s32 $0x800, s23;
	s29 =	sld [smem:$0x70C]  }
0x318: {  	[tilespmem:s31], [sflag:$0x1] =	stream.linear.gather [spmem:s28], $0x80, $0x38;
	[tilespmem:$0x18200] =	vst v63  }
0x319: {  	s30 =	sadd.s32 $0xC00, s23;
	s31 =	sld [smem:$0x70D]  }
0x31a: {  	[tilespmem:s29], [sflag:$0x1] =	stream.linear.gather [spmem:s30], $0x80, $0x38;
	[tilespmem:$0x18200] =	vst v63  }
0x31b: {  	s28 =	sadd.s32 $0x1000, s23  }
0x31c: {  	[tilespmem:s31], [sflag:$0x1] =	stream.linear.gather [spmem:s28], $0x80, $0x38;
	[tilespmem:$0x18200] =	vst v63  }
0x31d: {  	s29 =	sld [smem:$0x70E];
	s30 =	spop (v2sf)  }
0x31e: {  	(v2sf) =	vpush v61, $0x9;
	s31 =	sshrl.u32 s30, $0x3  }
0x31f: {  	s23 =	sadd.s32 $0x1400, s23;
	s26 =	smul.u32 $0x6000, s31  }
0x320: {  	[tilespmem:s29], [sflag:$0x1] =	stream.linear.gather [spmem:s23], $0x80, $0x38;
	[tilespmem:$0x18200] =	vst v63  }
0x321: {  	s28 =	sld [smem:$0x70F];
	s25 =	sshll.u32 s30, $0x7;
	s26 =	sshra.s32 s26, $0x2  }
0x322: {  	s23 =	sand.u32 $0x380, s25;
	s24 =	sadd.s32 s26, s3  }
0x323: {  	s29 =	sld [smem:$0x710];
	s23 =	sadd.s32 s23, s24  }
0x324: {  	[tilespmem:s28], [sflag:$0x1] =	stream.linear.gather [spmem:s23], $0x80, $0x38;
	[tilespmem:$0x18200] =	vst v63  }
0x325: {  	s31 =	sld [smem:$0x711];
	s30 =	sadd.s32 $0x400, s23  }
0x326: {  	[tilespmem:s29], [sflag:$0x1] =	stream.linear.gather [spmem:s30], $0x80, $0x38;
	[tilespmem:$0x18200] =	vst v63  }
0x327: {  	s28 =	sadd.s32 $0x800, s23;
	s29 =	sld [smem:$0x712]  }
0x328: {  	[tilespmem:s31], [sflag:$0x1] =	stream.linear.gather [spmem:s28], $0x80, $0x38;
	[tilespmem:$0x18200] =	vst v63  }
0x329: {  	s30 =	sadd.s32 $0xC00, s23;
	s31 =	sld [smem:$0x713]  }
0x32a: {  	[tilespmem:s29], [sflag:$0x1] =	stream.linear.gather [spmem:s30], $0x80, $0x38;
	[tilespmem:$0x18200] =	vst v63  }
0x32b: {  	s28 =	sadd.s32 $0x1000, s23  }
0x32c: {  	[tilespmem:s31], [sflag:$0x1] =	stream.linear.gather [spmem:s28], $0x80, $0x38;
	[tilespmem:$0x18200] =	vst v63  }
0x32d: {  	s29 =	sld [smem:$0x714];
	s30 =	spop (v2sf)  }
0x32e: {  	(v2sf) =	vpush v61, $0xA;
	s31 =	sshrl.u32 s30, $0x3  }
0x32f: {  	s23 =	sadd.s32 $0x1400, s23;
	s26 =	smul.u32 $0x6000, s31  }
0x330: {  	[tilespmem:s29], [sflag:$0x1] =	stream.linear.gather [spmem:s23], $0x80, $0x38;
	[tilespmem:$0x18200] =	vst v63  }
0x331: {  	s28 =	sld [smem:$0x715];
	s25 =	sshll.u32 s30, $0x7;
	s26 =	sshra.s32 s26, $0x2  }
0x332: {  	s23 =	sand.u32 $0x380, s25;
	s24 =	sadd.s32 s26, s3  }
0x333: {  	s29 =	sld [smem:$0x716];
	s23 =	sadd.s32 s23, s24  }
0x334: {  	[tilespmem:s28], [sflag:$0x1] =	stream.linear.gather [spmem:s23], $0x80, $0x38;
	[tilespmem:$0x18200] =	vst v63  }
0x335: {  	s31 =	sld [smem:$0x717];
	s30 =	sadd.s32 $0x400, s23  }
0x336: {  	[tilespmem:s29], [sflag:$0x1] =	stream.linear.gather [spmem:s30], $0x80, $0x38;
	[tilespmem:$0x18200] =	vst v63  }
0x337: {  	s28 =	sadd.s32 $0x800, s23;
	s29 =	sld [smem:$0x718]  }
0x338: {  	[tilespmem:s31], [sflag:$0x1] =	stream.linear.gather [spmem:s28], $0x80, $0x38;
	[tilespmem:$0x18200] =	vst v63  }
0x339: {  	s30 =	sadd.s32 $0xC00, s23;
	s31 =	sld [smem:$0x719]  }
0x33a: {  	[tilespmem:s29], [sflag:$0x1] =	stream.linear.gather [spmem:s30], $0x80, $0x38;
	[tilespmem:$0x18200] =	vst v63  }
0x33b: {  	s28 =	sadd.s32 $0x1000, s23  }
0x33c: {  	[tilespmem:s31], [sflag:$0x1] =	stream.linear.gather [spmem:s28], $0x80, $0x38;
	[tilespmem:$0x18200] =	vst v63  }
0x33d: {  	s29 =	sld [smem:$0x71A];
	s30 =	spop (v2sf)  }
0x33e: {  	(v2sf) =	vpush v61, $0xB;
	s31 =	sshrl.u32 s30, $0x3  }
0x33f: {  	s23 =	sadd.s32 $0x1400, s23;
	s26 =	smul.u32 $0x6000, s31  }
0x340: {  	[tilespmem:s29], [sflag:$0x1] =	stream.linear.gather [spmem:s23], $0x80, $0x38;
	[tilespmem:$0x18200] =	vst v63  }
0x341: {  	s28 =	sld [smem:$0x71B];
	s25 =	sshll.u32 s30, $0x7;
	s26 =	sshra.s32 s26, $0x2  }
0x342: {  	s23 =	sand.u32 $0x380, s25;
	s24 =	sadd.s32 s26, s3  }
0x343: {  	s29 =	sld [smem:$0x71C];
	s23 =	sadd.s32 s23, s24  }
0x344: {  	[tilespmem:s28], [sflag:$0x1] =	stream.linear.gather [spmem:s23], $0x80, $0x38;
	[tilespmem:$0x18200] =	vst v63  }
0x345: {  	s31 =	sld [smem:$0x71D];
	s30 =	sadd.s32 $0x400, s23  }
0x346: {  	[tilespmem:s29], [sflag:$0x1] =	stream.linear.gather [spmem:s30], $0x80, $0x38;
	[tilespmem:$0x18200] =	vst v63  }
0x347: {  	s28 =	sadd.s32 $0x800, s23;
	s29 =	sld [smem:$0x71E]  }
0x348: {  	[tilespmem:s31], [sflag:$0x1] =	stream.linear.gather [spmem:s28], $0x80, $0x38;
	[tilespmem:$0x18200] =	vst v63  }
0x349: {  	s30 =	sadd.s32 $0xC00, s23;
	s31 =	sld [smem:$0x71F]  }
0x34a: {  	[tilespmem:s29], [sflag:$0x1] =	stream.linear.gather [spmem:s30], $0x80, $0x38;
	[tilespmem:$0x18200] =	vst v63  }
0x34b: {  	s28 =	sadd.s32 $0x1000, s23  }
0x34c: {  	[tilespmem:s31], [sflag:$0x1] =	stream.linear.gather [spmem:s28], $0x80, $0x38;
	[tilespmem:$0x18200] =	vst v63  }
0x34d: {  	s29 =	sld [smem:$0x720];
	s30 =	spop (v2sf)  }
0x34e: {  	(v2sf) =	vpush v61, $0xC;
	s31 =	sshrl.u32 s30, $0x3  }
0x34f: {  	s23 =	sadd.s32 $0x1400, s23;
	s26 =	smul.u32 $0x6000, s31  }
0x350: {  	[tilespmem:s29], [sflag:$0x1] =	stream.linear.gather [spmem:s23], $0x80, $0x38;
	[tilespmem:$0x18200] =	vst v63  }
0x351: {  	s28 =	sld [smem:$0x721];
	s25 =	sshll.u32 s30, $0x7;
	s26 =	sshra.s32 s26, $0x2  }
0x352: {  	s23 =	sand.u32 $0x380, s25;
	s24 =	sadd.s32 s26, s3  }
0x353: {  	s29 =	sld [smem:$0x722];
	s23 =	sadd.s32 s23, s24  }
0x354: {  	[tilespmem:s28], [sflag:$0x1] =	stream.linear.gather [spmem:s23], $0x80, $0x38;
	[tilespmem:$0x18200] =	vst v63  }
0x355: {  	s31 =	sld [smem:$0x723];
	s30 =	sadd.s32 $0x400, s23  }
0x356: {  	[tilespmem:s29], [sflag:$0x1] =	stream.linear.gather [spmem:s30], $0x80, $0x38;
	[tilespmem:$0x18200] =	vst v63  }
0x357: {  	s28 =	sadd.s32 $0x800, s23;
	s29 =	sld [smem:$0x724]  }
0x358: {  	[tilespmem:s31], [sflag:$0x1] =	stream.linear.gather [spmem:s28], $0x80, $0x38;
	[tilespmem:$0x18200] =	vst v63  }
0x359: {  	s30 =	sadd.s32 $0xC00, s23;
	s31 =	sld [smem:$0x725]  }
0x35a: {  	[tilespmem:s29], [sflag:$0x1] =	stream.linear.gather [spmem:s30], $0x80, $0x38;
	[tilespmem:$0x18200] =	vst v63  }
0x35b: {  	s28 =	sadd.s32 $0x1000, s23  }
0x35c: {  	[tilespmem:s31], [sflag:$0x1] =	stream.linear.gather [spmem:s28], $0x80, $0x38;
	[tilespmem:$0x18200] =	vst v63  }
0x35d: {  	s29 =	sld [smem:$0x726];
	s30 =	spop (v2sf)  }
0x35e: {  	s31 =	sshrl.u32 s30, $0x3  }
0x35f: {  	s23 =	sadd.s32 $0x1400, s23;
	s26 =	smul.u32 $0x6000, s31  }
0x360: {  	(v2sf) =	vpush v61, $0xD;
	[tilespmem:s29], [sflag:$0x1] =	stream.linear.gather [spmem:s23], $0x80, $0x38;
	[tilespmem:$0x18200] =	vst v63  }
0x361: {  	s28 =	sld [smem:$0x727];
	s25 =	sshll.u32 s30, $0x7;
	s26 =	sshra.s32 s26, $0x2  }
0x362: {  	s23 =	sand.u32 $0x380, s25;
	s24 =	sadd.s32 s26, s3  }
0x363: {  	s29 =	sld [smem:$0x728];
	s23 =	sadd.s32 s23, s24  }
0x364: {  	[tilespmem:s28], [sflag:$0x1] =	stream.linear.gather [spmem:s23], $0x80, $0x38;
	[tilespmem:$0x18200] =	vst v63  }
0x365: {  	s31 =	sld [smem:$0x729];
	s30 =	sadd.s32 $0x400, s23  }
0x366: {  	[tilespmem:s29], [sflag:$0x1] =	stream.linear.gather [spmem:s30], $0x80, $0x38;
	[tilespmem:$0x18200] =	vst v63  }
0x367: {  	s28 =	sadd.s32 $0x800, s23;
	s29 =	sld [smem:$0x72A]  }
0x368: {  	[tilespmem:s31], [sflag:$0x1] =	stream.linear.gather [spmem:s28], $0x80, $0x38;
	[tilespmem:$0x18200] =	vst v63  }
0x369: {  	s30 =	sadd.s32 $0xC00, s23;
	s31 =	sld [smem:$0x72B]  }
0x36a: {  	[tilespmem:s29], [sflag:$0x1] =	stream.linear.gather [spmem:s30], $0x80, $0x38;
	[tilespmem:$0x18200] =	vst v63  }
0x36b: {  	s28 =	sadd.s32 $0x1000, s23;
	s29 =	sld [smem:$0x72C]  }
0x36c: {  	[tilespmem:s31], [sflag:$0x1] =	stream.linear.gather [spmem:s28], $0x80, $0x38;
	[tilespmem:$0x18200] =	vst v63  }
0x36d: {  	s23 =	sadd.s32 $0x1400, s23  }
0x36e: {  	[tilespmem:s29], [sflag:$0x1] =	stream.linear.gather [spmem:s23], $0x80, $0x38;
	[tilespmem:$0x18200] =	vst v63  }
0x36f: {  	s23 =	spop (v2sf)  }
0x370: {  	s30 =	sshrl.u32 s23, $0x3;
	(v2sf) =	vpush v61, $0xE  }
0x371: {  	s24 =	smul.u32 $0x6000, s30;
	_ =	sdelay $0x1  }
0x372: {  	s23 =	sshll.u32 s23, $0x7;
	s31 =	sld [smem:$0x72D];
	s24 =	sshra.s32 s24, $0x2  }
0x373: {  	s23 =	sand.u32 $0x380, s23;
	s24 =	sadd.s32 s24, s3  }
0x374: {  	s26 =	sld [smem:$0x72E];
	s23 =	sadd.s32 s23, s24  }
0x375: {  	[tilespmem:s31], [sflag:$0x1] =	stream.linear.gather [spmem:s23], $0x80, $0x38;
	[tilespmem:$0x18200] =	vst v63  }
0x376: {  	s29 =	sld [smem:$0x72F];
	s28 =	sadd.s32 $0x400, s23  }
0x377: {  	[tilespmem:s26], [sflag:$0x1] =	stream.linear.gather [spmem:s28], $0x80, $0x38;
	[tilespmem:$0x18200] =	vst v63  }
0x378: {  	s30 =	sadd.s32 $0x800, s23;
	s31 =	sld [smem:$0x730]  }
0x379: {  	[tilespmem:s29], [sflag:$0x1] =	stream.linear.gather [spmem:s30], $0x80, $0x38;
	[tilespmem:$0x18200] =	vst v63  }
0x37a: {  	s26 =	sadd.s32 $0xC00, s23;
	s28 =	sld [smem:$0x731]  }
0x37b: {  	[tilespmem:s31], [sflag:$0x1] =	stream.linear.gather [spmem:s26], $0x80, $0x38;
	[tilespmem:$0x18200] =	vst v63  }
0x37c: {  	s29 =	sadd.s32 $0x1000, s23  }
0x37d: {  	[tilespmem:s28], [sflag:$0x1] =	stream.linear.gather [spmem:s29], $0x80, $0x38;
	[tilespmem:$0x18200] =	vst v63  }
0x37e: {  	s30 =	sld [smem:$0x732];
	s31 =	spop (v2sf)  }
0x37f: {  	(v2sf) =	vpush v61, $0xF;
	s28 =	sshrl.u32 s31, $0x3  }
0x380: {  	s23 =	sadd.s32 $0x1400, s23;
	s26 =	smul.u32 $0x6000, s28  }
0x381: {  	[tilespmem:s30], [sflag:$0x1] =	stream.linear.gather [spmem:s23], $0x80, $0x38;
	[tilespmem:$0x18200] =	vst v63  }
0x382: {  	s29 =	sshll.u32 s31, $0x7;
	s31 =	sld [smem:$0x733];
	s30 =	sshra.s32 s26, $0x2  }
0x383: {  	s23 =	sand.u32 $0x380, s29;
	s24 =	sadd.s32 s30, s3  }
0x384: {  	s26 =	sld [smem:$0x734];
	s23 =	sadd.s32 s23, s24  }
0x385: {  	[tilespmem:s31], [sflag:$0x1] =	stream.linear.gather [spmem:s23], $0x80, $0x38;
	[tilespmem:$0x18200] =	vst v63  }
0x386: {  	s29 =	sld [smem:$0x735];
	s28 =	sadd.s32 $0x400, s23  }
0x387: {  	[tilespmem:s26], [sflag:$0x1] =	stream.linear.gather [spmem:s28], $0x80, $0x38;
	[tilespmem:$0x18200] =	vst v63  }
0x388: {  	s30 =	sadd.s32 $0x800, s23;
	s31 =	sld [smem:$0x736]  }
0x389: {  	[tilespmem:s29], [sflag:$0x1] =	stream.linear.gather [spmem:s30], $0x80, $0x38;
	[tilespmem:$0x18200] =	vst v63  }
0x38a: {  	s26 =	sadd.s32 $0xC00, s23;
	s28 =	sld [smem:$0x737]  }
0x38b: {  	[tilespmem:s31], [sflag:$0x1] =	stream.linear.gather [spmem:s26], $0x80, $0x38;
	[tilespmem:$0x18200] =	vst v63  }
0x38c: {  	s29 =	sadd.s32 $0x1000, s23  }
0x38d: {  	[tilespmem:s28], [sflag:$0x1] =	stream.linear.gather [spmem:s29], $0x80, $0x38;
	[tilespmem:$0x18200] =	vst v63  }
0x38e: {  	s30 =	sld [smem:$0x738];
	s31 =	spop (v2sf)  }
0x38f: {  	s28 =	sshrl.u32 s31, $0x3  }
0x390: {  	s23 =	sadd.s32 $0x1400, s23;
	s26 =	smul.u32 $0x6000, s28  }
0x391: {  	[tilespmem:s30], [sflag:$0x1] =	stream.linear.gather [spmem:s23], $0x80, $0x38;
	[tilespmem:$0x18200] =	vst v63  }
0x392: {  	s29 =	sshll.u32 s31, $0x7;
	s31 =	sld [smem:$0x739];
	s30 =	sshra.s32 s26, $0x2  }
0x393: {  	s23 =	sand.u32 $0x380, s29;
	s24 =	sadd.s32 s30, s3  }
0x394: {  	s26 =	sld [smem:$0x73A];
	s23 =	sadd.s32 s23, s24  }
0x395: {  	[tilespmem:s31], [sflag:$0x1] =	stream.linear.gather [spmem:s23], $0x80, $0x38;
	[tilespmem:$0x18200] =	vst v63  }
0x396: {  	s29 =	sld [smem:$0x73B];
	s28 =	sadd.s32 $0x400, s23  }
0x397: {  	[tilespmem:s26], [sflag:$0x1] =	stream.linear.gather [spmem:s28], $0x80, $0x38;
	[tilespmem:$0x18200] =	vst v63  }
0x398: {  	s30 =	sadd.s32 $0x800, s23;
	s31 =	sld [smem:$0x73C]  }
0x399: {  	[tilespmem:s29], [sflag:$0x1] =	stream.linear.gather [spmem:s30], $0x80, $0x38;
	[tilespmem:$0x18200] =	vst v63  }
0x39a: {  	s28 =	sadd.s32 $0xC00, s23;
	s29 =	sld [smem:$0x73D]  }
0x39b: {  	[tilespmem:s31], [sflag:$0x1] =	stream.linear.gather [spmem:s28], $0x80, $0x38;
	[tilespmem:$0x18200] =	vst v63  }
0x39c: {  	s30 =	sadd.s32 $0x1000, s23;
	s31 =	sld [smem:$0x73E]  }
0x39d: {  	[tilespmem:s29], [sflag:$0x1] =	stream.linear.gather [spmem:s30], $0x80, $0x38;
	[tilespmem:$0x18200] =	vst v63  }
0x39e: {  	s23 =	sadd.s32 $0x1400, s23  }
0x39f: {  	[tilespmem:s31], [sflag:$0x1] =	stream.linear.gather [spmem:s23], $0x80, $0x38;
	[tilespmem:$0x18200] =	vst v63  }
0x3a0: {  	_ =	swait.ge [sflag:s5], $0x6000  }
0x3a1: {  	s25 =	rddreg [dreg:$0x6]  }
0x3a2: {  	s23 =	sadd.s32 s22, s25  }
0x3a3: {  	[sflag:s5] =	ssyncset.done $0x0;
	s23 =	sshrl.u32 s23, $0x3  }
0x3a4: {  	[sflag:s5] =	ssyncadd.s32 $0xFFFFA000;
	s23 =	sadd.s32 s1, s23  }
0x3a5: {  	[hbm4b:s23+s4] =	stream.linear.scatter [tilespmem:s15], [sflag:$0x3], $0x6000, $0x38;
	[tilespmem:$0x18200] =	vst v63  }
0x3a6: {  	s23 =	simm.s32 @!p0 $0x4  }
0x3a7: {  	_ =	swait.ge @!p0 [sflag:s23], $0x6000  }
0x3a8: {  	[sflag:s23] =	ssyncset.done @!p0 $0x0  }
0x3a9: {  	[sflag:s23] =	ssyncadd.s32 @!p0 $0xFFFFA000  }
0x3aa: {  	v62 =	vld [tilespmem:s21+$0x0];
	_ =	sdelay $0x4  }
0x3ab: {  	(v2sf) =	vpush v62, $0x0;
	_ =	sdelay $0xe  }
0x3ac: {  	s26 =	spop (v2sf)  }
0x3ad: {  	(v2sf) =	vpush v62, $0x1;
	s28 =	sshrl.u32 s26, $0x3  }
0x3ae: {  	s24 =	smul.u32 $0x6000, s28;
	_ =	sdelay $0x1  }
0x3af: {  	s23 =	sshll.u32 s26, $0x7;
	s24 =	sshra.s32 s24, $0x2  }
0x3b0: {  	s23 =	sand.u32 $0x380, s23;
	s24 =	sadd.s32 s24, s3  }
0x3b1: {  	s29 =	sld [smem:$0x73F];
	s23 =	sadd.s32 s23, s24  }
0x3b2: {  	[tilespmem:s16], [sflag:$0x2] =	stream.linear.gather [spmem:s23], $0x80, $0x38;
	[tilespmem:$0x18200] =	vst v63  }
0x3b3: {  	s31 =	sld [smem:$0x740];
	s30 =	sadd.s32 $0x400, s23  }
0x3b4: {  	[tilespmem:s29], [sflag:$0x2] =	stream.linear.gather [spmem:s30], $0x80, $0x38;
	[tilespmem:$0x18200] =	vst v63  }
0x3b5: {  	s28 =	sadd.s32 $0x800, s23;
	s29 =	sld [smem:$0x741]  }
0x3b6: {  	[tilespmem:s31], [sflag:$0x2] =	stream.linear.gather [spmem:s28], $0x80, $0x38;
	[tilespmem:$0x18200] =	vst v63  }
0x3b7: {  	s30 =	sadd.s32 $0xC00, s23;
	s31 =	sld [smem:$0x742]  }
0x3b8: {  	[tilespmem:s29], [sflag:$0x2] =	stream.linear.gather [spmem:s30], $0x80, $0x38;
	[tilespmem:$0x18200] =	vst v63  }
0x3b9: {  	s28 =	sadd.s32 $0x1000, s23  }
0x3ba: {  	[tilespmem:s31], [sflag:$0x2] =	stream.linear.gather [spmem:s28], $0x80, $0x38;
	[tilespmem:$0x18200] =	vst v63  }
0x3bb: {  	s29 =	sld [smem:$0x743];
	s30 =	spop (v2sf)  }
0x3bc: {  	(v2sf) =	vpush v62, $0x2;
	s31 =	sshrl.u32 s30, $0x3  }
0x3bd: {  	s23 =	sadd.s32 $0x1400, s23;
	s26 =	smul.u32 $0x6000, s31  }
0x3be: {  	[tilespmem:s29], [sflag:$0x2] =	stream.linear.gather [spmem:s23], $0x80, $0x38;
	[tilespmem:$0x18200] =	vst v63  }
0x3bf: {  	s28 =	sld [smem:$0x744];
	s25 =	sshll.u32 s30, $0x7;
	s26 =	sshra.s32 s26, $0x2  }
0x3c0: {  	s23 =	sand.u32 $0x380, s25;
	s24 =	sadd.s32 s26, s3  }
0x3c1: {  	s29 =	sld [smem:$0x745];
	s23 =	sadd.s32 s23, s24  }
0x3c2: {  	[tilespmem:s28], [sflag:$0x2] =	stream.linear.gather [spmem:s23], $0x80, $0x38;
	[tilespmem:$0x18200] =	vst v63  }
0x3c3: {  	s31 =	sld [smem:$0x746];
	s30 =	sadd.s32 $0x400, s23  }
0x3c4: {  	[tilespmem:s29], [sflag:$0x2] =	stream.linear.gather [spmem:s30], $0x80, $0x38;
	[tilespmem:$0x18200] =	vst v63  }
0x3c5: {  	s28 =	sadd.s32 $0x800, s23;
	s29 =	sld [smem:$0x747]  }
0x3c6: {  	[tilespmem:s31], [sflag:$0x2] =	stream.linear.gather [spmem:s28], $0x80, $0x38;
	[tilespmem:$0x18200] =	vst v63  }
0x3c7: {  	s30 =	sadd.s32 $0xC00, s23;
	s31 =	sld [smem:$0x748]  }
0x3c8: {  	[tilespmem:s29], [sflag:$0x2] =	stream.linear.gather [spmem:s30], $0x80, $0x38;
	[tilespmem:$0x18200] =	vst v63  }
0x3c9: {  	s28 =	sadd.s32 $0x1000, s23  }
0x3ca: {  	[tilespmem:s31], [sflag:$0x2] =	stream.linear.gather [spmem:s28], $0x80, $0x38;
	[tilespmem:$0x18200] =	vst v63  }
0x3cb: {  	s29 =	sld [smem:$0x749];
	s30 =	spop (v2sf)  }
0x3cc: {  	(v2sf) =	vpush v62, $0x3;
	s31 =	sshrl.u32 s30, $0x3  }
0x3cd: {  	s23 =	sadd.s32 $0x1400, s23;
	s26 =	smul.u32 $0x6000, s31  }
0x3ce: {  	[tilespmem:s29], [sflag:$0x2] =	stream.linear.gather [spmem:s23], $0x80, $0x38;
	[tilespmem:$0x18200] =	vst v63  }
0x3cf: {  	s28 =	sld [smem:$0x74A];
	s25 =	sshll.u32 s30, $0x7;
	s26 =	sshra.s32 s26, $0x2  }
0x3d0: {  	s23 =	sand.u32 $0x380, s25;
	s24 =	sadd.s32 s26, s3  }
0x3d1: {  	s29 =	sld [smem:$0x74B];
	s23 =	sadd.s32 s23, s24  }
0x3d2: {  	[tilespmem:s28], [sflag:$0x2] =	stream.linear.gather [spmem:s23], $0x80, $0x38;
	[tilespmem:$0x18200] =	vst v63  }
0x3d3: {  	s31 =	sld [smem:$0x74C];
	s30 =	sadd.s32 $0x400, s23  }
0x3d4: {  	[tilespmem:s29], [sflag:$0x2] =	stream.linear.gather [spmem:s30], $0x80, $0x38;
	[tilespmem:$0x18200] =	vst v63  }
0x3d5: {  	s28 =	sadd.s32 $0x800, s23;
	s29 =	sld [smem:$0x74D]  }
0x3d6: {  	[tilespmem:s31], [sflag:$0x2] =	stream.linear.gather [spmem:s28], $0x80, $0x38;
	[tilespmem:$0x18200] =	vst v63  }
0x3d7: {  	s30 =	sadd.s32 $0xC00, s23;
	s31 =	sld [smem:$0x74E]  }
0x3d8: {  	[tilespmem:s29], [sflag:$0x2] =	stream.linear.gather [spmem:s30], $0x80, $0x38;
	[tilespmem:$0x18200] =	vst v63  }
0x3d9: {  	s28 =	sadd.s32 $0x1000, s23  }
0x3da: {  	[tilespmem:s31], [sflag:$0x2] =	stream.linear.gather [spmem:s28], $0x80, $0x38;
	[tilespmem:$0x18200] =	vst v63  }
0x3db: {  	s29 =	sld [smem:$0x74F];
	s30 =	spop (v2sf)  }
0x3dc: {  	(v2sf) =	vpush v62, $0x4;
	s31 =	sshrl.u32 s30, $0x3  }
0x3dd: {  	s23 =	sadd.s32 $0x1400, s23;
	s26 =	smul.u32 $0x6000, s31  }
0x3de: {  	[tilespmem:s29], [sflag:$0x2] =	stream.linear.gather [spmem:s23], $0x80, $0x38;
	[tilespmem:$0x18200] =	vst v63  }
0x3df: {  	s28 =	sld [smem:$0x750];
	s25 =	sshll.u32 s30, $0x7;
	s26 =	sshra.s32 s26, $0x2  }
0x3e0: {  	s23 =	sand.u32 $0x380, s25;
	s24 =	sadd.s32 s26, s3  }
0x3e1: {  	s29 =	sld [smem:$0x751];
	s23 =	sadd.s32 s23, s24  }
0x3e2: {  	[tilespmem:s28], [sflag:$0x2] =	stream.linear.gather [spmem:s23], $0x80, $0x38;
	[tilespmem:$0x18200] =	vst v63  }
0x3e3: {  	s31 =	sld [smem:$0x752];
	s30 =	sadd.s32 $0x400, s23  }
0x3e4: {  	[tilespmem:s29], [sflag:$0x2] =	stream.linear.gather [spmem:s30], $0x80, $0x38;
	[tilespmem:$0x18200] =	vst v63  }
0x3e5: {  	s28 =	sadd.s32 $0x800, s23;
	s29 =	sld [smem:$0x753]  }
0x3e6: {  	[tilespmem:s31], [sflag:$0x2] =	stream.linear.gather [spmem:s28], $0x80, $0x38;
	[tilespmem:$0x18200] =	vst v63  }
0x3e7: {  	s30 =	sadd.s32 $0xC00, s23;
	s31 =	sld [smem:$0x754]  }
0x3e8: {  	[tilespmem:s29], [sflag:$0x2] =	stream.linear.gather [spmem:s30], $0x80, $0x38;
	[tilespmem:$0x18200] =	vst v63  }
0x3e9: {  	s28 =	sadd.s32 $0x1000, s23  }
0x3ea: {  	[tilespmem:s31], [sflag:$0x2] =	stream.linear.gather [spmem:s28], $0x80, $0x38;
	[tilespmem:$0x18200] =	vst v63  }
0x3eb: {  	s29 =	sld [smem:$0x755];
	s30 =	spop (v2sf)  }
0x3ec: {  	(v2sf) =	vpush v62, $0x5;
	s31 =	sshrl.u32 s30, $0x3  }
0x3ed: {  	s23 =	sadd.s32 $0x1400, s23;
	s26 =	smul.u32 $0x6000, s31  }
0x3ee: {  	[tilespmem:s29], [sflag:$0x2] =	stream.linear.gather [spmem:s23], $0x80, $0x38;
	[tilespmem:$0x18200] =	vst v63  }
0x3ef: {  	s28 =	sld [smem:$0x756];
	s25 =	sshll.u32 s30, $0x7;
	s26 =	sshra.s32 s26, $0x2  }
0x3f0: {  	s23 =	sand.u32 $0x380, s25;
	s24 =	sadd.s32 s26, s3  }
0x3f1: {  	s29 =	sld [smem:$0x757];
	s23 =	sadd.s32 s23, s24  }
0x3f2: {  	[tilespmem:s28], [sflag:$0x2] =	stream.linear.gather [spmem:s23], $0x80, $0x38;
	[tilespmem:$0x18200] =	vst v63  }
0x3f3: {  	s31 =	sld [smem:$0x758];
	s30 =	sadd.s32 $0x400, s23  }
0x3f4: {  	[tilespmem:s29], [sflag:$0x2] =	stream.linear.gather [spmem:s30], $0x80, $0x38;
	[tilespmem:$0x18200] =	vst v63  }
0x3f5: {  	s28 =	sadd.s32 $0x800, s23;
	s29 =	sld [smem:$0x759]  }
0x3f6: {  	[tilespmem:s31], [sflag:$0x2] =	stream.linear.gather [spmem:s28], $0x80, $0x38;
	[tilespmem:$0x18200] =	vst v63  }
0x3f7: {  	s30 =	sadd.s32 $0xC00, s23;
	s31 =	sld [smem:$0x75A]  }
0x3f8: {  	[tilespmem:s29], [sflag:$0x2] =	stream.linear.gather [spmem:s30], $0x80, $0x38;
	[tilespmem:$0x18200] =	vst v63  }
0x3f9: {  	s28 =	sadd.s32 $0x1000, s23  }
0x3fa: {  	[tilespmem:s31], [sflag:$0x2] =	stream.linear.gather [spmem:s28], $0x80, $0x38;
	[tilespmem:$0x18200] =	vst v63  }
0x3fb: {  	s29 =	sld [smem:$0x75B];
	s30 =	spop (v2sf)  }
0x3fc: {  	(v2sf) =	vpush v62, $0x6;
	s31 =	sshrl.u32 s30, $0x3  }
0x3fd: {  	s23 =	sadd.s32 $0x1400, s23;
	s26 =	smul.u32 $0x6000, s31  }
0x3fe: {  	[tilespmem:s29], [sflag:$0x2] =	stream.linear.gather [spmem:s23], $0x80, $0x38;
	[tilespmem:$0x18200] =	vst v63  }
0x3ff: {  	s28 =	sld [smem:$0x75C];
	s25 =	sshll.u32 s30, $0x7;
	s26 =	sshra.s32 s26, $0x2  }
0x400: {  	s23 =	sand.u32 $0x380, s25;
	s24 =	sadd.s32 s26, s3  }
0x401: {  	s29 =	sld [smem:$0x75D];
	s23 =	sadd.s32 s23, s24  }
0x402: {  	[tilespmem:s28], [sflag:$0x2] =	stream.linear.gather [spmem:s23], $0x80, $0x38;
	[tilespmem:$0x18200] =	vst v63  }
0x403: {  	s31 =	sld [smem:$0x75E];
	s30 =	sadd.s32 $0x400, s23  }
0x404: {  	[tilespmem:s29], [sflag:$0x2] =	stream.linear.gather [spmem:s30], $0x80, $0x38;
	[tilespmem:$0x18200] =	vst v63  }
0x405: {  	s28 =	sadd.s32 $0x800, s23;
	s29 =	sld [smem:$0x75F]  }
0x406: {  	[tilespmem:s31], [sflag:$0x2] =	stream.linear.gather [spmem:s28], $0x80, $0x38;
	[tilespmem:$0x18200] =	vst v63  }
0x407: {  	s30 =	sadd.s32 $0xC00, s23;
	s31 =	sld [smem:$0x760]  }
0x408: {  	[tilespmem:s29], [sflag:$0x2] =	stream.linear.gather [spmem:s30], $0x80, $0x38;
	[tilespmem:$0x18200] =	vst v63  }
0x409: {  	s28 =	sadd.s32 $0x1000, s23  }
0x40a: {  	[tilespmem:s31], [sflag:$0x2] =	stream.linear.gather [spmem:s28], $0x80, $0x38;
	[tilespmem:$0x18200] =	vst v63  }
0x40b: {  	s29 =	sld [smem:$0x761];
	s30 =	spop (v2sf)  }
0x40c: {  	(v2sf) =	vpush v62, $0x7;
	s31 =	sshrl.u32 s30, $0x3  }
0x40d: {  	s23 =	sadd.s32 $0x1400, s23;
	s26 =	smul.u32 $0x6000, s31  }
0x40e: {  	[tilespmem:s29], [sflag:$0x2] =	stream.linear.gather [spmem:s23], $0x80, $0x38;
	[tilespmem:$0x18200] =	vst v63  }
0x40f: {  	s28 =	sld [smem:$0x762];
	s25 =	sshll.u32 s30, $0x7;
	s26 =	sshra.s32 s26, $0x2  }
0x410: {  	s23 =	sand.u32 $0x380, s25;
	s24 =	sadd.s32 s26, s3  }
0x411: {  	s29 =	sld [smem:$0x763];
	s23 =	sadd.s32 s23, s24  }
0x412: {  	[tilespmem:s28], [sflag:$0x2] =	stream.linear.gather [spmem:s23], $0x80, $0x38;
	[tilespmem:$0x18200] =	vst v63  }
0x413: {  	s31 =	sld [smem:$0x764];
	s30 =	sadd.s32 $0x400, s23  }
0x414: {  	[tilespmem:s29], [sflag:$0x2] =	stream.linear.gather [spmem:s30], $0x80, $0x38;
	[tilespmem:$0x18200] =	vst v63  }
0x415: {  	s28 =	sadd.s32 $0x800, s23;
	s29 =	sld [smem:$0x765]  }
0x416: {  	[tilespmem:s31], [sflag:$0x2] =	stream.linear.gather [spmem:s28], $0x80, $0x38;
	[tilespmem:$0x18200] =	vst v63  }
0x417: {  	s30 =	sadd.s32 $0xC00, s23;
	s31 =	sld [smem:$0x766]  }
0x418: {  	[tilespmem:s29], [sflag:$0x2] =	stream.linear.gather [spmem:s30], $0x80, $0x38;
	[tilespmem:$0x18200] =	vst v63  }
0x419: {  	s28 =	sadd.s32 $0x1000, s23  }
0x41a: {  	[tilespmem:s31], [sflag:$0x2] =	stream.linear.gather [spmem:s28], $0x80, $0x38;
	[tilespmem:$0x18200] =	vst v63  }
0x41b: {  	s29 =	sld [smem:$0x767];
	s30 =	spop (v2sf)  }
0x41c: {  	(v2sf) =	vpush v62, $0x8;
	s31 =	sshrl.u32 s30, $0x3  }
0x41d: {  	s23 =	sadd.s32 $0x1400, s23;
	s26 =	smul.u32 $0x6000, s31  }
0x41e: {  	[tilespmem:s29], [sflag:$0x2] =	stream.linear.gather [spmem:s23], $0x80, $0x38;
	[tilespmem:$0x18200] =	vst v63  }
0x41f: {  	s28 =	sld [smem:$0x768];
	s25 =	sshll.u32 s30, $0x7;
	s26 =	sshra.s32 s26, $0x2  }
0x420: {  	s23 =	sand.u32 $0x380, s25;
	s24 =	sadd.s32 s26, s3  }
0x421: {  	s29 =	sld [smem:$0x769];
	s23 =	sadd.s32 s23, s24  }
0x422: {  	[tilespmem:s28], [sflag:$0x2] =	stream.linear.gather [spmem:s23], $0x80, $0x38;
	[tilespmem:$0x18200] =	vst v63  }
0x423: {  	s31 =	sld [smem:$0x76A];
	s30 =	sadd.s32 $0x400, s23  }
0x424: {  	[tilespmem:s29], [sflag:$0x2] =	stream.linear.gather [spmem:s30], $0x80, $0x38;
	[tilespmem:$0x18200] =	vst v63  }
0x425: {  	s28 =	sadd.s32 $0x800, s23;
	s29 =	sld [smem:$0x76B]  }
0x426: {  	[tilespmem:s31], [sflag:$0x2] =	stream.linear.gather [spmem:s28], $0x80, $0x38;
	[tilespmem:$0x18200] =	vst v63  }
0x427: {  	s30 =	sadd.s32 $0xC00, s23;
	s31 =	sld [smem:$0x76C]  }
0x428: {  	[tilespmem:s29], [sflag:$0x2] =	stream.linear.gather [spmem:s30], $0x80, $0x38;
	[tilespmem:$0x18200] =	vst v63  }
0x429: {  	s28 =	sadd.s32 $0x1000, s23  }
0x42a: {  	[tilespmem:s31], [sflag:$0x2] =	stream.linear.gather [spmem:s28], $0x80, $0x38;
	[tilespmem:$0x18200] =	vst v63  }
0x42b: {  	s29 =	sld [smem:$0x76D];
	s30 =	spop (v2sf)  }
0x42c: {  	(v2sf) =	vpush v62, $0x9;
	s31 =	sshrl.u32 s30, $0x3  }
0x42d: {  	s23 =	sadd.s32 $0x1400, s23;
	s26 =	smul.u32 $0x6000, s31  }
0x42e: {  	[tilespmem:s29], [sflag:$0x2] =	stream.linear.gather [spmem:s23], $0x80, $0x38;
	[tilespmem:$0x18200] =	vst v63  }
0x42f: {  	s28 =	sld [smem:$0x76E];
	s25 =	sshll.u32 s30, $0x7;
	s26 =	sshra.s32 s26, $0x2  }
0x430: {  	s23 =	sand.u32 $0x380, s25;
	s24 =	sadd.s32 s26, s3  }
0x431: {  	s29 =	sld [smem:$0x76F];
	s23 =	sadd.s32 s23, s24  }
0x432: {  	[tilespmem:s28], [sflag:$0x2] =	stream.linear.gather [spmem:s23], $0x80, $0x38;
	[tilespmem:$0x18200] =	vst v63  }
0x433: {  	s31 =	sld [smem:$0x770];
	s30 =	sadd.s32 $0x400, s23  }
0x434: {  	[tilespmem:s29], [sflag:$0x2] =	stream.linear.gather [spmem:s30], $0x80, $0x38;
	[tilespmem:$0x18200] =	vst v63  }
0x435: {  	s28 =	sadd.s32 $0x800, s23;
	s29 =	sld [smem:$0x771]  }
0x436: {  	[tilespmem:s31], [sflag:$0x2] =	stream.linear.gather [spmem:s28], $0x80, $0x38;
	[tilespmem:$0x18200] =	vst v63  }
0x437: {  	s30 =	sadd.s32 $0xC00, s23;
	s31 =	sld [smem:$0x772]  }
0x438: {  	[tilespmem:s29], [sflag:$0x2] =	stream.linear.gather [spmem:s30], $0x80, $0x38;
	[tilespmem:$0x18200] =	vst v63  }
0x439: {  	s28 =	sadd.s32 $0x1000, s23  }
0x43a: {  	[tilespmem:s31], [sflag:$0x2] =	stream.linear.gather [spmem:s28], $0x80, $0x38;
	[tilespmem:$0x18200] =	vst v63  }
0x43b: {  	s29 =	sld [smem:$0x773];
	s30 =	spop (v2sf)  }
0x43c: {  	(v2sf) =	vpush v62, $0xA;
	s31 =	sshrl.u32 s30, $0x3  }
0x43d: {  	s23 =	sadd.s32 $0x1400, s23;
	s26 =	smul.u32 $0x6000, s31  }
0x43e: {  	[tilespmem:s29], [sflag:$0x2] =	stream.linear.gather [spmem:s23], $0x80, $0x38;
	[tilespmem:$0x18200] =	vst v63  }
0x43f: {  	s28 =	sld [smem:$0x774];
	s25 =	sshll.u32 s30, $0x7;
	s26 =	sshra.s32 s26, $0x2  }
0x440: {  	s23 =	sand.u32 $0x380, s25;
	s24 =	sadd.s32 s26, s3  }
0x441: {  	s29 =	sld [smem:$0x775];
	s23 =	sadd.s32 s23, s24  }
0x442: {  	[tilespmem:s28], [sflag:$0x2] =	stream.linear.gather [spmem:s23], $0x80, $0x38;
	[tilespmem:$0x18200] =	vst v63  }
0x443: {  	s31 =	sld [smem:$0x776];
	s30 =	sadd.s32 $0x400, s23  }
0x444: {  	[tilespmem:s29], [sflag:$0x2] =	stream.linear.gather [spmem:s30], $0x80, $0x38;
	[tilespmem:$0x18200] =	vst v63  }
0x445: {  	s28 =	sadd.s32 $0x800, s23;
	s29 =	sld [smem:$0x777]  }
0x446: {  	[tilespmem:s31], [sflag:$0x2] =	stream.linear.gather [spmem:s28], $0x80, $0x38;
	[tilespmem:$0x18200] =	vst v63  }
0x447: {  	s30 =	sadd.s32 $0xC00, s23;
	s31 =	sld [smem:$0x778]  }
0x448: {  	[tilespmem:s29], [sflag:$0x2] =	stream.linear.gather [spmem:s30], $0x80, $0x38;
	[tilespmem:$0x18200] =	vst v63  }
0x449: {  	s28 =	sadd.s32 $0x1000, s23  }
0x44a: {  	[tilespmem:s31], [sflag:$0x2] =	stream.linear.gather [spmem:s28], $0x80, $0x38;
	[tilespmem:$0x18200] =	vst v63  }
0x44b: {  	s29 =	sld [smem:$0x779];
	s30 =	spop (v2sf)  }
0x44c: {  	(v2sf) =	vpush v62, $0xB;
	s31 =	sshrl.u32 s30, $0x3  }
0x44d: {  	s23 =	sadd.s32 $0x1400, s23;
	s26 =	smul.u32 $0x6000, s31  }
0x44e: {  	[tilespmem:s29], [sflag:$0x2] =	stream.linear.gather [spmem:s23], $0x80, $0x38;
	[tilespmem:$0x18200] =	vst v63  }
0x44f: {  	s28 =	sld [smem:$0x77A];
	s25 =	sshll.u32 s30, $0x7;
	s26 =	sshra.s32 s26, $0x2  }
0x450: {  	s23 =	sand.u32 $0x380, s25;
	s24 =	sadd.s32 s26, s3  }
0x451: {  	s29 =	sld [smem:$0x77B];
	s23 =	sadd.s32 s23, s24  }
0x452: {  	[tilespmem:s28], [sflag:$0x2] =	stream.linear.gather [spmem:s23], $0x80, $0x38;
	[tilespmem:$0x18200] =	vst v63  }
0x453: {  	s31 =	sld [smem:$0x77C];
	s30 =	sadd.s32 $0x400, s23  }
0x454: {  	[tilespmem:s29], [sflag:$0x2] =	stream.linear.gather [spmem:s30], $0x80, $0x38;
	[tilespmem:$0x18200] =	vst v63  }
0x455: {  	s28 =	sadd.s32 $0x800, s23;
	s29 =	sld [smem:$0x77D]  }
0x456: {  	[tilespmem:s31], [sflag:$0x2] =	stream.linear.gather [spmem:s28], $0x80, $0x38;
	[tilespmem:$0x18200] =	vst v63  }
0x457: {  	s30 =	sadd.s32 $0xC00, s23;
	s31 =	sld [smem:$0x77E]  }
0x458: {  	[tilespmem:s29], [sflag:$0x2] =	stream.linear.gather [spmem:s30], $0x80, $0x38;
	[tilespmem:$0x18200] =	vst v63  }
0x459: {  	s28 =	sadd.s32 $0x1000, s23  }
0x45a: {  	[tilespmem:s31], [sflag:$0x2] =	stream.linear.gather [spmem:s28], $0x80, $0x38;
	[tilespmem:$0x18200] =	vst v63  }
0x45b: {  	s29 =	sld [smem:$0x77F];
	s30 =	spop (v2sf)  }
0x45c: {  	(v2sf) =	vpush v62, $0xC;
	s31 =	sshrl.u32 s30, $0x3  }
0x45d: {  	s23 =	sadd.s32 $0x1400, s23;
	s26 =	smul.u32 $0x6000, s31  }
0x45e: {  	[tilespmem:s29], [sflag:$0x2] =	stream.linear.gather [spmem:s23], $0x80, $0x38;
	[tilespmem:$0x18200] =	vst v63  }
0x45f: {  	s28 =	sld [smem:$0x780];
	s25 =	sshll.u32 s30, $0x7;
	s26 =	sshra.s32 s26, $0x2  }
0x460: {  	s23 =	sand.u32 $0x380, s25;
	s24 =	sadd.s32 s26, s3  }
0x461: {  	s29 =	sld [smem:$0x781];
	s23 =	sadd.s32 s23, s24  }
0x462: {  	[tilespmem:s28], [sflag:$0x2] =	stream.linear.gather [spmem:s23], $0x80, $0x38;
	[tilespmem:$0x18200] =	vst v63  }
0x463: {  	s31 =	sld [smem:$0x782];
	s30 =	sadd.s32 $0x400, s23  }
0x464: {  	[tilespmem:s29], [sflag:$0x2] =	stream.linear.gather [spmem:s30], $0x80, $0x38;
	[tilespmem:$0x18200] =	vst v63  }
0x465: {  	s28 =	sadd.s32 $0x800, s23;
	s29 =	sld [smem:$0x783]  }
0x466: {  	[tilespmem:s31], [sflag:$0x2] =	stream.linear.gather [spmem:s28], $0x80, $0x38;
	[tilespmem:$0x18200] =	vst v63  }
0x467: {  	s30 =	sadd.s32 $0xC00, s23;
	s31 =	sld [smem:$0x784]  }
0x468: {  	[tilespmem:s29], [sflag:$0x2] =	stream.linear.gather [spmem:s30], $0x80, $0x38;
	[tilespmem:$0x18200] =	vst v63  }
0x469: {  	s28 =	sadd.s32 $0x1000, s23  }
0x46a: {  	[tilespmem:s31], [sflag:$0x2] =	stream.linear.gather [spmem:s28], $0x80, $0x38;
	[tilespmem:$0x18200] =	vst v63  }
0x46b: {  	s29 =	sld [smem:$0x785];
	s30 =	spop (v2sf)  }
0x46c: {  	(v2sf) =	vpush v62, $0xD;
	s31 =	sshrl.u32 s30, $0x3  }
0x46d: {  	s23 =	sadd.s32 $0x1400, s23;
	s26 =	smul.u32 $0x6000, s31  }
0x46e: {  	[tilespmem:s29], [sflag:$0x2] =	stream.linear.gather [spmem:s23], $0x80, $0x38;
	[tilespmem:$0x18200] =	vst v63  }
0x46f: {  	s28 =	sld [smem:$0x786];
	s25 =	sshll.u32 s30, $0x7;
	s26 =	sshra.s32 s26, $0x2  }
0x470: {  	s23 =	sand.u32 $0x380, s25;
	s24 =	sadd.s32 s26, s3  }
0x471: {  	s29 =	sld [smem:$0x787];
	s23 =	sadd.s32 s23, s24  }
0x472: {  	[tilespmem:s28], [sflag:$0x2] =	stream.linear.gather [spmem:s23], $0x80, $0x38;
	[tilespmem:$0x18200] =	vst v63  }
0x473: {  	s31 =	sld [smem:$0x788];
	s30 =	sadd.s32 $0x400, s23  }
0x474: {  	[tilespmem:s29], [sflag:$0x2] =	stream.linear.gather [spmem:s30], $0x80, $0x38;
	[tilespmem:$0x18200] =	vst v63  }
0x475: {  	s28 =	sadd.s32 $0x800, s23;
	s29 =	sld [smem:$0x789]  }
0x476: {  	[tilespmem:s31], [sflag:$0x2] =	stream.linear.gather [spmem:s28], $0x80, $0x38;
	[tilespmem:$0x18200] =	vst v63  }
0x477: {  	s30 =	sadd.s32 $0xC00, s23;
	s31 =	sld [smem:$0x78A]  }
0x478: {  	[tilespmem:s29], [sflag:$0x2] =	stream.linear.gather [spmem:s30], $0x80, $0x38;
	[tilespmem:$0x18200] =	vst v63  }
0x479: {  	s28 =	sadd.s32 $0x1000, s23  }
0x47a: {  	[tilespmem:s31], [sflag:$0x2] =	stream.linear.gather [spmem:s28], $0x80, $0x38;
	[tilespmem:$0x18200] =	vst v63  }
0x47b: {  	s29 =	sld [smem:$0x78B];
	s30 =	spop (v2sf)  }
0x47c: {  	(v2sf) =	vpush v62, $0xE;
	s31 =	sshrl.u32 s30, $0x3  }
0x47d: {  	s23 =	sadd.s32 $0x1400, s23;
	s26 =	smul.u32 $0x6000, s31  }
0x47e: {  	[tilespmem:s29], [sflag:$0x2] =	stream.linear.gather [spmem:s23], $0x80, $0x38;
	[tilespmem:$0x18200] =	vst v63  }
0x47f: {  	s28 =	sld [smem:$0x78C];
	s25 =	sshll.u32 s30, $0x7;
	s26 =	sshra.s32 s26, $0x2  }
0x480: {  	s23 =	sand.u32 $0x380, s25;
	s24 =	sadd.s32 s26, s3  }
0x481: {  	s29 =	sld [smem:$0x78D];
	s23 =	sadd.s32 s23, s24  }
0x482: {  	[tilespmem:s28], [sflag:$0x2] =	stream.linear.gather [spmem:s23], $0x80, $0x38;
	[tilespmem:$0x18200] =	vst v63  }
0x483: {  	s31 =	sld [smem:$0x78E];
	s30 =	sadd.s32 $0x400, s23  }
0x484: {  	[tilespmem:s29], [sflag:$0x2] =	stream.linear.gather [spmem:s30], $0x80, $0x38;
	[tilespmem:$0x18200] =	vst v63  }
0x485: {  	s28 =	sadd.s32 $0x800, s23;
	s29 =	sld [smem:$0x78F]  }
0x486: {  	[tilespmem:s31], [sflag:$0x2] =	stream.linear.gather [spmem:s28], $0x80, $0x38;
	[tilespmem:$0x18200] =	vst v63  }
0x487: {  	s30 =	sadd.s32 $0xC00, s23;
	s31 =	sld [smem:$0x790]  }
0x488: {  	[tilespmem:s29], [sflag:$0x2] =	stream.linear.gather [spmem:s30], $0x80, $0x38;
	[tilespmem:$0x18200] =	vst v63  }
0x489: {  	s28 =	sadd.s32 $0x1000, s23  }
0x48a: {  	[tilespmem:s31], [sflag:$0x2] =	stream.linear.gather [spmem:s28], $0x80, $0x38;
	[tilespmem:$0x18200] =	vst v63  }
0x48b: {  	s29 =	sld [smem:$0x791];
	s30 =	spop (v2sf)  }
0x48c: {  	(v2sf) =	vpush v62, $0xF;
	s31 =	sshrl.u32 s30, $0x3  }
0x48d: {  	s23 =	sadd.s32 $0x1400, s23;
	s26 =	smul.u32 $0x6000, s31  }
0x48e: {  	[tilespmem:s29], [sflag:$0x2] =	stream.linear.gather [spmem:s23], $0x80, $0x38;
	[tilespmem:$0x18200] =	vst v63  }
0x48f: {  	s28 =	sld [smem:$0x792];
	s25 =	sshll.u32 s30, $0x7;
	s26 =	sshra.s32 s26, $0x2  }
0x490: {  	s23 =	sand.u32 $0x380, s25;
	s24 =	sadd.s32 s26, s3  }
0x491: {  	s29 =	sld [smem:$0x793];
	s23 =	sadd.s32 s23, s24  }
0x492: {  	[tilespmem:s28], [sflag:$0x2] =	stream.linear.gather [spmem:s23], $0x80, $0x38;
	[tilespmem:$0x18200] =	vst v63  }
0x493: {  	s31 =	sld [smem:$0x794];
	s30 =	sadd.s32 $0x400, s23  }
0x494: {  	[tilespmem:s29], [sflag:$0x2] =	stream.linear.gather [spmem:s30], $0x80, $0x38;
	[tilespmem:$0x18200] =	vst v63  }
0x495: {  	s28 =	sadd.s32 $0x800, s23;
	s29 =	sld [smem:$0x795]  }
0x496: {  	[tilespmem:s31], [sflag:$0x2] =	stream.linear.gather [spmem:s28], $0x80, $0x38;
	[tilespmem:$0x18200] =	vst v63  }
0x497: {  	s30 =	sadd.s32 $0xC00, s23;
	s31 =	sld [smem:$0x796]  }
0x498: {  	[tilespmem:s29], [sflag:$0x2] =	stream.linear.gather [spmem:s30], $0x80, $0x38;
	[tilespmem:$0x18200] =	vst v63  }
0x499: {  	s28 =	sadd.s32 $0x1000, s23  }
0x49a: {  	[tilespmem:s31], [sflag:$0x2] =	stream.linear.gather [spmem:s28], $0x80, $0x38;
	[tilespmem:$0x18200] =	vst v63  }
0x49b: {  	s29 =	sld [smem:$0x797];
	s30 =	spop (v2sf)  }
0x49c: {  	s31 =	sshrl.u32 s30, $0x3  }
0x49d: {  	s23 =	sadd.s32 $0x1400, s23;
	s26 =	smul.u32 $0x6000, s31  }
0x49e: {  	[tilespmem:s29], [sflag:$0x2] =	stream.linear.gather [spmem:s23], $0x80, $0x38;
	[tilespmem:$0x18200] =	vst v63  }
0x49f: {  	s28 =	sld [smem:$0x798];
	s25 =	sshll.u32 s30, $0x7;
	s26 =	sshra.s32 s26, $0x2  }
0x4a0: {  	s23 =	sand.u32 $0x380, s25;
	s24 =	sadd.s32 s26, s3  }
0x4a1: {  	s29 =	sld [smem:$0x799];
	s23 =	sadd.s32 s23, s24  }
0x4a2: {  	[tilespmem:s28], [sflag:$0x2] =	stream.linear.gather [spmem:s23], $0x80, $0x38;
	[tilespmem:$0x18200] =	vst v63  }
0x4a3: {  	s31 =	sld [smem:$0x79A];
	s30 =	sadd.s32 $0x400, s23  }
0x4a4: {  	[tilespmem:s29], [sflag:$0x2] =	stream.linear.gather [spmem:s30], $0x80, $0x38;
	[tilespmem:$0x18200] =	vst v63  }
0x4a5: {  	s28 =	sadd.s32 $0x800, s23;
	s29 =	sld [smem:$0x79B]  }
0x4a6: {  	[tilespmem:s31], [sflag:$0x2] =	stream.linear.gather [spmem:s28], $0x80, $0x38;
	[tilespmem:$0x18200] =	vst v63  }
0x4a7: {  	s30 =	sadd.s32 $0xC00, s23;
	s31 =	sld [smem:$0x79C]  }
0x4a8: {  	[tilespmem:s29], [sflag:$0x2] =	stream.linear.gather [spmem:s30], $0x80, $0x38;
	[tilespmem:$0x18200] =	vst v63  }
0x4a9: {  	s25 =	sadd.s32 $0x1000, s23;
	s28 =	sld [smem:$0x79D]  }
0x4aa: {  	[tilespmem:s31], [sflag:$0x2] =	stream.linear.gather [spmem:s25], $0x80, $0x38;
	[tilespmem:$0x18200] =	vst v63  }
0x4ab: {  	s23 =	sadd.s32 $0x1400, s23  }
0x4ac: {  	[tilespmem:s28], [sflag:$0x2] =	stream.linear.gather [spmem:s23], $0x80, $0x38;
	[tilespmem:$0x18200] =	vst v63  }
0x4ad: {  	v63 =	vld [tilespmem:s21+$0x10];
	_ =	sdelay $0x4  }
0x4ae: {  	(v2sf) =	vpush v63, $0x0;
	_ =	sdelay $0xe  }
0x4af: {  	s29 =	spop (v2sf)  }
0x4b0: {  	(v2sf) =	vpush v63, $0x1;
	s30 =	sshrl.u32 s29, $0x3  }
0x4b1: {  	s24 =	smul.u32 $0x6000, s30;
	_ =	sdelay $0x1  }
0x4b2: {  	s31 =	sld [smem:$0x79E];
	s23 =	sshll.u32 s29, $0x7;
	s24 =	sshra.s32 s24, $0x2  }
0x4b3: {  	s23 =	sand.u32 $0x380, s23;
	s24 =	sadd.s32 s24, s3  }
0x4b4: {  	s26 =	sld [smem:$0x79F];
	s23 =	sadd.s32 s23, s24  }
0x4b5: {  	[tilespmem:s31], [sflag:$0x2] =	stream.linear.gather [spmem:s23], $0x80, $0x38;
	[tilespmem:$0x18200] =	vst v63  }
0x4b6: {  	s29 =	sld [smem:$0x7A0];
	s28 =	sadd.s32 $0x400, s23  }
0x4b7: {  	[tilespmem:s26], [sflag:$0x2] =	stream.linear.gather [spmem:s28], $0x80, $0x38;
	[tilespmem:$0x18200] =	vst v63  }
0x4b8: {  	s30 =	sadd.s32 $0x800, s23;
	s31 =	sld [smem:$0x7A1]  }
0x4b9: {  	[tilespmem:s29], [sflag:$0x2] =	stream.linear.gather [spmem:s30], $0x80, $0x38;
	[tilespmem:$0x18200] =	vst v63  }
0x4ba: {  	s26 =	sadd.s32 $0xC00, s23;
	s28 =	sld [smem:$0x7A2]  }
0x4bb: {  	[tilespmem:s31], [sflag:$0x2] =	stream.linear.gather [spmem:s26], $0x80, $0x38;
	[tilespmem:$0x18200] =	vst v63  }
0x4bc: {  	s29 =	sadd.s32 $0x1000, s23  }
0x4bd: {  	[tilespmem:s28], [sflag:$0x2] =	stream.linear.gather [spmem:s29], $0x80, $0x38;
	[tilespmem:$0x18200] =	vst v63  }
0x4be: {  	s30 =	sld [smem:$0x7A3];
	s31 =	spop (v2sf)  }
0x4bf: {  	(v2sf) =	vpush v63, $0x2;
	s28 =	sshrl.u32 s31, $0x3  }
0x4c0: {  	s23 =	sadd.s32 $0x1400, s23;
	s26 =	smul.u32 $0x6000, s28  }
0x4c1: {  	[tilespmem:s30], [sflag:$0x2] =	stream.linear.gather [spmem:s23], $0x80, $0x38;
	[tilespmem:$0x18200] =	vst v63  }
0x4c2: {  	s29 =	sshll.u32 s31, $0x7;
	s31 =	sld [smem:$0x7A4];
	s30 =	sshra.s32 s26, $0x2  }
0x4c3: {  	s23 =	sand.u32 $0x380, s29;
	s24 =	sadd.s32 s30, s3  }
0x4c4: {  	s26 =	sld [smem:$0x7A5];
	s23 =	sadd.s32 s23, s24  }
0x4c5: {  	[tilespmem:s31], [sflag:$0x2] =	stream.linear.gather [spmem:s23], $0x80, $0x38;
	[tilespmem:$0x18200] =	vst v63  }
0x4c6: {  	s29 =	sld [smem:$0x7A6];
	s28 =	sadd.s32 $0x400, s23  }
0x4c7: {  	[tilespmem:s26], [sflag:$0x2] =	stream.linear.gather [spmem:s28], $0x80, $0x38;
	[tilespmem:$0x18200] =	vst v63  }
0x4c8: {  	s30 =	sadd.s32 $0x800, s23;
	s31 =	sld [smem:$0x7A7]  }
0x4c9: {  	[tilespmem:s29], [sflag:$0x2] =	stream.linear.gather [spmem:s30], $0x80, $0x38;
	[tilespmem:$0x18200] =	vst v63  }
0x4ca: {  	s26 =	sadd.s32 $0xC00, s23;
	s28 =	sld [smem:$0x7A8]  }
0x4cb: {  	[tilespmem:s31], [sflag:$0x2] =	stream.linear.gather [spmem:s26], $0x80, $0x38;
	[tilespmem:$0x18200] =	vst v63  }
0x4cc: {  	s29 =	sadd.s32 $0x1000, s23  }
0x4cd: {  	[tilespmem:s28], [sflag:$0x2] =	stream.linear.gather [spmem:s29], $0x80, $0x38;
	[tilespmem:$0x18200] =	vst v63  }
0x4ce: {  	s30 =	sld [smem:$0x7A9];
	s31 =	spop (v2sf)  }
0x4cf: {  	(v2sf) =	vpush v63, $0x3;
	s28 =	sshrl.u32 s31, $0x3  }
0x4d0: {  	s23 =	sadd.s32 $0x1400, s23;
	s26 =	smul.u32 $0x6000, s28  }
0x4d1: {  	[tilespmem:s30], [sflag:$0x2] =	stream.linear.gather [spmem:s23], $0x80, $0x38;
	[tilespmem:$0x18200] =	vst v63  }
0x4d2: {  	s29 =	sshll.u32 s31, $0x7;
	s31 =	sld [smem:$0x7AA];
	s30 =	sshra.s32 s26, $0x2  }
0x4d3: {  	s23 =	sand.u32 $0x380, s29;
	s24 =	sadd.s32 s30, s3  }
0x4d4: {  	s26 =	sld [smem:$0x7AB];
	s23 =	sadd.s32 s23, s24  }
0x4d5: {  	[tilespmem:s31], [sflag:$0x2] =	stream.linear.gather [spmem:s23], $0x80, $0x38;
	[tilespmem:$0x18200] =	vst v63  }
0x4d6: {  	s29 =	sld [smem:$0x7AC];
	s28 =	sadd.s32 $0x400, s23  }
0x4d7: {  	[tilespmem:s26], [sflag:$0x2] =	stream.linear.gather [spmem:s28], $0x80, $0x38;
	[tilespmem:$0x18200] =	vst v63  }
0x4d8: {  	s30 =	sadd.s32 $0x800, s23;
	s31 =	sld [smem:$0x7AD]  }
0x4d9: {  	[tilespmem:s29], [sflag:$0x2] =	stream.linear.gather [spmem:s30], $0x80, $0x38;
	[tilespmem:$0x18200] =	vst v63  }
0x4da: {  	s26 =	sadd.s32 $0xC00, s23;
	s28 =	sld [smem:$0x7AE]  }
0x4db: {  	[tilespmem:s31], [sflag:$0x2] =	stream.linear.gather [spmem:s26], $0x80, $0x38;
	[tilespmem:$0x18200] =	vst v63  }
0x4dc: {  	s29 =	sadd.s32 $0x1000, s23  }
0x4dd: {  	[tilespmem:s28], [sflag:$0x2] =	stream.linear.gather [spmem:s29], $0x80, $0x38;
	[tilespmem:$0x18200] =	vst v63  }
0x4de: {  	s30 =	sld [smem:$0x7AF];
	s31 =	spop (v2sf)  }
0x4df: {  	(v2sf) =	vpush v63, $0x4;
	s28 =	sshrl.u32 s31, $0x3  }
0x4e0: {  	s23 =	sadd.s32 $0x1400, s23;
	s26 =	smul.u32 $0x6000, s28  }
0x4e1: {  	[tilespmem:s30], [sflag:$0x2] =	stream.linear.gather [spmem:s23], $0x80, $0x38;
	[tilespmem:$0x18200] =	vst v63  }
0x4e2: {  	s29 =	sshll.u32 s31, $0x7;
	s31 =	sld [smem:$0x7B0];
	s30 =	sshra.s32 s26, $0x2  }
0x4e3: {  	s23 =	sand.u32 $0x380, s29;
	s24 =	sadd.s32 s30, s3  }
0x4e4: {  	s26 =	sld [smem:$0x7B1];
	s23 =	sadd.s32 s23, s24  }
0x4e5: {  	[tilespmem:s31], [sflag:$0x2] =	stream.linear.gather [spmem:s23], $0x80, $0x38;
	[tilespmem:$0x18200] =	vst v63  }
0x4e6: {  	s29 =	sld [smem:$0x7B2];
	s28 =	sadd.s32 $0x400, s23  }
0x4e7: {  	[tilespmem:s26], [sflag:$0x2] =	stream.linear.gather [spmem:s28], $0x80, $0x38;
	[tilespmem:$0x18200] =	vst v63  }
0x4e8: {  	s30 =	sadd.s32 $0x800, s23;
	s31 =	sld [smem:$0x7B3]  }
0x4e9: {  	[tilespmem:s29], [sflag:$0x2] =	stream.linear.gather [spmem:s30], $0x80, $0x38;
	[tilespmem:$0x18200] =	vst v63  }
0x4ea: {  	s26 =	sadd.s32 $0xC00, s23;
	s28 =	sld [smem:$0x7B4]  }
0x4eb: {  	[tilespmem:s31], [sflag:$0x2] =	stream.linear.gather [spmem:s26], $0x80, $0x38;
	[tilespmem:$0x18200] =	vst v63  }
0x4ec: {  	s29 =	sadd.s32 $0x1000, s23  }
0x4ed: {  	[tilespmem:s28], [sflag:$0x2] =	stream.linear.gather [spmem:s29], $0x80, $0x38;
	[tilespmem:$0x18200] =	vst v63  }
0x4ee: {  	s30 =	sld [smem:$0x7B5];
	s31 =	spop (v2sf)  }
0x4ef: {  	(v2sf) =	vpush v63, $0x5;
	s28 =	sshrl.u32 s31, $0x3  }
0x4f0: {  	s23 =	sadd.s32 $0x1400, s23;
	s26 =	smul.u32 $0x6000, s28  }
0x4f1: {  	[tilespmem:s30], [sflag:$0x2] =	stream.linear.gather [spmem:s23], $0x80, $0x38;
	[tilespmem:$0x18200] =	vst v63  }
0x4f2: {  	s29 =	sshll.u32 s31, $0x7;
	s31 =	sld [smem:$0x7B6];
	s30 =	sshra.s32 s26, $0x2  }
0x4f3: {  	s23 =	sand.u32 $0x380, s29;
	s24 =	sadd.s32 s30, s3  }
0x4f4: {  	s26 =	sld [smem:$0x7B7];
	s23 =	sadd.s32 s23, s24  }
0x4f5: {  	[tilespmem:s31], [sflag:$0x2] =	stream.linear.gather [spmem:s23], $0x80, $0x38;
	[tilespmem:$0x18200] =	vst v63  }
0x4f6: {  	s29 =	sld [smem:$0x7B8];
	s28 =	sadd.s32 $0x400, s23  }
0x4f7: {  	[tilespmem:s26], [sflag:$0x2] =	stream.linear.gather [spmem:s28], $0x80, $0x38;
	[tilespmem:$0x18200] =	vst v63  }
0x4f8: {  	s30 =	sadd.s32 $0x800, s23;
	s31 =	sld [smem:$0x7B9]  }
0x4f9: {  	[tilespmem:s29], [sflag:$0x2] =	stream.linear.gather [spmem:s30], $0x80, $0x38;
	[tilespmem:$0x18200] =	vst v63  }
0x4fa: {  	s26 =	sadd.s32 $0xC00, s23;
	s28 =	sld [smem:$0x7BA]  }
0x4fb: {  	[tilespmem:s31], [sflag:$0x2] =	stream.linear.gather [spmem:s26], $0x80, $0x38;
	[tilespmem:$0x18200] =	vst v63  }
0x4fc: {  	s29 =	sadd.s32 $0x1000, s23  }
0x4fd: {  	[tilespmem:s28], [sflag:$0x2] =	stream.linear.gather [spmem:s29], $0x80, $0x38;
	[tilespmem:$0x18200] =	vst v63  }
0x4fe: {  	s30 =	sld [smem:$0x7BB];
	s31 =	spop (v2sf)  }
0x4ff: {  	(v2sf) =	vpush v63, $0x6;
	s28 =	sshrl.u32 s31, $0x3  }
0x500: {  	s23 =	sadd.s32 $0x1400, s23;
	s26 =	smul.u32 $0x6000, s28  }
0x501: {  	[tilespmem:s30], [sflag:$0x2] =	stream.linear.gather [spmem:s23], $0x80, $0x38;
	[tilespmem:$0x18200] =	vst v63  }
0x502: {  	s29 =	sshll.u32 s31, $0x7;
	s31 =	sld [smem:$0x7BC];
	s30 =	sshra.s32 s26, $0x2  }
0x503: {  	s23 =	sand.u32 $0x380, s29;
	s24 =	sadd.s32 s30, s3  }
0x504: {  	s26 =	sld [smem:$0x7BD];
	s23 =	sadd.s32 s23, s24  }
0x505: {  	[tilespmem:s31], [sflag:$0x2] =	stream.linear.gather [spmem:s23], $0x80, $0x38;
	[tilespmem:$0x18200] =	vst v63  }
0x506: {  	s29 =	sld [smem:$0x7BE];
	s28 =	sadd.s32 $0x400, s23  }
0x507: {  	[tilespmem:s26], [sflag:$0x2] =	stream.linear.gather [spmem:s28], $0x80, $0x38;
	[tilespmem:$0x18200] =	vst v63  }
0x508: {  	s30 =	sadd.s32 $0x800, s23;
	s31 =	sld [smem:$0x7BF]  }
0x509: {  	[tilespmem:s29], [sflag:$0x2] =	stream.linear.gather [spmem:s30], $0x80, $0x38;
	[tilespmem:$0x18200] =	vst v63  }
0x50a: {  	s26 =	sadd.s32 $0xC00, s23;
	s28 =	sld [smem:$0x7C0]  }
0x50b: {  	[tilespmem:s31], [sflag:$0x2] =	stream.linear.gather [spmem:s26], $0x80, $0x38;
	[tilespmem:$0x18200] =	vst v63  }
0x50c: {  	s29 =	sadd.s32 $0x1000, s23  }
0x50d: {  	[tilespmem:s28], [sflag:$0x2] =	stream.linear.gather [spmem:s29], $0x80, $0x38;
	[tilespmem:$0x18200] =	vst v63  }
0x50e: {  	s30 =	sld [smem:$0x7C1];
	s31 =	spop (v2sf)  }
0x50f: {  	(v2sf) =	vpush v63, $0x7;
	s28 =	sshrl.u32 s31, $0x3  }
0x510: {  	s23 =	sadd.s32 $0x1400, s23;
	s26 =	smul.u32 $0x6000, s28  }
0x511: {  	[tilespmem:s30], [sflag:$0x2] =	stream.linear.gather [spmem:s23], $0x80, $0x38;
	[tilespmem:$0x18200] =	vst v63  }
0x512: {  	s29 =	sshll.u32 s31, $0x7;
	s31 =	sld [smem:$0x7C2];
	s30 =	sshra.s32 s26, $0x2  }
0x513: {  	s23 =	sand.u32 $0x380, s29;
	s24 =	sadd.s32 s30, s3  }
0x514: {  	s26 =	sld [smem:$0x7C3];
	s23 =	sadd.s32 s23, s24  }
0x515: {  	[tilespmem:s31], [sflag:$0x2] =	stream.linear.gather [spmem:s23], $0x80, $0x38;
	[tilespmem:$0x18200] =	vst v63  }
0x516: {  	s29 =	sld [smem:$0x7C4];
	s28 =	sadd.s32 $0x400, s23  }
0x517: {  	[tilespmem:s26], [sflag:$0x2] =	stream.linear.gather [spmem:s28], $0x80, $0x38;
	[tilespmem:$0x18200] =	vst v63  }
0x518: {  	s30 =	sadd.s32 $0x800, s23;
	s31 =	sld [smem:$0x7C5]  }
0x519: {  	[tilespmem:s29], [sflag:$0x2] =	stream.linear.gather [spmem:s30], $0x80, $0x38;
	[tilespmem:$0x18200] =	vst v63  }
0x51a: {  	s26 =	sadd.s32 $0xC00, s23;
	s28 =	sld [smem:$0x7C6]  }
0x51b: {  	[tilespmem:s31], [sflag:$0x2] =	stream.linear.gather [spmem:s26], $0x80, $0x38;
	[tilespmem:$0x18200] =	vst v63  }
0x51c: {  	s29 =	sadd.s32 $0x1000, s23  }
0x51d: {  	[tilespmem:s28], [sflag:$0x2] =	stream.linear.gather [spmem:s29], $0x80, $0x38;
	[tilespmem:$0x18200] =	vst v63  }
0x51e: {  	s30 =	sld [smem:$0x7C7];
	s31 =	spop (v2sf)  }
0x51f: {  	(v2sf) =	vpush v63, $0x8;
	s28 =	sshrl.u32 s31, $0x3  }
0x520: {  	s23 =	sadd.s32 $0x1400, s23;
	s26 =	smul.u32 $0x6000, s28  }
0x521: {  	[tilespmem:s30], [sflag:$0x2] =	stream.linear.gather [spmem:s23], $0x80, $0x38;
	[tilespmem:$0x18200] =	vst v63  }
0x522: {  	s29 =	sshll.u32 s31, $0x7;
	s31 =	sld [smem:$0x7C8];
	s30 =	sshra.s32 s26, $0x2  }
0x523: {  	s23 =	sand.u32 $0x380, s29;
	s24 =	sadd.s32 s30, s3  }
0x524: {  	s26 =	sld [smem:$0x7C9];
	s23 =	sadd.s32 s23, s24  }
0x525: {  	[tilespmem:s31], [sflag:$0x2] =	stream.linear.gather [spmem:s23], $0x80, $0x38;
	[tilespmem:$0x18200] =	vst v63  }
0x526: {  	s29 =	sld [smem:$0x7CA];
	s28 =	sadd.s32 $0x400, s23  }
0x527: {  	[tilespmem:s26], [sflag:$0x2] =	stream.linear.gather [spmem:s28], $0x80, $0x38;
	[tilespmem:$0x18200] =	vst v63  }
0x528: {  	s30 =	sadd.s32 $0x800, s23;
	s31 =	sld [smem:$0x7CB]  }
0x529: {  	[tilespmem:s29], [sflag:$0x2] =	stream.linear.gather [spmem:s30], $0x80, $0x38;
	[tilespmem:$0x18200] =	vst v63  }
0x52a: {  	s26 =	sadd.s32 $0xC00, s23;
	s28 =	sld [smem:$0x7CC]  }
0x52b: {  	[tilespmem:s31], [sflag:$0x2] =	stream.linear.gather [spmem:s26], $0x80, $0x38;
	[tilespmem:$0x18200] =	vst v63  }
0x52c: {  	s29 =	sadd.s32 $0x1000, s23  }
0x52d: {  	[tilespmem:s28], [sflag:$0x2] =	stream.linear.gather [spmem:s29], $0x80, $0x38;
	[tilespmem:$0x18200] =	vst v63  }
0x52e: {  	s30 =	sld [smem:$0x7CD];
	s31 =	spop (v2sf)  }
0x52f: {  	(v2sf) =	vpush v63, $0x9;
	s28 =	sshrl.u32 s31, $0x3  }
0x530: {  	s23 =	sadd.s32 $0x1400, s23;
	s26 =	smul.u32 $0x6000, s28  }
0x531: {  	[tilespmem:s30], [sflag:$0x2] =	stream.linear.gather [spmem:s23], $0x80, $0x38;
	[tilespmem:$0x18200] =	vst v63  }
0x532: {  	s29 =	sshll.u32 s31, $0x7;
	s31 =	sld [smem:$0x7CE];
	s30 =	sshra.s32 s26, $0x2  }
0x533: {  	s23 =	sand.u32 $0x380, s29;
	s24 =	sadd.s32 s30, s3  }
0x534: {  	s26 =	sld [smem:$0x7CF];
	s23 =	sadd.s32 s23, s24  }
0x535: {  	[tilespmem:s31], [sflag:$0x2] =	stream.linear.gather [spmem:s23], $0x80, $0x38;
	[tilespmem:$0x18200] =	vst v63  }
0x536: {  	s29 =	sld [smem:$0x7D0];
	s28 =	sadd.s32 $0x400, s23  }
0x537: {  	[tilespmem:s26], [sflag:$0x2] =	stream.linear.gather [spmem:s28], $0x80, $0x38;
	[tilespmem:$0x18200] =	vst v63  }
0x538: {  	s30 =	sadd.s32 $0x800, s23;
	s31 =	sld [smem:$0x7D1]  }
0x539: {  	[tilespmem:s29], [sflag:$0x2] =	stream.linear.gather [spmem:s30], $0x80, $0x38;
	[tilespmem:$0x18200] =	vst v63  }
0x53a: {  	s26 =	sadd.s32 $0xC00, s23;
	s28 =	sld [smem:$0x7D2]  }
0x53b: {  	[tilespmem:s31], [sflag:$0x2] =	stream.linear.gather [spmem:s26], $0x80, $0x38;
	[tilespmem:$0x18200] =	vst v63  }
0x53c: {  	s29 =	sadd.s32 $0x1000, s23  }
0x53d: {  	[tilespmem:s28], [sflag:$0x2] =	stream.linear.gather [spmem:s29], $0x80, $0x38;
	[tilespmem:$0x18200] =	vst v63  }
0x53e: {  	s30 =	sld [smem:$0x7D3];
	s31 =	spop (v2sf)  }
0x53f: {  	(v2sf) =	vpush v63, $0xA;
	s28 =	sshrl.u32 s31, $0x3  }
0x540: {  	s23 =	sadd.s32 $0x1400, s23;
	s26 =	smul.u32 $0x6000, s28  }
0x541: {  	[tilespmem:s30], [sflag:$0x2] =	stream.linear.gather [spmem:s23], $0x80, $0x38;
	[tilespmem:$0x18200] =	vst v63  }
0x542: {  	s29 =	sshll.u32 s31, $0x7;
	s31 =	sld [smem:$0x7D4];
	s30 =	sshra.s32 s26, $0x2  }
0x543: {  	s23 =	sand.u32 $0x380, s29;
	s24 =	sadd.s32 s30, s3  }
0x544: {  	s26 =	sld [smem:$0x7D5];
	s23 =	sadd.s32 s23, s24  }
0x545: {  	[tilespmem:s31], [sflag:$0x2] =	stream.linear.gather [spmem:s23], $0x80, $0x38;
	[tilespmem:$0x18200] =	vst v63  }
0x546: {  	s29 =	sld [smem:$0x7D6];
	s28 =	sadd.s32 $0x400, s23  }
0x547: {  	[tilespmem:s26], [sflag:$0x2] =	stream.linear.gather [spmem:s28], $0x80, $0x38;
	[tilespmem:$0x18200] =	vst v63  }
0x548: {  	s30 =	sadd.s32 $0x800, s23;
	s31 =	sld [smem:$0x7D7]  }
0x549: {  	[tilespmem:s29], [sflag:$0x2] =	stream.linear.gather [spmem:s30], $0x80, $0x38;
	[tilespmem:$0x18200] =	vst v63  }
0x54a: {  	s26 =	sadd.s32 $0xC00, s23;
	s28 =	sld [smem:$0x7D8]  }
0x54b: {  	[tilespmem:s31], [sflag:$0x2] =	stream.linear.gather [spmem:s26], $0x80, $0x38;
	[tilespmem:$0x18200] =	vst v63  }
0x54c: {  	s29 =	sadd.s32 $0x1000, s23  }
0x54d: {  	[tilespmem:s28], [sflag:$0x2] =	stream.linear.gather [spmem:s29], $0x80, $0x38;
	[tilespmem:$0x18200] =	vst v63  }
0x54e: {  	s30 =	sld [smem:$0x7D9];
	s31 =	spop (v2sf)  }
0x54f: {  	(v2sf) =	vpush v63, $0xB;
	s28 =	sshrl.u32 s31, $0x3  }
0x550: {  	s23 =	sadd.s32 $0x1400, s23;
	s26 =	smul.u32 $0x6000, s28  }
0x551: {  	[tilespmem:s30], [sflag:$0x2] =	stream.linear.gather [spmem:s23], $0x80, $0x38;
	[tilespmem:$0x18200] =	vst v63  }
0x552: {  	s29 =	sshll.u32 s31, $0x7;
	s31 =	sld [smem:$0x7DA];
	s30 =	sshra.s32 s26, $0x2  }
0x553: {  	s23 =	sand.u32 $0x380, s29;
	s24 =	sadd.s32 s30, s3  }
0x554: {  	s26 =	sld [smem:$0x7DB];
	s23 =	sadd.s32 s23, s24  }
0x555: {  	[tilespmem:s31], [sflag:$0x2] =	stream.linear.gather [spmem:s23], $0x80, $0x38;
	[tilespmem:$0x18200] =	vst v63  }
0x556: {  	s29 =	sld [smem:$0x7DC];
	s28 =	sadd.s32 $0x400, s23  }
0x557: {  	[tilespmem:s26], [sflag:$0x2] =	stream.linear.gather [spmem:s28], $0x80, $0x38;
	[tilespmem:$0x18200] =	vst v63  }
0x558: {  	s30 =	sadd.s32 $0x800, s23;
	s31 =	sld [smem:$0x7DD]  }
0x559: {  	[tilespmem:s29], [sflag:$0x2] =	stream.linear.gather [spmem:s30], $0x80, $0x38;
	[tilespmem:$0x18200] =	vst v63  }
0x55a: {  	s26 =	sadd.s32 $0xC00, s23;
	s28 =	sld [smem:$0x7DE]  }
0x55b: {  	[tilespmem:s31], [sflag:$0x2] =	stream.linear.gather [spmem:s26], $0x80, $0x38;
	[tilespmem:$0x18200] =	vst v63  }
0x55c: {  	s29 =	sadd.s32 $0x1000, s23  }
0x55d: {  	[tilespmem:s28], [sflag:$0x2] =	stream.linear.gather [spmem:s29], $0x80, $0x38;
	[tilespmem:$0x18200] =	vst v63  }
0x55e: {  	s30 =	sld [smem:$0x7DF];
	s31 =	spop (v2sf)  }
0x55f: {  	(v2sf) =	vpush v63, $0xC;
	s28 =	sshrl.u32 s31, $0x3  }
0x560: {  	s23 =	sadd.s32 $0x1400, s23;
	s26 =	smul.u32 $0x6000, s28  }
0x561: {  	[tilespmem:s30], [sflag:$0x2] =	stream.linear.gather [spmem:s23], $0x80, $0x38;
	[tilespmem:$0x18200] =	vst v63  }
0x562: {  	s29 =	sshll.u32 s31, $0x7;
	s31 =	sld [smem:$0x7E0];
	s30 =	sshra.s32 s26, $0x2  }
0x563: {  	s23 =	sand.u32 $0x380, s29;
	s24 =	sadd.s32 s30, s3  }
0x564: {  	s26 =	sld [smem:$0x7E1];
	s23 =	sadd.s32 s23, s24  }
0x565: {  	[tilespmem:s31], [sflag:$0x2] =	stream.linear.gather [spmem:s23], $0x80, $0x38;
	[tilespmem:$0x18200] =	vst v63  }
0x566: {  	s29 =	sld [smem:$0x7E2];
	s28 =	sadd.s32 $0x400, s23  }
0x567: {  	[tilespmem:s26], [sflag:$0x2] =	stream.linear.gather [spmem:s28], $0x80, $0x38;
	[tilespmem:$0x18200] =	vst v63  }
0x568: {  	s30 =	sadd.s32 $0x800, s23;
	s31 =	sld [smem:$0x7E3]  }
0x569: {  	[tilespmem:s29], [sflag:$0x2] =	stream.linear.gather [spmem:s30], $0x80, $0x38;
	[tilespmem:$0x18200] =	vst v63  }
0x56a: {  	s26 =	sadd.s32 $0xC00, s23;
	s28 =	sld [smem:$0x7E4]  }
0x56b: {  	[tilespmem:s31], [sflag:$0x2] =	stream.linear.gather [spmem:s26], $0x80, $0x38;
	[tilespmem:$0x18200] =	vst v63  }
0x56c: {  	s29 =	sadd.s32 $0x1000, s23  }
0x56d: {  	[tilespmem:s28], [sflag:$0x2] =	stream.linear.gather [spmem:s29], $0x80, $0x38;
	[tilespmem:$0x18200] =	vst v63  }
0x56e: {  	s30 =	sld [smem:$0x7E5];
	s31 =	spop (v2sf)  }
0x56f: {  	(v2sf) =	vpush v63, $0xD;
	s28 =	sshrl.u32 s31, $0x3  }
0x570: {  	s23 =	sadd.s32 $0x1400, s23;
	s26 =	smul.u32 $0x6000, s28  }
0x571: {  	[tilespmem:s30], [sflag:$0x2] =	stream.linear.gather [spmem:s23], $0x80, $0x38;
	[tilespmem:$0x18200] =	vst v63  }
0x572: {  	s29 =	sshll.u32 s31, $0x7;
	s31 =	sld [smem:$0x7E6];
	s30 =	sshra.s32 s26, $0x2  }
0x573: {  	s23 =	sand.u32 $0x380, s29;
	s24 =	sadd.s32 s30, s3  }
0x574: {  	s26 =	sld [smem:$0x7E7];
	s23 =	sadd.s32 s23, s24  }
0x575: {  	[tilespmem:s31], [sflag:$0x2] =	stream.linear.gather [spmem:s23], $0x80, $0x38;
	[tilespmem:$0x18200] =	vst v63  }
0x576: {  	s29 =	sld [smem:$0x7E8];
	s28 =	sadd.s32 $0x400, s23  }
0x577: {  	[tilespmem:s26], [sflag:$0x2] =	stream.linear.gather [spmem:s28], $0x80, $0x38;
	[tilespmem:$0x18200] =	vst v63  }
0x578: {  	s30 =	sadd.s32 $0x800, s23;
	s31 =	sld [smem:$0x7E9]  }
0x579: {  	[tilespmem:s29], [sflag:$0x2] =	stream.linear.gather [spmem:s30], $0x80, $0x38;
	[tilespmem:$0x18200] =	vst v63  }
0x57a: {  	s26 =	sadd.s32 $0xC00, s23;
	s28 =	sld [smem:$0x7EA]  }
0x57b: {  	[tilespmem:s31], [sflag:$0x2] =	stream.linear.gather [spmem:s26], $0x80, $0x38;
	[tilespmem:$0x18200] =	vst v63  }
0x57c: {  	s29 =	sadd.s32 $0x1000, s23  }
0x57d: {  	[tilespmem:s28], [sflag:$0x2] =	stream.linear.gather [spmem:s29], $0x80, $0x38;
	[tilespmem:$0x18200] =	vst v63  }
0x57e: {  	s30 =	sld [smem:$0x7EB];
	s31 =	spop (v2sf)  }
0x57f: {  	(v2sf) =	vpush v63, $0xE;
	s28 =	sshrl.u32 s31, $0x3  }
0x580: {  	s23 =	sadd.s32 $0x1400, s23;
	s26 =	smul.u32 $0x6000, s28  }
0x581: {  	[tilespmem:s30], [sflag:$0x2] =	stream.linear.gather [spmem:s23], $0x80, $0x38;
	[tilespmem:$0x18200] =	vst v63  }
0x582: {  	s29 =	sshll.u32 s31, $0x7;
	s31 =	sld [smem:$0x7EC];
	s30 =	sshra.s32 s26, $0x2  }
0x583: {  	s23 =	sand.u32 $0x380, s29;
	s24 =	sadd.s32 s30, s3  }
0x584: {  	s26 =	sld [smem:$0x7ED];
	s23 =	sadd.s32 s23, s24  }
0x585: {  	[tilespmem:s31], [sflag:$0x2] =	stream.linear.gather [spmem:s23], $0x80, $0x38;
	[tilespmem:$0x18200] =	vst v63  }
0x586: {  	s29 =	sld [smem:$0x7EE];
	s28 =	sadd.s32 $0x400, s23  }
0x587: {  	[tilespmem:s26], [sflag:$0x2] =	stream.linear.gather [spmem:s28], $0x80, $0x38;
	[tilespmem:$0x18200] =	vst v63  }
0x588: {  	s30 =	sadd.s32 $0x800, s23;
	s31 =	sld [smem:$0x7EF]  }
0x589: {  	[tilespmem:s29], [sflag:$0x2] =	stream.linear.gather [spmem:s30], $0x80, $0x38;
	[tilespmem:$0x18200] =	vst v63  }
0x58a: {  	s26 =	sadd.s32 $0xC00, s23;
	s28 =	sld [smem:$0x7F0]  }
0x58b: {  	[tilespmem:s31], [sflag:$0x2] =	stream.linear.gather [spmem:s26], $0x80, $0x38;
	[tilespmem:$0x18200] =	vst v63  }
0x58c: {  	s29 =	sadd.s32 $0x1000, s23  }
0x58d: {  	[tilespmem:s28], [sflag:$0x2] =	stream.linear.gather [spmem:s29], $0x80, $0x38;
	[tilespmem:$0x18200] =	vst v63  }
0x58e: {  	s30 =	sld [smem:$0x7F1];
	s31 =	spop (v2sf)  }
0x58f: {  	(v2sf) =	vpush v63, $0xF;
	s28 =	sshrl.u32 s31, $0x3  }
0x590: {  	s23 =	sadd.s32 $0x1400, s23;
	s26 =	smul.u32 $0x6000, s28  }
0x591: {  	[tilespmem:s30], [sflag:$0x2] =	stream.linear.gather [spmem:s23], $0x80, $0x38;
	[tilespmem:$0x18200] =	vst v63  }
0x592: {  	s29 =	sshll.u32 s31, $0x7;
	s31 =	sld [smem:$0x7F2];
	s30 =	sshra.s32 s26, $0x2  }
0x593: {  	s23 =	sand.u32 $0x380, s29;
	s24 =	sadd.s32 s30, s3  }
0x594: {  	s26 =	sld [smem:$0x7F3];
	s23 =	sadd.s32 s23, s24  }
0x595: {  	[tilespmem:s31], [sflag:$0x2] =	stream.linear.gather [spmem:s23], $0x80, $0x38;
	[tilespmem:$0x18200] =	vst v63  }
0x596: {  	s29 =	sld [smem:$0x7F4];
	s28 =	sadd.s32 $0x400, s23  }
0x597: {  	[tilespmem:s26], [sflag:$0x2] =	stream.linear.gather [spmem:s28], $0x80, $0x38;
	[tilespmem:$0x18200] =	vst v63  }
0x598: {  	s30 =	sadd.s32 $0x800, s23;
	s31 =	sld [smem:$0x7F5]  }
0x599: {  	[tilespmem:s29], [sflag:$0x2] =	stream.linear.gather [spmem:s30], $0x80, $0x38;
	[tilespmem:$0x18200] =	vst v63  }
0x59a: {  	s26 =	sadd.s32 $0xC00, s23;
	s28 =	sld [smem:$0x7F6]  }
0x59b: {  	[tilespmem:s31], [sflag:$0x2] =	stream.linear.gather [spmem:s26], $0x80, $0x38;
	[tilespmem:$0x18200] =	vst v63  }
0x59c: {  	s29 =	sadd.s32 $0x1000, s23  }
0x59d: {  	[tilespmem:s28], [sflag:$0x2] =	stream.linear.gather [spmem:s29], $0x80, $0x38;
	[tilespmem:$0x18200] =	vst v63  }
0x59e: {  	s30 =	sld [smem:$0x7F7];
	s31 =	spop (v2sf)  }
0x59f: {  	s28 =	sshrl.u32 s31, $0x3  }
0x5a0: {  	s23 =	sadd.s32 $0x1400, s23;
	s26 =	smul.u32 $0x6000, s28  }
0x5a1: {  	[tilespmem:s30], [sflag:$0x2] =	stream.linear.gather [spmem:s23], $0x80, $0x38;
	[tilespmem:$0x18200] =	vst v63  }
0x5a2: {  	s29 =	sshll.u32 s31, $0x7;
	s31 =	sld [smem:$0x7F8];
	s30 =	sshra.s32 s26, $0x2  }
0x5a3: {  	s23 =	sand.u32 $0x380, s29;
	s24 =	sadd.s32 s30, s3  }
0x5a4: {  	s26 =	sld [smem:$0x7F9];
	s23 =	sadd.s32 s23, s24  }
0x5a5: {  	[tilespmem:s31], [sflag:$0x2] =	stream.linear.gather [spmem:s23], $0x80, $0x38;
	[tilespmem:$0x18200] =	vst v63  }
0x5a6: {  	s29 =	sld [smem:$0x7FA];
	s28 =	sadd.s32 $0x400, s23  }
0x5a7: {  	[tilespmem:s26], [sflag:$0x2] =	stream.linear.gather [spmem:s28], $0x80, $0x38;
	[tilespmem:$0x18200] =	vst v63  }
0x5a8: {  	s30 =	sadd.s32 $0x800, s23;
	s31 =	sld [smem:$0x7FB]  }
0x5a9: {  	[tilespmem:s29], [sflag:$0x2] =	stream.linear.gather [spmem:s30], $0x80, $0x38;
	[tilespmem:$0x18200] =	vst v63  }
0x5aa: {  	s26 =	sadd.s32 $0xC00, s23;
	s28 =	sld [smem:$0x7FC]  }
0x5ab: {  	[tilespmem:s31], [sflag:$0x2] =	stream.linear.gather [spmem:s26], $0x80, $0x38;
	[tilespmem:$0x18200] =	vst v63  }
0x5ac: {  	s29 =	sadd.s32 $0x1000, s23;
	s30 =	sld [smem:$0x7FD]  }
0x5ad: {  	[tilespmem:s28], [sflag:$0x2] =	stream.linear.gather [spmem:s29], $0x80, $0x38;
	[tilespmem:$0x18200] =	vst v63  }
0x5ae: {  	s23 =	sadd.s32 $0x1400, s23  }
0x5af: {  	[tilespmem:s30], [sflag:$0x2] =	stream.linear.gather [spmem:s23], $0x80, $0x38;
	[tilespmem:$0x18200] =	vst v63  }
0x5b0: {  	_ =	swait.ge [sflag:s17], $0x6000  }
0x5b1: {  	s31 =	rddreg [dreg:$0x5]  }
0x5b2: {  	s23 =	sadd.s32 s22, s31;
	s22 =	sadd.s32 $0xC000, s22  }
0x5b3: {  	p0 =	sne.s32 s22, $0x60000  }
.Ltmp0:
0x5b4: {  	_ = 	snop;
	(pc) =	sbr.rel @p0 .LBB2_2-.Ltmp0, $4  }
0x5b5: {  	s23 =	sadd.s32 $0x6000, s23  }
0x5b6: {  	[sflag:s17] =	ssyncset.done $0x0;
	s23 =	sshrl.u32 s23, $0x3  }
0x5b7: {  	s21 =	sadd.s32 $0x40, s21;
	[sflag:s17] =	ssyncadd.s32 $0xFFFFA000;
	s23 =	sadd.s32 s1, s23  }
0x5b8: {  	[hbm4b:s23+s4] =	stream.linear.scatter [tilespmem:s16], [sflag:$0x4], $0x6000, $0x38;
	[tilespmem:$0x18200] =	vst v63  }
0x5b9: {  	s20 =	sadd.s32 $0x1, s20  }
0x5ba: {  	_ =	swait.ge [sflag:s18], $0x6000;
	p0 =	sne.s32 s20, s9  }
.Ltmp1:
0x5bb: {  	[sflag:s18] =	ssyncset.done $0x0;
	(pc) =	sbr.rel @p0 .LBB2_1-.Ltmp1, $4  }
0x5bc: {  	[sflag:s18] =	ssyncadd.s32 $0xFFFFA000  }
0x5bd: {  	_ =	swait.ge [sflag:s19], $0x6000  }
0x5be: {  	[sflag:s19] =	ssyncset.done $0x0  }
0x5bf: {  	[sflag:s19] =	ssyncadd.s32 $0xFFFFA000  }
0x5c0: {  	_ =	sfence.sel $0x180000  }
0x5c1: {  	[bflag:$0x0] =	sbarrier.arrive $0xFFFF  }
0x5c2: {  	p0 =	sne.s32 s0, $0x0;
	_ =	strace $0x90000047  }
0x5c3: {  	s0 =	sadd.s32 @!p0 $0x100000, s2;
	[bflag:$0x2] =	sbarrier.arrive $0xFFFF  }
0x5c4: {  	[sflag:s0] =	ssyncadd.tile.s32 @!p0 $0x1;
	_ =	shalt  }
.Lfunc_end2:
_tile_overlayer_lowered:
.L_overlay_start_2:
0x5c5: {  	(tag) =	ssettag $0x2  }
0x5c6: {  	s0 =	rddreg [dreg:$0x0];
	s2 =	stileid.u32  }
0x5c7: {  	s1 =	rddreg [dreg:$0x1];
	p0 =	sne.s32 s2, $0x0  }
0x5c8: {  	s3 =	rddreg [dreg:$0x2];
	[bflag:$0x3] =	sbarrier.arrive $0xFFFF;
	s2 =	simm.s32 @!p0 $0x1C05  }
0x5c9: {  	[timem:s3], [sflag:s2] =	dma.local @!p0 [hbm:s0], s1  }
0x5ca: {  	s0 =	simm.s32 @!p0 $0x5  }
0x5cb: {  	_ =	swait.ge @!p0 [sflag:s0], s1  }
0x5cc: {  	s1 =	ssub.s32 @!p0 $0x0, s1;
	[sflag:s0] =	ssyncset.done @!p0 $0x0  }
0x5cd: {  	[sflag:s0] =	ssyncadd.s32 @!p0 s1  }
0x5ce: {  	[bflag:$0x3] =	sbarrier.arrive $0xFFFF  }
0x5cf: {  	_ =	shalt  }

</sc_bundles>
